<compile_context>
chip_gen: v7x
topology: tpu7x:2x2x1
jax: 0.10.2.dev20260603
libtpu: 0.0.44.dev20260713+nightly
codegen_flags: <defaults>
</compile_context>

<pallas_src>
import functools

import jax
import jax.numpy as jnp
from jax import lax
from jax.experimental import pallas as pl
from jax.experimental.pallas import tpu as pltpu
from jax.experimental.pallas import tpu_sc as plsc

N = 10000
D = 256
E = 160000
HD = 128
NC = 2
NS = 16
CHUNK = 128

CHUNK_S = 128
EPT = -(-E // NS)
NCHUNK_S = 79
EPT_PAD = NCHUNK_S * CHUNK_S
E_PAD = NS * EPT_PAD

NW = NC * NS
EPW_DEG = -(-E // NW)
NCHUNK_DEG = -(-EPW_DEG // CHUNK)
EPW_DEG_PAD = NCHUNK_DEG * CHUNK
E_PAD_DEG = NW * EPW_DEG_PAD

NROW_SP = 10112
ZROWS = NROW_SP // NS
OROWS = 632
OROWS_LAST = N - (NS - 1) * OROWS


def _sc_degree_kernel(dst4, ones128, z128):
    mesh = plsc.VectorSubcoreMesh(core_axis_name="c", subcore_axis_name="s")

    @functools.partial(
        pl.kernel,
        out_type=jax.ShapeDtypeStruct((NC, N, HD), jnp.float32),
        mesh=mesh,
        scratch_types=[
            pltpu.VMEM((NCHUNK_DEG, CHUNK), jnp.int32),
            pltpu.VMEM((CHUNK, HD), jnp.float32),
            pltpu.VMEM_SHARED((NROW_SP, HD), jnp.float32),
        ],
    )
    def deg_kernel(dst_hbm, ones_hbm, z_hbm, out_hbm, dstv, buf, deg_sp):
        cid = lax.axis_index("c")
        sid = lax.axis_index("s")
        wid = cid * NS + sid
        pltpu.sync_copy(dst_hbm.at[wid], dstv)
        pltpu.sync_copy(z_hbm, buf)
        r0 = sid * ZROWS
        off = 0
        while off < ZROWS:
            sz = min(CHUNK, ZROWS - off)
            pltpu.sync_copy(buf.at[pl.ds(0, sz)], deg_sp.at[pl.ds(r0 + off, sz)])
            off += sz
        pltpu.sync_copy(ones_hbm, buf)
        plsc.subcore_barrier()

        def body(j, carry):
            pltpu.sync_copy(buf, deg_sp.at[dstv.at[j]], add=True)
            return carry

        lax.fori_loop(0, NCHUNK_DEG, body, 0)
        plsc.subcore_barrier()
        o0 = sid * OROWS

        @pl.when(sid != NS - 1)
        def _():
            pltpu.sync_copy(deg_sp.at[pl.ds(o0, OROWS)],
                            out_hbm.at[cid, pl.ds(o0, OROWS)])

        @pl.when(sid == NS - 1)
        def _():
            pltpu.sync_copy(deg_sp.at[pl.ds((NS - 1) * OROWS, OROWS_LAST)],
                            out_hbm.at[cid, pl.ds((NS - 1) * OROWS, OROWS_LAST)])

    return deg_kernel(dst4, ones128, z128)


def _sc_scatter_kernel(yy, src3, dst3, zz):
    mesh = plsc.VectorSubcoreMesh(core_axis_name="c", subcore_axis_name="s")

    @functools.partial(
        pl.kernel,
        out_type=jax.ShapeDtypeStruct((NC, N, HD), jnp.float32),
        mesh=mesh,
        scratch_types=[
            pltpu.VMEM((EPT_PAD,), jnp.int32),
            pltpu.VMEM((EPT_PAD,), jnp.int32),
            pltpu.VMEM((CHUNK_S, HD), jnp.float32),
            pltpu.VMEM_SHARED((NROW_SP, HD), jnp.float32),
        ],
    )
    def scatter_kernel(yy_hbm, src_hbm, dst_hbm, z_hbm, out_hbm,
                       srcv, dstv, buf0, agg_sp):
        cid = lax.axis_index("c")
        sid = lax.axis_index("s")
        pltpu.sync_copy(src_hbm.at[cid, sid], srcv)
        pltpu.sync_copy(dst_hbm.at[sid], dstv)
        pltpu.sync_copy(z_hbm, buf0)
        r0 = sid * ZROWS
        off = 0
        while off < ZROWS:
            sz = min(CHUNK_S, ZROWS - off)
            pltpu.sync_copy(buf0.at[pl.ds(0, sz)], agg_sp.at[pl.ds(r0 + off, sz)])
            off += sz
        plsc.subcore_barrier()

        def body(j, carry):
            pltpu.sync_copy(
                yy_hbm.at[srcv.at[pl.ds(j * CHUNK_S, CHUNK_S)]], buf0)
            pltpu.sync_copy(
                buf0, agg_sp.at[dstv.at[pl.ds(j * CHUNK_S, CHUNK_S)]],
                add=True)
            return carry

        lax.fori_loop(0, NCHUNK_S, body, 0)
        plsc.subcore_barrier()
        o0 = sid * OROWS

        @pl.when(sid != NS - 1)
        def _():
            pltpu.sync_copy(agg_sp.at[pl.ds(o0, OROWS)],
                            out_hbm.at[cid, pl.ds(o0, OROWS)])

        @pl.when(sid == NS - 1)
        def _():
            pltpu.sync_copy(agg_sp.at[pl.ds((NS - 1) * OROWS, OROWS_LAST)],
                            out_hbm.at[cid, pl.ds((NS - 1) * OROWS, OROWS_LAST)])

    return scatter_kernel(yy, src3, dst3, zz)


BN = 400


def _tc_prologue_body(x_ref, deg_ref, yy_ref):
    deg = deg_ref[0][:, :1] + deg_ref[1][:, :1]
    dis = lax.rsqrt(deg + 1.0)
    y = x_ref[...] * dis
    yy_ref[0] = y[:, :HD]
    yy_ref[1] = y[:, HD:]


def _tc_dense_body(x_ref, agg_ref, deg_ref, w_ref, o_ref, yy_ref):
    deg = deg_ref[0][:, :1] + deg_ref[1][:, :1]
    dis = lax.rsqrt(deg + 1.0)
    aggc = jnp.concatenate([agg_ref[0], agg_ref[1]], axis=1)
    t = (x_ref[...] + aggc) * dis
    o = lax.dot_general(t, w_ref[...], (((1,), (1,)), ((), ())),
                        preferred_element_type=jnp.float32)
    o = jnp.maximum(o, 0.0)
    o_ref[...] = o
    y = o * dis
    yy_ref[0] = y[:, :HD]
    yy_ref[1] = y[:, HD:]


def _tc_prologue(x, deg2):
    grid = (N // BN,)
    return pl.pallas_call(
        _tc_prologue_body,
        grid=grid,
        in_specs=[
            pl.BlockSpec((BN, D), lambda i: (i, 0)),
            pl.BlockSpec((NC, BN, HD), lambda i: (0, i, 0)),
        ],
        out_specs=pl.BlockSpec((NC, BN, HD), lambda i: (0, i, 0)),
        out_shape=jax.ShapeDtypeStruct((NC, N, HD), jnp.float32),
    )(x, deg2)


def _tc_dense(x, agg, deg2, w):
    grid = (N // BN,)
    return pl.pallas_call(
        _tc_dense_body,
        grid=grid,
        in_specs=[
            pl.BlockSpec((BN, D), lambda i: (i, 0)),
            pl.BlockSpec((NC, BN, HD), lambda i: (0, i, 0)),
            pl.BlockSpec((NC, BN, HD), lambda i: (0, i, 0)),
            pl.BlockSpec((D, D), lambda i: (0, 0)),
        ],
        out_specs=[
            pl.BlockSpec((BN, D), lambda i: (i, 0)),
            pl.BlockSpec((NC, BN, HD), lambda i: (0, i, 0)),
        ],
        out_shape=[
            jax.ShapeDtypeStruct((N, D), jnp.float32),
            jax.ShapeDtypeStruct((NC, N, HD), jnp.float32),
        ],
    )(x, agg, deg2, w)


def kernel(x, edge_index, W1, W2, W3):
    src = edge_index[0]
    dst = edge_index[1]
    src2 = jnp.concatenate(
        [src, jnp.zeros((E_PAD - E,), jnp.int32)]
    ).reshape(NS, EPT_PAD)
    src3 = jnp.stack([src2, src2 + N])
    dst3 = jnp.concatenate(
        [dst, jnp.full((E_PAD - E,), N, jnp.int32)]
    ).reshape(NS, EPT_PAD)
    dst4 = jnp.concatenate(
        [dst, jnp.full((E_PAD_DEG - E,), N, jnp.int32)]
    ).reshape(NW, NCHUNK_DEG, CHUNK)
    ones128 = jnp.ones((CHUNK, HD), jnp.float32)
    z128 = jnp.zeros((CHUNK, HD), jnp.float32)
    zz = jnp.zeros((CHUNK_S, HD), jnp.float32)

    deg2 = _sc_degree_kernel(dst4, ones128, z128)
    yy = _tc_prologue(x, deg2)
    x_cur = x
    for w in (W1, W2, W3):
        agg = _sc_scatter_kernel(yy.reshape(NC * N, HD), src3, dst3, zz)
        x_cur, yy = _tc_dense(x_cur, agg, deg2, w)
    return x_cur

# --- scband reference (transcript-rebuilt; emitter-appended) ---
"""Pipeline reference for scband-gcn-5007931867339 (READ-ONLY COPY).

The authoritative reference and input builder live on the scoring server;
editing this copy changes nothing except your own understanding.
"""

import jax, jax.numpy as jnp
import numpy as np

N = 10000
E = 160000
D = 256

def _xavier(key, out_dim, in_dim):
    bound = float(np.sqrt(6.0 / (in_dim + out_dim)))
    return jax.random.uniform(key, (out_dim, in_dim), minval=-bound, maxval=bound, dtype=jnp.float32)

def setup_inputs(seed: int = 0) -> dict:
    key = jax.random.key(seed)
    k1, k2, k3, k4, k5 = jax.random.split(key, 5)
    x = jax.random.normal(k1, (N, D), dtype=jnp.float32)
    edge_index = jax.random.randint(k2, (2, E), 0, N, dtype=jnp.int32)
    W1 = _xavier(k3, D, D)
    W2 = _xavier(k4, D, D)
    W3 = _xavier(k5, D, D)
    return {"x": x, "edge_index": edge_index, "W1": W1, "W2": W2, "W3": W3}

def _gcn_layer(x, src, dst, W):
    n = x.shape[0]
    deg = jnp.zeros((n,), dtype=x.dtype).at[dst].add(jnp.ones((dst.shape[0],), dtype=x.dtype))
    deg_inv_sqrt = (deg + 1.0) ** -0.5
    h = x * deg_inv_sqrt[:, None]
    agg = jnp.zeros((n, x.shape[1]), dtype=x.dtype).at[dst].add(h[src])
    agg = agg + x
    agg = agg * deg_inv_sqrt[:, None]
    return jax.nn.relu(agg @ W.T)

def reference(x, edge_index, W1, W2, W3):
    # Dropout is identity at inference time, so it is omitted.
    src = edge_index[0]
    dst = edge_index[1]
    h = _gcn_layer(x, src, dst, W1)
    h = _gcn_layer(h, src, dst, W2)
    h = _gcn_layer(h, src, dst, W3)
    return h

if __name__ == "__main__":
    import jax
    _d = setup_inputs()
    print(jax.jit(kernel)(*tuple(_d.values())))

</pallas_src>

<mosaic_0001>
#map = affine_map<(d0, d1) -> (0, 0)>
#map1 = affine_map<(d0, d1) -> (0, 0, 0)>
module attributes {stable_mosaic.version = 14 : i64} {
  func.func @scatter_kernel(%arg0: i32, %arg1: i32, %arg2: memref<20000x128xf32, #tpu.memory_space<hbm>>, %arg3: memref<2x16x10112xi32, #tpu.memory_space<hbm>>, %arg4: memref<16x10112xi32, #tpu.memory_space<hbm>>, %arg5: memref<128x128xf32, #tpu.memory_space<hbm>>, %arg6: memref<2x10000x128xf32, #tpu.memory_space<hbm>>, %arg7: memref<10112xi32, #tpu.memory_space<vmem>>, %arg8: memref<10112xi32, #tpu.memory_space<vmem>>, %arg9: memref<128x128xf32, #tpu.memory_space<vmem>>, %arg10: memref<10112x128xf32, #tpu.memory_space<vmem_shared>>) attributes {dimension_semantics = [#tpu.dimension_semantics<core_parallel>, #tpu.dimension_semantics<subcore_parallel>], iteration_bounds = array<i64: 2, 16>, scalar_prefetch = 0 : i64, scratch_operands = 4 : i64, tpu.core_type = #tpu.core_type<sc_vector_subcore>, window_params = [{transform_indices = #map}, {transform_indices = #map1}, {transform_indices = #map}, {transform_indices = #map}, {transform_indices = #map1}]} {
    "tpu.region"() ({
      %run_scoped3A = tpu.sem_alloc : memref<!tpu.dma_semaphore, #tpu.memory_space<semaphore_mem>>
      %dma_start3A = arith.constant 0 : i32
      %dma_start3A_24 = tpu.memref_slice %arg3[%arg0, %arg1, %dma_start3A] : memref<2x16x10112xi32, #tpu.memory_space<hbm>> -> memref<1x1x10112xi32, #tpu.memory_space<hbm>>
      %dma_start3A_25 = tpu.memref_squeeze %dma_start3A_24 : memref<1x1x10112xi32, #tpu.memory_space<hbm>> -> memref<10112xi32, #tpu.memory_space<hbm>>
      %dma_start3A_26 = arith.constant 0 : i32
      %dma_start3A_27 = tpu.memref_slice %arg3[%arg0, %arg1, %dma_start3A_26] : memref<2x16x10112xi32, #tpu.memory_space<hbm>> -> memref<1x1x10112xi32, #tpu.memory_space<hbm>>
      %dma_start3A_28 = tpu.memref_squeeze %dma_start3A_27 : memref<1x1x10112xi32, #tpu.memory_space<hbm>> -> memref<10112xi32, #tpu.memory_space<hbm>>
      tpu.enqueue_dma source(%dma_start3A_28 : memref<10112xi32, #tpu.memory_space<hbm>>) target(%arg7 : memref<10112xi32, #tpu.memory_space<vmem>>) target_semaphore(%run_scoped3A : memref<!tpu.dma_semaphore, #tpu.memory_space<semaphore_mem>>)
      %dma_wait3A = arith.constant 0 : i32
      %dma_wait3A_29 = tpu.memref_slice %arg3[%arg0, %arg1, %dma_wait3A] : memref<2x16x10112xi32, #tpu.memory_space<hbm>> -> memref<1x1x10112xi32, #tpu.memory_space<hbm>>
      %dma_wait3A_30 = tpu.memref_squeeze %dma_wait3A_29 : memref<1x1x10112xi32, #tpu.memory_space<hbm>> -> memref<10112xi32, #tpu.memory_space<hbm>>
      %dma_wait3A_31 = arith.constant 0 : i32
      %dma_wait3A_32 = tpu.memref_slice %arg3[%arg0, %arg1, %dma_wait3A_31] : memref<2x16x10112xi32, #tpu.memory_space<hbm>> -> memref<1x1x10112xi32, #tpu.memory_space<hbm>>
      %dma_wait3A_33 = tpu.memref_squeeze %dma_wait3A_32 : memref<1x1x10112xi32, #tpu.memory_space<hbm>> -> memref<10112xi32, #tpu.memory_space<hbm>>
      tpu.wait_dma2 semaphore(%run_scoped3A : memref<!tpu.dma_semaphore, #tpu.memory_space<semaphore_mem>>) src(%dma_wait3A_33 : memref<10112xi32, #tpu.memory_space<hbm>>) dst(%arg7 : memref<10112xi32, #tpu.memory_space<vmem>>)
      tpu.yield
    }) : () -> ()
    "tpu.region"() ({
      %run_scoped3A = tpu.sem_alloc : memref<!tpu.dma_semaphore, #tpu.memory_space<semaphore_mem>>
      %dma_start3A = arith.constant 0 : i32
      %dma_start3A_24 = tpu.memref_slice %arg4[%arg1, %dma_start3A] : memref<16x10112xi32, #tpu.memory_space<hbm>> -> memref<1x10112xi32, #tpu.memory_space<hbm>>
      %dma_start3A_25 = tpu.memref_squeeze %dma_start3A_24 : memref<1x10112xi32, #tpu.memory_space<hbm>> -> memref<10112xi32, #tpu.memory_space<hbm>>
      %dma_start3A_26 = arith.constant 0 : i32
      %dma_start3A_27 = tpu.memref_slice %arg4[%arg1, %dma_start3A_26] : memref<16x10112xi32, #tpu.memory_space<hbm>> -> memref<1x10112xi32, #tpu.memory_space<hbm>>
      %dma_start3A_28 = tpu.memref_squeeze %dma_start3A_27 : memref<1x10112xi32, #tpu.memory_space<hbm>> -> memref<10112xi32, #tpu.memory_space<hbm>>
      tpu.enqueue_dma source(%dma_start3A_28 : memref<10112xi32, #tpu.memory_space<hbm>>) target(%arg8 : memref<10112xi32, #tpu.memory_space<vmem>>) target_semaphore(%run_scoped3A : memref<!tpu.dma_semaphore, #tpu.memory_space<semaphore_mem>>)
      %dma_wait3A = arith.constant 0 : i32
      %dma_wait3A_29 = tpu.memref_slice %arg4[%arg1, %dma_wait3A] : memref<16x10112xi32, #tpu.memory_space<hbm>> -> memref<1x10112xi32, #tpu.memory_space<hbm>>
      %dma_wait3A_30 = tpu.memref_squeeze %dma_wait3A_29 : memref<1x10112xi32, #tpu.memory_space<hbm>> -> memref<10112xi32, #tpu.memory_space<hbm>>
      %dma_wait3A_31 = arith.constant 0 : i32
      %dma_wait3A_32 = tpu.memref_slice %arg4[%arg1, %dma_wait3A_31] : memref<16x10112xi32, #tpu.memory_space<hbm>> -> memref<1x10112xi32, #tpu.memory_space<hbm>>
      %dma_wait3A_33 = tpu.memref_squeeze %dma_wait3A_32 : memref<1x10112xi32, #tpu.memory_space<hbm>> -> memref<10112xi32, #tpu.memory_space<hbm>>
      tpu.wait_dma2 semaphore(%run_scoped3A : memref<!tpu.dma_semaphore, #tpu.memory_space<semaphore_mem>>) src(%dma_wait3A_33 : memref<10112xi32, #tpu.memory_space<hbm>>) dst(%arg8 : memref<10112xi32, #tpu.memory_space<vmem>>)
      tpu.yield
    }) : () -> ()
    "tpu.region"() ({
      %run_scoped3A = tpu.sem_alloc : memref<!tpu.dma_semaphore, #tpu.memory_space<semaphore_mem>>
      tpu.enqueue_dma source(%arg5 : memref<128x128xf32, #tpu.memory_space<hbm>>) target(%arg9 : memref<128x128xf32, #tpu.memory_space<vmem>>) target_semaphore(%run_scoped3A : memref<!tpu.dma_semaphore, #tpu.memory_space<semaphore_mem>>)
      tpu.wait_dma2 semaphore(%run_scoped3A : memref<!tpu.dma_semaphore, #tpu.memory_space<semaphore_mem>>) src(%arg5 : memref<128x128xf32, #tpu.memory_space<hbm>>) dst(%arg9 : memref<128x128xf32, #tpu.memory_space<vmem>>)
      tpu.yield
    }) : () -> ()
    %mul3A = arith.constant 632 : i32
    %mul3A_0 = arith.muli %arg1, %mul3A : i32
    %add3A = arith.constant 0 : i32
    %add3A_1 = arith.addi %mul3A_0, %add3A : i32
    "tpu.region"() ({
      %run_scoped3A = tpu.sem_alloc : memref<!tpu.dma_semaphore, #tpu.memory_space<semaphore_mem>>
      %dma_start3A = arith.constant 0 : i32
      %dma_start3A_24 = arith.constant 0 : i32
      %dma_start3A_25 = tpu.memref_slice %arg9[%dma_start3A, %dma_start3A_24] : memref<128x128xf32, #tpu.memory_space<vmem>> -> memref<128x128xf32, #tpu.memory_space<vmem>>
      %dma_start3A_26 = arith.constant 0 : i32
      %dma_start3A_27 = tpu.memref_slice %arg10[%add3A_1, %dma_start3A_26] : memref<10112x128xf32, #tpu.memory_space<vmem_shared>> -> memref<128x128xf32, #tpu.memory_space<vmem_shared>>
      %dma_start3A_28 = arith.constant 0 : i32
      %dma_start3A_29 = tpu.memref_slice %arg10[%add3A_1, %dma_start3A_28] : memref<10112x128xf32, #tpu.memory_space<vmem_shared>> -> memref<128x128xf32, #tpu.memory_space<vmem_shared>>
      %dma_start3A_30 = arith.constant 0 : i32
      %dma_start3A_31 = arith.constant 0 : i32
      %dma_start3A_32 = tpu.memref_slice %arg9[%dma_start3A_30, %dma_start3A_31] : memref<128x128xf32, #tpu.memory_space<vmem>> -> memref<128x128xf32, #tpu.memory_space<vmem>>
      tpu.enqueue_dma source(%dma_start3A_32 : memref<128x128xf32, #tpu.memory_space<vmem>>) target(%dma_start3A_29 : memref<128x128xf32, #tpu.memory_space<vmem_shared>>) target_semaphore(%run_scoped3A : memref<!tpu.dma_semaphore, #tpu.memory_space<semaphore_mem>>)
      %dma_wait3A = arith.constant 0 : i32
      %dma_wait3A_33 = arith.constant 0 : i32
      %dma_wait3A_34 = tpu.memref_slice %arg9[%dma_wait3A, %dma_wait3A_33] : memref<128x128xf32, #tpu.memory_space<vmem>> -> memref<128x128xf32, #tpu.memory_space<vmem>>
      %dma_wait3A_35 = arith.constant 0 : i32
      %dma_wait3A_36 = tpu.memref_slice %arg10[%add3A_1, %dma_wait3A_35] : memref<10112x128xf32, #tpu.memory_space<vmem_shared>> -> memref<128x128xf32, #tpu.memory_space<vmem_shared>>
      %dma_wait3A_37 = arith.constant 0 : i32
      %dma_wait3A_38 = tpu.memref_slice %arg10[%add3A_1, %dma_wait3A_37] : memref<10112x128xf32, #tpu.memory_space<vmem_shared>> -> memref<128x128xf32, #tpu.memory_space<vmem_shared>>
      %dma_wait3A_39 = arith.constant 0 : i32
      %dma_wait3A_40 = arith.constant 0 : i32
      %dma_wait3A_41 = tpu.memref_slice %arg9[%dma_wait3A_39, %dma_wait3A_40] : memref<128x128xf32, #tpu.memory_space<vmem>> -> memref<128x128xf32, #tpu.memory_space<vmem>>
      tpu.wait_dma2 semaphore(%run_scoped3A : memref<!tpu.dma_semaphore, #tpu.memory_space<semaphore_mem>>) src(%dma_wait3A_41 : memref<128x128xf32, #tpu.memory_space<vmem>>) dst(%dma_wait3A_38 : memref<128x128xf32, #tpu.memory_space<vmem_shared>>)
      tpu.yield
    }) : () -> ()
    %add3A_2 = arith.constant 128 : i32
    %add3A_3 = arith.addi %mul3A_0, %add3A_2 : i32
    "tpu.region"() ({
      %run_scoped3A = tpu.sem_alloc : memref<!tpu.dma_semaphore, #tpu.memory_space<semaphore_mem>>
      %dma_start3A = arith.constant 0 : i32
      %dma_start3A_24 = arith.constant 0 : i32
      %dma_start3A_25 = tpu.memref_slice %arg9[%dma_start3A, %dma_start3A_24] : memref<128x128xf32, #tpu.memory_space<vmem>> -> memref<128x128xf32, #tpu.memory_space<vmem>>
      %dma_start3A_26 = arith.constant 0 : i32
      %dma_start3A_27 = tpu.memref_slice %arg10[%add3A_3, %dma_start3A_26] : memref<10112x128xf32, #tpu.memory_space<vmem_shared>> -> memref<128x128xf32, #tpu.memory_space<vmem_shared>>
      %dma_start3A_28 = arith.constant 0 : i32
      %dma_start3A_29 = tpu.memref_slice %arg10[%add3A_3, %dma_start3A_28] : memref<10112x128xf32, #tpu.memory_space<vmem_shared>> -> memref<128x128xf32, #tpu.memory_space<vmem_shared>>
      %dma_start3A_30 = arith.constant 0 : i32
      %dma_start3A_31 = arith.constant 0 : i32
      %dma_start3A_32 = tpu.memref_slice %arg9[%dma_start3A_30, %dma_start3A_31] : memref<128x128xf32, #tpu.memory_space<vmem>> -> memref<128x128xf32, #tpu.memory_space<vmem>>
      tpu.enqueue_dma source(%dma_start3A_32 : memref<128x128xf32, #tpu.memory_space<vmem>>) target(%dma_start3A_29 : memref<128x128xf32, #tpu.memory_space<vmem_shared>>) target_semaphore(%run_scoped3A : memref<!tpu.dma_semaphore, #tpu.memory_space<semaphore_mem>>)
      %dma_wait3A = arith.constant 0 : i32
      %dma_wait3A_33 = arith.constant 0 : i32
      %dma_wait3A_34 = tpu.memref_slice %arg9[%dma_wait3A, %dma_wait3A_33] : memref<128x128xf32, #tpu.memory_space<vmem>> -> memref<128x128xf32, #tpu.memory_space<vmem>>
      %dma_wait3A_35 = arith.constant 0 : i32
      %dma_wait3A_36 = tpu.memref_slice %arg10[%add3A_3, %dma_wait3A_35] : memref<10112x128xf32, #tpu.memory_space<vmem_shared>> -> memref<128x128xf32, #tpu.memory_space<vmem_shared>>
      %dma_wait3A_37 = arith.constant 0 : i32
      %dma_wait3A_38 = tpu.memref_slice %arg10[%add3A_3, %dma_wait3A_37] : memref<10112x128xf32, #tpu.memory_space<vmem_shared>> -> memref<128x128xf32, #tpu.memory_space<vmem_shared>>
      %dma_wait3A_39 = arith.constant 0 : i32
      %dma_wait3A_40 = arith.constant 0 : i32
      %dma_wait3A_41 = tpu.memref_slice %arg9[%dma_wait3A_39, %dma_wait3A_40] : memref<128x128xf32, #tpu.memory_space<vmem>> -> memref<128x128xf32, #tpu.memory_space<vmem>>
      tpu.wait_dma2 semaphore(%run_scoped3A : memref<!tpu.dma_semaphore, #tpu.memory_space<semaphore_mem>>) src(%dma_wait3A_41 : memref<128x128xf32, #tpu.memory_space<vmem>>) dst(%dma_wait3A_38 : memref<128x128xf32, #tpu.memory_space<vmem_shared>>)
      tpu.yield
    }) : () -> ()
    %add3A_4 = arith.constant 256 : i32
    %add3A_5 = arith.addi %mul3A_0, %add3A_4 : i32
    "tpu.region"() ({
      %run_scoped3A = tpu.sem_alloc : memref<!tpu.dma_semaphore, #tpu.memory_space<semaphore_mem>>
      %dma_start3A = arith.constant 0 : i32
      %dma_start3A_24 = arith.constant 0 : i32
      %dma_start3A_25 = tpu.memref_slice %arg9[%dma_start3A, %dma_start3A_24] : memref<128x128xf32, #tpu.memory_space<vmem>> -> memref<128x128xf32, #tpu.memory_space<vmem>>
      %dma_start3A_26 = arith.constant 0 : i32
      %dma_start3A_27 = tpu.memref_slice %arg10[%add3A_5, %dma_start3A_26] : memref<10112x128xf32, #tpu.memory_space<vmem_shared>> -> memref<128x128xf32, #tpu.memory_space<vmem_shared>>
      %dma_start3A_28 = arith.constant 0 : i32
      %dma_start3A_29 = tpu.memref_slice %arg10[%add3A_5, %dma_start3A_28] : memref<10112x128xf32, #tpu.memory_space<vmem_shared>> -> memref<128x128xf32, #tpu.memory_space<vmem_shared>>
      %dma_start3A_30 = arith.constant 0 : i32
      %dma_start3A_31 = arith.constant 0 : i32
      %dma_start3A_32 = tpu.memref_slice %arg9[%dma_start3A_30, %dma_start3A_31] : memref<128x128xf32, #tpu.memory_space<vmem>> -> memref<128x128xf32, #tpu.memory_space<vmem>>
      tpu.enqueue_dma source(%dma_start3A_32 : memref<128x128xf32, #tpu.memory_space<vmem>>) target(%dma_start3A_29 : memref<128x128xf32, #tpu.memory_space<vmem_shared>>) target_semaphore(%run_scoped3A : memref<!tpu.dma_semaphore, #tpu.memory_space<semaphore_mem>>)
      %dma_wait3A = arith.constant 0 : i32
      %dma_wait3A_33 = arith.constant 0 : i32
      %dma_wait3A_34 = tpu.memref_slice %arg9[%dma_wait3A, %dma_wait3A_33] : memref<128x128xf32, #tpu.memory_space<vmem>> -> memref<128x128xf32, #tpu.memory_space<vmem>>
      %dma_wait3A_35 = arith.constant 0 : i32
      %dma_wait3A_36 = tpu.memref_slice %arg10[%add3A_5, %dma_wait3A_35] : memref<10112x128xf32, #tpu.memory_space<vmem_shared>> -> memref<128x128xf32, #tpu.memory_space<vmem_shared>>
      %dma_wait3A_37 = arith.constant 0 : i32
      %dma_wait3A_38 = tpu.memref_slice %arg10[%add3A_5, %dma_wait3A_37] : memref<10112x128xf32, #tpu.memory_space<vmem_shared>> -> memref<128x128xf32, #tpu.memory_space<vmem_shared>>
      %dma_wait3A_39 = arith.constant 0 : i32
      %dma_wait3A_40 = arith.constant 0 : i32
      %dma_wait3A_41 = tpu.memref_slice %arg9[%dma_wait3A_39, %dma_wait3A_40] : memref<128x128xf32, #tpu.memory_space<vmem>> -> memref<128x128xf32, #tpu.memory_space<vmem>>
      tpu.wait_dma2 semaphore(%run_scoped3A : memref<!tpu.dma_semaphore, #tpu.memory_space<semaphore_mem>>) src(%dma_wait3A_41 : memref<128x128xf32, #tpu.memory_space<vmem>>) dst(%dma_wait3A_38 : memref<128x128xf32, #tpu.memory_space<vmem_shared>>)
      tpu.yield
    }) : () -> ()
    %add3A_6 = arith.constant 384 : i32
    %add3A_7 = arith.addi %mul3A_0, %add3A_6 : i32
    "tpu.region"() ({
      %run_scoped3A = tpu.sem_alloc : memref<!tpu.dma_semaphore, #tpu.memory_space<semaphore_mem>>
      %dma_start3A = arith.constant 0 : i32
      %dma_start3A_24 = arith.constant 0 : i32
      %dma_start3A_25 = tpu.memref_slice %arg9[%dma_start3A, %dma_start3A_24] : memref<128x128xf32, #tpu.memory_space<vmem>> -> memref<128x128xf32, #tpu.memory_space<vmem>>
      %dma_start3A_26 = arith.constant 0 : i32
      %dma_start3A_27 = tpu.memref_slice %arg10[%add3A_7, %dma_start3A_26] : memref<10112x128xf32, #tpu.memory_space<vmem_shared>> -> memref<128x128xf32, #tpu.memory_space<vmem_shared>>
      %dma_start3A_28 = arith.constant 0 : i32
      %dma_start3A_29 = tpu.memref_slice %arg10[%add3A_7, %dma_start3A_28] : memref<10112x128xf32, #tpu.memory_space<vmem_shared>> -> memref<128x128xf32, #tpu.memory_space<vmem_shared>>
      %dma_start3A_30 = arith.constant 0 : i32
      %dma_start3A_31 = arith.constant 0 : i32
      %dma_start3A_32 = tpu.memref_slice %arg9[%dma_start3A_30, %dma_start3A_31] : memref<128x128xf32, #tpu.memory_space<vmem>> -> memref<128x128xf32, #tpu.memory_space<vmem>>
      tpu.enqueue_dma source(%dma_start3A_32 : memref<128x128xf32, #tpu.memory_space<vmem>>) target(%dma_start3A_29 : memref<128x128xf32, #tpu.memory_space<vmem_shared>>) target_semaphore(%run_scoped3A : memref<!tpu.dma_semaphore, #tpu.memory_space<semaphore_mem>>)
      %dma_wait3A = arith.constant 0 : i32
      %dma_wait3A_33 = arith.constant 0 : i32
      %dma_wait3A_34 = tpu.memref_slice %arg9[%dma_wait3A, %dma_wait3A_33] : memref<128x128xf32, #tpu.memory_space<vmem>> -> memref<128x128xf32, #tpu.memory_space<vmem>>
      %dma_wait3A_35 = arith.constant 0 : i32
      %dma_wait3A_36 = tpu.memref_slice %arg10[%add3A_7, %dma_wait3A_35] : memref<10112x128xf32, #tpu.memory_space<vmem_shared>> -> memref<128x128xf32, #tpu.memory_space<vmem_shared>>
      %dma_wait3A_37 = arith.constant 0 : i32
      %dma_wait3A_38 = tpu.memref_slice %arg10[%add3A_7, %dma_wait3A_37] : memref<10112x128xf32, #tpu.memory_space<vmem_shared>> -> memref<128x128xf32, #tpu.memory_space<vmem_shared>>
      %dma_wait3A_39 = arith.constant 0 : i32
      %dma_wait3A_40 = arith.constant 0 : i32
      %dma_wait3A_41 = tpu.memref_slice %arg9[%dma_wait3A_39, %dma_wait3A_40] : memref<128x128xf32, #tpu.memory_space<vmem>> -> memref<128x128xf32, #tpu.memory_space<vmem>>
      tpu.wait_dma2 semaphore(%run_scoped3A : memref<!tpu.dma_semaphore, #tpu.memory_space<semaphore_mem>>) src(%dma_wait3A_41 : memref<128x128xf32, #tpu.memory_space<vmem>>) dst(%dma_wait3A_38 : memref<128x128xf32, #tpu.memory_space<vmem_shared>>)
      tpu.yield
    }) : () -> ()
    %add3A_8 = arith.constant 512 : i32
    %add3A_9 = arith.addi %mul3A_0, %add3A_8 : i32
    "tpu.region"() ({
      %run_scoped3A = tpu.sem_alloc : memref<!tpu.dma_semaphore, #tpu.memory_space<semaphore_mem>>
      %dma_start3A = arith.constant 0 : i32
      %dma_start3A_24 = arith.constant 0 : i32
      %dma_start3A_25 = tpu.memref_slice %arg9[%dma_start3A, %dma_start3A_24] : memref<128x128xf32, #tpu.memory_space<vmem>> -> memref<120x128xf32, #tpu.memory_space<vmem>>
      %dma_start3A_26 = arith.constant 0 : i32
      %dma_start3A_27 = tpu.memref_slice %arg10[%add3A_9, %dma_start3A_26] : memref<10112x128xf32, #tpu.memory_space<vmem_shared>> -> memref<120x128xf32, #tpu.memory_space<vmem_shared>>
      %dma_start3A_28 = arith.constant 0 : i32
      %dma_start3A_29 = tpu.memref_slice %arg10[%add3A_9, %dma_start3A_28] : memref<10112x128xf32, #tpu.memory_space<vmem_shared>> -> memref<120x128xf32, #tpu.memory_space<vmem_shared>>
      %dma_start3A_30 = arith.constant 0 : i32
      %dma_start3A_31 = arith.constant 0 : i32
      %dma_start3A_32 = tpu.memref_slice %arg9[%dma_start3A_30, %dma_start3A_31] : memref<128x128xf32, #tpu.memory_space<vmem>> -> memref<120x128xf32, #tpu.memory_space<vmem>>
      tpu.enqueue_dma source(%dma_start3A_32 : memref<120x128xf32, #tpu.memory_space<vmem>>) target(%dma_start3A_29 : memref<120x128xf32, #tpu.memory_space<vmem_shared>>) target_semaphore(%run_scoped3A : memref<!tpu.dma_semaphore, #tpu.memory_space<semaphore_mem>>)
      %dma_wait3A = arith.constant 0 : i32
      %dma_wait3A_33 = arith.constant 0 : i32
      %dma_wait3A_34 = tpu.memref_slice %arg9[%dma_wait3A, %dma_wait3A_33] : memref<128x128xf32, #tpu.memory_space<vmem>> -> memref<120x128xf32, #tpu.memory_space<vmem>>
      %dma_wait3A_35 = arith.constant 0 : i32
      %dma_wait3A_36 = tpu.memref_slice %arg10[%add3A_9, %dma_wait3A_35] : memref<10112x128xf32, #tpu.memory_space<vmem_shared>> -> memref<120x128xf32, #tpu.memory_space<vmem_shared>>
      %dma_wait3A_37 = arith.constant 0 : i32
      %dma_wait3A_38 = tpu.memref_slice %arg10[%add3A_9, %dma_wait3A_37] : memref<10112x128xf32, #tpu.memory_space<vmem_shared>> -> memref<120x128xf32, #tpu.memory_space<vmem_shared>>
      %dma_wait3A_39 = arith.constant 0 : i32
      %dma_wait3A_40 = arith.constant 0 : i32
      %dma_wait3A_41 = tpu.memref_slice %arg9[%dma_wait3A_39, %dma_wait3A_40] : memref<128x128xf32, #tpu.memory_space<vmem>> -> memref<120x128xf32, #tpu.memory_space<vmem>>
      tpu.wait_dma2 semaphore(%run_scoped3A : memref<!tpu.dma_semaphore, #tpu.memory_space<semaphore_mem>>) src(%dma_wait3A_41 : memref<120x128xf32, #tpu.memory_space<vmem>>) dst(%dma_wait3A_38 : memref<120x128xf32, #tpu.memory_space<vmem_shared>>)
      tpu.yield
    }) : () -> ()
    %barrier3A = arith.constant 0 : index
    tpu.barrier barrier_id(%barrier3A)
    %scan3A = arith.constant 0 : i32
    %scan3A_10 = arith.constant 0 : i32
    %scan3A_11 = arith.constant 79 : i32
    %scan3A_12 = arith.addi %scan3A_10, %scan3A_11 : i32
    %scan3A_13 = arith.constant 1 : i32
    scf.for %scan3A_24 = %scan3A_10 to %scan3A_12 step %scan3A_13  : i32 {
      %mul3A_25 = arith.constant 128 : i32
      %mul3A_26 = arith.muli %scan3A_24, %mul3A_25 : i32
      "tpu.region"() ({
        %run_scoped3A = tpu.sem_alloc : memref<!tpu.dma_semaphore, #tpu.memory_space<semaphore_mem>>
        %dma_start3A = tpu.memref_slice %arg7[%mul3A_26] : memref<10112xi32, #tpu.memory_space<vmem>> -> memref<128xi32, #tpu.memory_space<vmem>>
        %dma_start3A_29 = arith.constant 0 : i32
        %dma_start3A_30 = arith.constant 0 : i32
        %dma_start3A_31 = tpu.memref_slice %arg2[%dma_start3A_29, %dma_start3A_30] : memref<20000x128xf32, #tpu.memory_space<hbm>> -> memref<20000x128xf32, #tpu.memory_space<hbm>>
        tpu.enqueue_indirect_dma source(%dma_start3A_31 : memref<20000x128xf32, #tpu.memory_space<hbm>>) target(%arg9 : memref<128x128xf32, #tpu.memory_space<vmem>>) offsets(%dma_start3A : memref<128xi32, #tpu.memory_space<vmem>>) semaphore(%run_scoped3A : memref<!tpu.dma_semaphore, #tpu.memory_space<semaphore_mem>>)
        %dma_wait3A = tpu.memref_slice %arg7[%mul3A_26] : memref<10112xi32, #tpu.memory_space<vmem>> -> memref<128xi32, #tpu.memory_space<vmem>>
        %dma_wait3A_32 = arith.constant 0 : i32
        %dma_wait3A_33 = arith.constant 0 : i32
        %dma_wait3A_34 = tpu.memref_slice %arg2[%dma_wait3A_32, %dma_wait3A_33] : memref<20000x128xf32, #tpu.memory_space<hbm>> -> memref<20000x128xf32, #tpu.memory_space<hbm>>
        tpu.wait_indirect_dma semaphore(%run_scoped3A : memref<!tpu.dma_semaphore, #tpu.memory_space<semaphore_mem>>) src(%dma_wait3A_34 : memref<20000x128xf32, #tpu.memory_space<hbm>>) dst(%arg9 : memref<128x128xf32, #tpu.memory_space<vmem>>)
        tpu.yield
      }) : () -> ()
      %mul3A_27 = arith.constant 128 : i32
      %mul3A_28 = arith.muli %scan3A_24, %mul3A_27 : i32
      "tpu.region"() ({
        %run_scoped3A = tpu.sem_alloc : memref<!tpu.dma_semaphore, #tpu.memory_space<semaphore_mem>>
        %dma_start3A = tpu.memref_slice %arg8[%mul3A_28] : memref<10112xi32, #tpu.memory_space<vmem>> -> memref<128xi32, #tpu.memory_space<vmem>>
        %dma_start3A_29 = arith.constant 0 : i32
        %dma_start3A_30 = arith.constant 0 : i32
        %dma_start3A_31 = tpu.memref_slice %arg10[%dma_start3A_29, %dma_start3A_30] : memref<10112x128xf32, #tpu.memory_space<vmem_shared>> -> memref<10112x128xf32, #tpu.memory_space<vmem_shared>>
        tpu.enqueue_indirect_dma source(%arg9 : memref<128x128xf32, #tpu.memory_space<vmem>>) target(%dma_start3A_31 : memref<10112x128xf32, #tpu.memory_space<vmem_shared>>) offsets(%dma_start3A : memref<128xi32, #tpu.memory_space<vmem>>) semaphore(%run_scoped3A : memref<!tpu.dma_semaphore, #tpu.memory_space<semaphore_mem>>) {add = true}
        %dma_wait3A = tpu.memref_slice %arg8[%mul3A_28] : memref<10112xi32, #tpu.memory_space<vmem>> -> memref<128xi32, #tpu.memory_space<vmem>>
        %dma_wait3A_32 = arith.constant 0 : i32
        %dma_wait3A_33 = arith.constant 0 : i32
        %dma_wait3A_34 = tpu.memref_slice %arg10[%dma_wait3A_32, %dma_wait3A_33] : memref<10112x128xf32, #tpu.memory_space<vmem_shared>> -> memref<10112x128xf32, #tpu.memory_space<vmem_shared>>
        tpu.wait_indirect_dma semaphore(%run_scoped3A : memref<!tpu.dma_semaphore, #tpu.memory_space<semaphore_mem>>) src(%arg9 : memref<128x128xf32, #tpu.memory_space<vmem>>) dst(%dma_wait3A_34 : memref<10112x128xf32, #tpu.memory_space<vmem_shared>>)
        tpu.yield
      }) : () -> ()
    }
    %scan3A_14 = arith.constant 79 : i32
    %barrier3A_15 = arith.constant 0 : index
    tpu.barrier barrier_id(%barrier3A_15)
    %mul3A_16 = arith.constant 632 : i32
    %mul3A_17 = arith.muli %arg1, %mul3A_16 : i32
    %ne3A = arith.constant 15 : i32
    %ne3A_18 = arith.cmpi ne, %arg1, %ne3A : i32
    %convert_element_type3A = arith.extui %ne3A_18 : i1 to i32
    %cond3A = arith.constant 0 : i32
    %cond3A_19 = arith.cmpi ne, %convert_element_type3A, %cond3A : i32
    scf.if %cond3A_19 {
      "tpu.region"() ({
        %run_scoped3A = tpu.sem_alloc : memref<!tpu.dma_semaphore, #tpu.memory_space<semaphore_mem>>
        %dma_start3A = arith.constant 0 : i32
        %dma_start3A_24 = tpu.memref_slice %arg6[%arg0, %mul3A_17, %dma_start3A] : memref<2x10000x128xf32, #tpu.memory_space<hbm>> -> memref<1x632x128xf32, #tpu.memory_space<hbm>>
        %dma_start3A_25 = tpu.memref_squeeze %dma_start3A_24 : memref<1x632x128xf32, #tpu.memory_space<hbm>> -> memref<632x128xf32, #tpu.memory_space<hbm>>
        %dma_start3A_26 = arith.constant 0 : i32
        %dma_start3A_27 = tpu.memref_slice %arg10[%mul3A_17, %dma_start3A_26] : memref<10112x128xf32, #tpu.memory_space<vmem_shared>> -> memref<632x128xf32, #tpu.memory_space<vmem_shared>>
        tpu.enqueue_dma source(%dma_start3A_27 : memref<632x128xf32, #tpu.memory_space<vmem_shared>>) target(%dma_start3A_25 : memref<632x128xf32, #tpu.memory_space<hbm>>) target_semaphore(%run_scoped3A : memref<!tpu.dma_semaphore, #tpu.memory_space<semaphore_mem>>)
        %dma_wait3A = arith.constant 0 : i32
        %dma_wait3A_28 = tpu.memref_slice %arg6[%arg0, %mul3A_17, %dma_wait3A] : memref<2x10000x128xf32, #tpu.memory_space<hbm>> -> memref<1x632x128xf32, #tpu.memory_space<hbm>>
        %dma_wait3A_29 = tpu.memref_squeeze %dma_wait3A_28 : memref<1x632x128xf32, #tpu.memory_space<hbm>> -> memref<632x128xf32, #tpu.memory_space<hbm>>
        %dma_wait3A_30 = arith.constant 0 : i32
        %dma_wait3A_31 = tpu.memref_slice %arg10[%mul3A_17, %dma_wait3A_30] : memref<10112x128xf32, #tpu.memory_space<vmem_shared>> -> memref<632x128xf32, #tpu.memory_space<vmem_shared>>
        tpu.wait_dma2 semaphore(%run_scoped3A : memref<!tpu.dma_semaphore, #tpu.memory_space<semaphore_mem>>) src(%dma_wait3A_31 : memref<632x128xf32, #tpu.memory_space<vmem_shared>>) dst(%dma_wait3A_29 : memref<632x128xf32, #tpu.memory_space<hbm>>)
        tpu.yield
      }) : () -> ()
    } else {
    }
    %eq3A = arith.constant 15 : i32
    %eq3A_20 = arith.cmpi eq, %arg1, %eq3A : i32
    %convert_element_type3A_21 = arith.extui %eq3A_20 : i1 to i32
    %cond3A_22 = arith.constant 0 : i32
    %cond3A_23 = arith.cmpi ne, %convert_element_type3A_21, %cond3A_22 : i32
    scf.if %cond3A_23 {
      "tpu.region"() ({
        %run_scoped3A = tpu.sem_alloc : memref<!tpu.dma_semaphore, #tpu.memory_space<semaphore_mem>>
        %dma_start3A = arith.constant 9480 : i32
        %dma_start3A_24 = arith.constant 0 : i32
        %dma_start3A_25 = tpu.memref_slice %arg6[%arg0, %dma_start3A, %dma_start3A_24] : memref<2x10000x128xf32, #tpu.memory_space<hbm>> -> memref<1x520x128xf32, #tpu.memory_space<hbm>>
        %dma_start3A_26 = tpu.memref_squeeze %dma_start3A_25 : memref<1x520x128xf32, #tpu.memory_space<hbm>> -> memref<520x128xf32, #tpu.memory_space<hbm>>
        %dma_start3A_27 = arith.constant 9480 : i32
        %dma_start3A_28 = arith.constant 0 : i32
        %dma_start3A_29 = tpu.memref_slice %arg10[%dma_start3A_27, %dma_start3A_28] : memref<10112x128xf32, #tpu.memory_space<vmem_shared>> -> memref<520x128xf32, #tpu.memory_space<vmem_shared>>
        tpu.enqueue_dma source(%dma_start3A_29 : memref<520x128xf32, #tpu.memory_space<vmem_shared>>) target(%dma_start3A_26 : memref<520x128xf32, #tpu.memory_space<hbm>>) target_semaphore(%run_scoped3A : memref<!tpu.dma_semaphore, #tpu.memory_space<semaphore_mem>>)
        %dma_wait3A = arith.constant 9480 : i32
        %dma_wait3A_30 = arith.constant 0 : i32
        %dma_wait3A_31 = tpu.memref_slice %arg6[%arg0, %dma_wait3A, %dma_wait3A_30] : memref<2x10000x128xf32, #tpu.memory_space<hbm>> -> memref<1x520x128xf32, #tpu.memory_space<hbm>>
        %dma_wait3A_32 = tpu.memref_squeeze %dma_wait3A_31 : memref<1x520x128xf32, #tpu.memory_space<hbm>> -> memref<520x128xf32, #tpu.memory_space<hbm>>
        %dma_wait3A_33 = arith.constant 9480 : i32
        %dma_wait3A_34 = arith.constant 0 : i32
        %dma_wait3A_35 = tpu.memref_slice %arg10[%dma_wait3A_33, %dma_wait3A_34] : memref<10112x128xf32, #tpu.memory_space<vmem_shared>> -> memref<520x128xf32, #tpu.memory_space<vmem_shared>>
        tpu.wait_dma2 semaphore(%run_scoped3A : memref<!tpu.dma_semaphore, #tpu.memory_space<semaphore_mem>>) src(%dma_wait3A_35 : memref<520x128xf32, #tpu.memory_space<vmem_shared>>) dst(%dma_wait3A_32 : memref<520x128xf32, #tpu.memory_space<hbm>>)
        tpu.yield
      }) : () -> ()
    } else {
    }
    return
  }
}

#map = affine_map<(d0, d1) -> (0, 0)>
#map1 = affine_map<(d0, d1) -> (0, 0, 0)>
module attributes {stable_mosaic.version = 14 : i64} {
  func.func @scatter_kernel(%arg0: i32, %arg1: i32, %arg2: memref<20000x128xf32, #tpu.memory_space<hbm>>, %arg3: memref<2x16x10112xi32, #tpu.memory_space<hbm>>, %arg4: memref<16x10112xi32, #tpu.memory_space<hbm>>, %arg5: memref<128x128xf32, #tpu.memory_space<hbm>>, %arg6: memref<2x10000x128xf32, #tpu.memory_space<hbm>>, %arg7: memref<10112xi32, #tpu.memory_space<vmem>>, %arg8: memref<10112xi32, #tpu.memory_space<vmem>>, %arg9: memref<128x128xf32, #tpu.memory_space<vmem>>, %arg10: memref<10112x128xf32, #tpu.memory_space<vmem_shared>>) attributes {dimension_semantics = [#tpu.dimension_semantics<core_parallel>, #tpu.dimension_semantics<subcore_parallel>], iteration_bounds = array<i64: 2, 16>, scalar_prefetch = 0 : i64, scratch_operands = 4 : i64, tpu.core_type = #tpu.core_type<sc_vector_subcore>, window_params = [{transform_indices = #map}, {transform_indices = #map1}, {transform_indices = #map}, {transform_indices = #map}, {transform_indices = #map1}]} {
    "tpu.region"() ({
      %run_scoped3A = tpu.sem_alloc : memref<!tpu.dma_semaphore, #tpu.memory_space<semaphore_mem>>
      %dma_start3A = arith.constant 0 : i32
      %dma_start3A_24 = tpu.memref_slice %arg3[%arg0, %arg1, %dma_start3A] : memref<2x16x10112xi32, #tpu.memory_space<hbm>> -> memref<1x1x10112xi32, #tpu.memory_space<hbm>>
      %dma_start3A_25 = tpu.memref_squeeze %dma_start3A_24 : memref<1x1x10112xi32, #tpu.memory_space<hbm>> -> memref<10112xi32, #tpu.memory_space<hbm>>
      %dma_start3A_26 = arith.constant 0 : i32
      %dma_start3A_27 = tpu.memref_slice %arg3[%arg0, %arg1, %dma_start3A_26] : memref<2x16x10112xi32, #tpu.memory_space<hbm>> -> memref<1x1x10112xi32, #tpu.memory_space<hbm>>
      %dma_start3A_28 = tpu.memref_squeeze %dma_start3A_27 : memref<1x1x10112xi32, #tpu.memory_space<hbm>> -> memref<10112xi32, #tpu.memory_space<hbm>>
      tpu.enqueue_dma source(%dma_start3A_28 : memref<10112xi32, #tpu.memory_space<hbm>>) target(%arg7 : memref<10112xi32, #tpu.memory_space<vmem>>) target_semaphore(%run_scoped3A : memref<!tpu.dma_semaphore, #tpu.memory_space<semaphore_mem>>)
      %dma_wait3A = arith.constant 0 : i32
      %dma_wait3A_29 = tpu.memref_slice %arg3[%arg0, %arg1, %dma_wait3A] : memref<2x16x10112xi32, #tpu.memory_space<hbm>> -> memref<1x1x10112xi32, #tpu.memory_space<hbm>>
      %dma_wait3A_30 = tpu.memref_squeeze %dma_wait3A_29 : memref<1x1x10112xi32, #tpu.memory_space<hbm>> -> memref<10112xi32, #tpu.memory_space<hbm>>
      %dma_wait3A_31 = arith.constant 0 : i32
      %dma_wait3A_32 = tpu.memref_slice %arg3[%arg0, %arg1, %dma_wait3A_31] : memref<2x16x10112xi32, #tpu.memory_space<hbm>> -> memref<1x1x10112xi32, #tpu.memory_space<hbm>>
      %dma_wait3A_33 = tpu.memref_squeeze %dma_wait3A_32 : memref<1x1x10112xi32, #tpu.memory_space<hbm>> -> memref<10112xi32, #tpu.memory_space<hbm>>
      tpu.wait_dma2 semaphore(%run_scoped3A : memref<!tpu.dma_semaphore, #tpu.memory_space<semaphore_mem>>) src(%dma_wait3A_33 : memref<10112xi32, #tpu.memory_space<hbm>>) dst(%arg7 : memref<10112xi32, #tpu.memory_space<vmem>>)
      tpu.yield
    }) : () -> ()
    "tpu.region"() ({
      %run_scoped3A = tpu.sem_alloc : memref<!tpu.dma_semaphore, #tpu.memory_space<semaphore_mem>>
      %dma_start3A = arith.constant 0 : i32
      %dma_start3A_24 = tpu.memref_slice %arg4[%arg1, %dma_start3A] : memref<16x10112xi32, #tpu.memory_space<hbm>> -> memref<1x10112xi32, #tpu.memory_space<hbm>>
      %dma_start3A_25 = tpu.memref_squeeze %dma_start3A_24 : memref<1x10112xi32, #tpu.memory_space<hbm>> -> memref<10112xi32, #tpu.memory_space<hbm>>
      %dma_start3A_26 = arith.constant 0 : i32
      %dma_start3A_27 = tpu.memref_slice %arg4[%arg1, %dma_start3A_26] : memref<16x10112xi32, #tpu.memory_space<hbm>> -> memref<1x10112xi32, #tpu.memory_space<hbm>>
      %dma_start3A_28 = tpu.memref_squeeze %dma_start3A_27 : memref<1x10112xi32, #tpu.memory_space<hbm>> -> memref<10112xi32, #tpu.memory_space<hbm>>
      tpu.enqueue_dma source(%dma_start3A_28 : memref<10112xi32, #tpu.memory_space<hbm>>) target(%arg8 : memref<10112xi32, #tpu.memory_space<vmem>>) target_semaphore(%run_scoped3A : memref<!tpu.dma_semaphore, #tpu.memory_space<semaphore_mem>>)
      %dma_wait3A = arith.constant 0 : i32
      %dma_wait3A_29 = tpu.memref_slice %arg4[%arg1, %dma_wait3A] : memref<16x10112xi32, #tpu.memory_space<hbm>> -> memref<1x10112xi32, #tpu.memory_space<hbm>>
      %dma_wait3A_30 = tpu.memref_squeeze %dma_wait3A_29 : memref<1x10112xi32, #tpu.memory_space<hbm>> -> memref<10112xi32, #tpu.memory_space<hbm>>
      %dma_wait3A_31 = arith.constant 0 : i32
      %dma_wait3A_32 = tpu.memref_slice %arg4[%arg1, %dma_wait3A_31] : memref<16x10112xi32, #tpu.memory_space<hbm>> -> memref<1x10112xi32, #tpu.memory_space<hbm>>
      %dma_wait3A_33 = tpu.memref_squeeze %dma_wait3A_32 : memref<1x10112xi32, #tpu.memory_space<hbm>> -> memref<10112xi32, #tpu.memory_space<hbm>>
      tpu.wait_dma2 semaphore(%run_scoped3A : memref<!tpu.dma_semaphore, #tpu.memory_space<semaphore_mem>>) src(%dma_wait3A_33 : memref<10112xi32, #tpu.memory_space<hbm>>) dst(%arg8 : memref<10112xi32, #tpu.memory_space<vmem>>)
      tpu.yield
    }) : () -> ()
    "tpu.region"() ({
      %run_scoped3A = tpu.sem_alloc : memref<!tpu.dma_semaphore, #tpu.memory_space<semaphore_mem>>
      tpu.enqueue_dma source(%arg5 : memref<128x128xf32, #tpu.memory_space<hbm>>) target(%arg9 : memref<128x128xf32, #tpu.memory_space<vmem>>) target_semaphore(%run_scoped3A : memref<!tpu.dma_semaphore, #tpu.memory_space<semaphore_mem>>)
      tpu.wait_dma2 semaphore(%run_scoped3A : memref<!tpu.dma_semaphore, #tpu.memory_space<semaphore_mem>>) src(%arg5 : memref<128x128xf32, #tpu.memory_space<hbm>>) dst(%arg9 : memref<128x128xf32, #tpu.memory_space<vmem>>)
      tpu.yield
    }) : () -> ()
    %mul3A = arith.constant 632 : i32
    %mul3A_0 = arith.muli %arg1, %mul3A : i32
    %add3A = arith.constant 0 : i32
    %add3A_1 = arith.addi %mul3A_0, %add3A : i32
    "tpu.region"() ({
      %run_scoped3A = tpu.sem_alloc : memref<!tpu.dma_semaphore, #tpu.memory_space<semaphore_mem>>
      %dma_start3A = arith.constant 0 : i32
      %dma_start3A_24 = arith.constant 0 : i32
      %dma_start3A_25 = tpu.memref_slice %arg9[%dma_start3A, %dma_start3A_24] : memref<128x128xf32, #tpu.memory_space<vmem>> -> memref<128x128xf32, #tpu.memory_space<vmem>>
      %dma_start3A_26 = arith.constant 0 : i32
      %dma_start3A_27 = tpu.memref_slice %arg10[%add3A_1, %dma_start3A_26] : memref<10112x128xf32, #tpu.memory_space<vmem_shared>> -> memref<128x128xf32, #tpu.memory_space<vmem_shared>>
      %dma_start3A_28 = arith.constant 0 : i32
      %dma_start3A_29 = tpu.memref_slice %arg10[%add3A_1, %dma_start3A_28] : memref<10112x128xf32, #tpu.memory_space<vmem_shared>> -> memref<128x128xf32, #tpu.memory_space<vmem_shared>>
      %dma_start3A_30 = arith.constant 0 : i32
      %dma_start3A_31 = arith.constant 0 : i32
      %dma_start3A_32 = tpu.memref_slice %arg9[%dma_start3A_30, %dma_start3A_31] : memref<128x128xf32, #tpu.memory_space<vmem>> -> memref<128x128xf32, #tpu.memory_space<vmem>>
      tpu.enqueue_dma source(%dma_start3A_32 : memref<128x128xf32, #tpu.memory_space<vmem>>) target(%dma_start3A_29 : memref<128x128xf32, #tpu.memory_space<vmem_shared>>) target_semaphore(%run_scoped3A : memref<!tpu.dma_semaphore, #tpu.memory_space<semaphore_mem>>)
      %dma_wait3A = arith.constant 0 : i32
      %dma_wait3A_33 = arith.constant 0 : i32
      %dma_wait3A_34 = tpu.memref_slice %arg9[%dma_wait3A, %dma_wait3A_33] : memref<128x128xf32, #tpu.memory_space<vmem>> -> memref<128x128xf32, #tpu.memory_space<vmem>>
      %dma_wait3A_35 = arith.constant 0 : i32
      %dma_wait3A_36 = tpu.memref_slice %arg10[%add3A_1, %dma_wait3A_35] : memref<10112x128xf32, #tpu.memory_space<vmem_shared>> -> memref<128x128xf32, #tpu.memory_space<vmem_shared>>
      %dma_wait3A_37 = arith.constant 0 : i32
      %dma_wait3A_38 = tpu.memref_slice %arg10[%add3A_1, %dma_wait3A_37] : memref<10112x128xf32, #tpu.memory_space<vmem_shared>> -> memref<128x128xf32, #tpu.memory_space<vmem_shared>>
      %dma_wait3A_39 = arith.constant 0 : i32
      %dma_wait3A_40 = arith.constant 0 : i32
      %dma_wait3A_41 = tpu.memref_slice %arg9[%dma_wait3A_39, %dma_wait3A_40] : memref<128x128xf32, #tpu.memory_space<vmem>> -> memref<128x128xf32, #tpu.memory_space<vmem>>
      tpu.wait_dma2 semaphore(%run_scoped3A : memref<!tpu.dma_semaphore, #tpu.memory_space<semaphore_mem>>) src(%dma_wait3A_41 : memref<128x128xf32, #tpu.memory_space<vmem>>) dst(%dma_wait3A_38 : memref<128x128xf32, #tpu.memory_space<vmem_shared>>)
      tpu.yield
    }) : () -> ()
    %add3A_2 = arith.constant 128 : i32
    %add3A_3 = arith.addi %mul3A_0, %add3A_2 : i32
    "tpu.region"() ({
      %run_scoped3A = tpu.sem_alloc : memref<!tpu.dma_semaphore, #tpu.memory_space<semaphore_mem>>
      %dma_start3A = arith.constant 0 : i32
      %dma_start3A_24 = arith.constant 0 : i32
      %dma_start3A_25 = tpu.memref_slice %arg9[%dma_start3A, %dma_start3A_24] : memref<128x128xf32, #tpu.memory_space<vmem>> -> memref<128x128xf32, #tpu.memory_space<vmem>>
      %dma_start3A_26 = arith.constant 0 : i32
      %dma_start3A_27 = tpu.memref_slice %arg10[%add3A_3, %dma_start3A_26] : memref<10112x128xf32, #tpu.memory_space<vmem_shared>> -> memref<128x128xf32, #tpu.memory_space<vmem_shared>>
      %dma_start3A_28 = arith.constant 0 : i32
      %dma_start3A_29 = tpu.memref_slice %arg10[%add3A_3, %dma_start3A_28] : memref<10112x128xf32, #tpu.memory_space<vmem_shared>> -> memref<128x128xf32, #tpu.memory_space<vmem_shared>>
      %dma_start3A_30 = arith.constant 0 : i32
      %dma_start3A_31 = arith.constant 0 : i32
      %dma_start3A_32 = tpu.memref_slice %arg9[%dma_start3A_30, %dma_start3A_31] : memref<128x128xf32, #tpu.memory_space<vmem>> -> memref<128x128xf32, #tpu.memory_space<vmem>>
      tpu.enqueue_dma source(%dma_start3A_32 : memref<128x128xf32, #tpu.memory_space<vmem>>) target(%dma_start3A_29 : memref<128x128xf32, #tpu.memory_space<vmem_shared>>) target_semaphore(%run_scoped3A : memref<!tpu.dma_semaphore, #tpu.memory_space<semaphore_mem>>)
      %dma_wait3A = arith.constant 0 : i32
      %dma_wait3A_33 = arith.constant 0 : i32
      %dma_wait3A_34 = tpu.memref_slice %arg9[%dma_wait3A, %dma_wait3A_33] : memref<128x128xf32, #tpu.memory_space<vmem>> -> memref<128x128xf32, #tpu.memory_space<vmem>>
      %dma_wait3A_35 = arith.constant 0 : i32
      %dma_wait3A_36 = tpu.memref_slice %arg10[%add3A_3, %dma_wait3A_35] : memref<10112x128xf32, #tpu.memory_space<vmem_shared>> -> memref<128x128xf32, #tpu.memory_space<vmem_shared>>
      %dma_wait3A_37 = arith.constant 0 : i32
      %dma_wait3A_38 = tpu.memref_slice %arg10[%add3A_3, %dma_wait3A_37] : memref<10112x128xf32, #tpu.memory_space<vmem_shared>> -> memref<128x128xf32, #tpu.memory_space<vmem_shared>>
      %dma_wait3A_39 = arith.constant 0 : i32
      %dma_wait3A_40 = arith.constant 0 : i32
      %dma_wait3A_41 = tpu.memref_slice %arg9[%dma_wait3A_39, %dma_wait3A_40] : memref<128x128xf32, #tpu.memory_space<vmem>> -> memref<128x128xf32, #tpu.memory_space<vmem>>
      tpu.wait_dma2 semaphore(%run_scoped3A : memref<!tpu.dma_semaphore, #tpu.memory_space<semaphore_mem>>) src(%dma_wait3A_41 : memref<128x128xf32, #tpu.memory_space<vmem>>) dst(%dma_wait3A_38 : memref<128x128xf32, #tpu.memory_space<vmem_shared>>)
      tpu.yield
    }) : () -> ()
    %add3A_4 = arith.constant 256 : i32
    %add3A_5 = arith.addi %mul3A_0, %add3A_4 : i32
    "tpu.region"() ({
      %run_scoped3A = tpu.sem_alloc : memref<!tpu.dma_semaphore, #tpu.memory_space<semaphore_mem>>
      %dma_start3A = arith.constant 0 : i32
      %dma_start3A_24 = arith.constant 0 : i32
      %dma_start3A_25 = tpu.memref_slice %arg9[%dma_start3A, %dma_start3A_24] : memref<128x128xf32, #tpu.memory_space<vmem>> -> memref<128x128xf32, #tpu.memory_space<vmem>>
      %dma_start3A_26 = arith.constant 0 : i32
      %dma_start3A_27 = tpu.memref_slice %arg10[%add3A_5, %dma_start3A_26] : memref<10112x128xf32, #tpu.memory_space<vmem_shared>> -> memref<128x128xf32, #tpu.memory_space<vmem_shared>>
      %dma_start3A_28 = arith.constant 0 : i32
      %dma_start3A_29 = tpu.memref_slice %arg10[%add3A_5, %dma_start3A_28] : memref<10112x128xf32, #tpu.memory_space<vmem_shared>> -> memref<128x128xf32, #tpu.memory_space<vmem_shared>>
      %dma_start3A_30 = arith.constant 0 : i32
      %dma_start3A_31 = arith.constant 0 : i32
      %dma_start3A_32 = tpu.memref_slice %arg9[%dma_start3A_30, %dma_start3A_31] : memref<128x128xf32, #tpu.memory_space<vmem>> -> memref<128x128xf32, #tpu.memory_space<vmem>>
      tpu.enqueue_dma source(%dma_start3A_32 : memref<128x128xf32, #tpu.memory_space<vmem>>) target(%dma_start3A_29 : memref<128x128xf32, #tpu.memory_space<vmem_shared>>) target_semaphore(%run_scoped3A : memref<!tpu.dma_semaphore, #tpu.memory_space<semaphore_mem>>)
      %dma_wait3A = arith.constant 0 : i32
      %dma_wait3A_33 = arith.constant 0 : i32
      %dma_wait3A_34 = tpu.memref_slice %arg9[%dma_wait3A, %dma_wait3A_33] : memref<128x128xf32, #tpu.memory_space<vmem>> -> memref<128x128xf32, #tpu.memory_space<vmem>>
      %dma_wait3A_35 = arith.constant 0 : i32
      %dma_wait3A_36 = tpu.memref_slice %arg10[%add3A_5, %dma_wait3A_35] : memref<10112x128xf32, #tpu.memory_space<vmem_shared>> -> memref<128x128xf32, #tpu.memory_space<vmem_shared>>
      %dma_wait3A_37 = arith.constant 0 : i32
      %dma_wait3A_38 = tpu.memref_slice %arg10[%add3A_5, %dma_wait3A_37] : memref<10112x128xf32, #tpu.memory_space<vmem_shared>> -> memref<128x128xf32, #tpu.memory_space<vmem_shared>>
      %dma_wait3A_39 = arith.constant 0 : i32
      %dma_wait3A_40 = arith.constant 0 : i32
      %dma_wait3A_41 = tpu.memref_slice %arg9[%dma_wait3A_39, %dma_wait3A_40] : memref<128x128xf32, #tpu.memory_space<vmem>> -> memref<128x128xf32, #tpu.memory_space<vmem>>
      tpu.wait_dma2 semaphore(%run_scoped3A : memref<!tpu.dma_semaphore, #tpu.memory_space<semaphore_mem>>) src(%dma_wait3A_41 : memref<128x128xf32, #tpu.memory_space<vmem>>) dst(%dma_wait3A_38 : memref<128x128xf32, #tpu.memory_space<vmem_shared>>)
      tpu.yield
    }) : () -> ()
    %add3A_6 = arith.constant 384 : i32
    %add3A_7 = arith.addi %mul3A_0, %add3A_6 : i32
    "tpu.region"() ({
      %run_scoped3A = tpu.sem_alloc : memref<!tpu.dma_semaphore, #tpu.memory_space<semaphore_mem>>
      %dma_start3A = arith.constant 0 : i32
      %dma_start3A_24 = arith.constant 0 : i32
      %dma_start3A_25 = tpu.memref_slice %arg9[%dma_start3A, %dma_start3A_24] : memref<128x128xf32, #tpu.memory_space<vmem>> -> memref<128x128xf32, #tpu.memory_space<vmem>>
      %dma_start3A_26 = arith.constant 0 : i32
      %dma_start3A_27 = tpu.memref_slice %arg10[%add3A_7, %dma_start3A_26] : memref<10112x128xf32, #tpu.memory_space<vmem_shared>> -> memref<128x128xf32, #tpu.memory_space<vmem_shared>>
      %dma_start3A_28 = arith.constant 0 : i32
      %dma_start3A_29 = tpu.memref_slice %arg10[%add3A_7, %dma_start3A_28] : memref<10112x128xf32, #tpu.memory_space<vmem_shared>> -> memref<128x128xf32, #tpu.memory_space<vmem_shared>>
      %dma_start3A_30 = arith.constant 0 : i32
      %dma_start3A_31 = arith.constant 0 : i32
      %dma_start3A_32 = tpu.memref_slice %arg9[%dma_start3A_30, %dma_start3A_31] : memref<128x128xf32, #tpu.memory_space<vmem>> -> memref<128x128xf32, #tpu.memory_space<vmem>>
      tpu.enqueue_dma source(%dma_start3A_32 : memref<128x128xf32, #tpu.memory_space<vmem>>) target(%dma_start3A_29 : memref<128x128xf32, #tpu.memory_space<vmem_shared>>) target_semaphore(%run_scoped3A : memref<!tpu.dma_semaphore, #tpu.memory_space<semaphore_mem>>)
      %dma_wait3A = arith.constant 0 : i32
      %dma_wait3A_33 = arith.constant 0 : i32
      %dma_wait3A_34 = tpu.memref_slice %arg9[%dma_wait3A, %dma_wait3A_33] : memref<128x128xf32, #tpu.memory_space<vmem>> -> memref<128x128xf32, #tpu.memory_space<vmem>>
      %dma_wait3A_35 = arith.constant 0 : i32
      %dma_wait3A_36 = tpu.memref_slice %arg10[%add3A_7, %dma_wait3A_35] : memref<10112x128xf32, #tpu.memory_space<vmem_shared>> -> memref<128x128xf32, #tpu.memory_space<vmem_shared>>
      %dma_wait3A_37 = arith.constant 0 : i32
      %dma_wait3A_38 = tpu.memref_slice %arg10[%add3A_7, %dma_wait3A_37] : memref<10112x128xf32, #tpu.memory_space<vmem_shared>> -> memref<128x128xf32, #tpu.memory_space<vmem_shared>>
      %dma_wait3A_39 = arith.constant 0 : i32
      %dma_wait3A_40 = arith.constant 0 : i32
      %dma_wait3A_41 = tpu.memref_slice %arg9[%dma_wait3A_39, %dma_wait3A_40] : memref<128x128xf32, #tpu.memory_space<vmem>> -> memref<128x128xf32, #tpu.memory_space<vmem>>
      tpu.wait_dma2 semaphore(%run_scoped3A : memref<!tpu.dma_semaphore, #tpu.memory_space<semaphore_mem>>) src(%dma_wait3A_41 : memref<128x128xf32, #tpu.memory_space<vmem>>) dst(%dma_wait3A_38 : memref<128x128xf32, #tpu.memory_space<vmem_shared>>)
      tpu.yield
    }) : () -> ()
    %add3A_8 = arith.constant 512 : i32
    %add3A_9 = arith.addi %mul3A_0, %add3A_8 : i32
    "tpu.region"() ({
      %run_scoped3A = tpu.sem_alloc : memref<!tpu.dma_semaphore, #tpu.memory_space<semaphore_mem>>
      %dma_start3A = arith.constant 0 : i32
      %dma_start3A_24 = arith.constant 0 : i32
      %dma_start3A_25 = tpu.memref_slice %arg9[%dma_start3A, %dma_start3A_24] : memref<128x128xf32, #tpu.memory_space<vmem>> -> memref<120x128xf32, #tpu.memory_space<vmem>>
      %dma_start3A_26 = arith.constant 0 : i32
      %dma_start3A_27 = tpu.memref_slice %arg10[%add3A_9, %dma_start3A_26] : memref<10112x128xf32, #tpu.memory_space<vmem_shared>> -> memref<120x128xf32, #tpu.memory_space<vmem_shared>>
      %dma_start3A_28 = arith.constant 0 : i32
      %dma_start3A_29 = tpu.memref_slice %arg10[%add3A_9, %dma_start3A_28] : memref<10112x128xf32, #tpu.memory_space<vmem_shared>> -> memref<120x128xf32, #tpu.memory_space<vmem_shared>>
      %dma_start3A_30 = arith.constant 0 : i32
      %dma_start3A_31 = arith.constant 0 : i32
      %dma_start3A_32 = tpu.memref_slice %arg9[%dma_start3A_30, %dma_start3A_31] : memref<128x128xf32, #tpu.memory_space<vmem>> -> memref<120x128xf32, #tpu.memory_space<vmem>>
      tpu.enqueue_dma source(%dma_start3A_32 : memref<120x128xf32, #tpu.memory_space<vmem>>) target(%dma_start3A_29 : memref<120x128xf32, #tpu.memory_space<vmem_shared>>) target_semaphore(%run_scoped3A : memref<!tpu.dma_semaphore, #tpu.memory_space<semaphore_mem>>)
      %dma_wait3A = arith.constant 0 : i32
      %dma_wait3A_33 = arith.constant 0 : i32
      %dma_wait3A_34 = tpu.memref_slice %arg9[%dma_wait3A, %dma_wait3A_33] : memref<128x128xf32, #tpu.memory_space<vmem>> -> memref<120x128xf32, #tpu.memory_space<vmem>>
      %dma_wait3A_35 = arith.constant 0 : i32
      %dma_wait3A_36 = tpu.memref_slice %arg10[%add3A_9, %dma_wait3A_35] : memref<10112x128xf32, #tpu.memory_space<vmem_shared>> -> memref<120x128xf32, #tpu.memory_space<vmem_shared>>
      %dma_wait3A_37 = arith.constant 0 : i32
      %dma_wait3A_38 = tpu.memref_slice %arg10[%add3A_9, %dma_wait3A_37] : memref<10112x128xf32, #tpu.memory_space<vmem_shared>> -> memref<120x128xf32, #tpu.memory_space<vmem_shared>>
      %dma_wait3A_39 = arith.constant 0 : i32
      %dma_wait3A_40 = arith.constant 0 : i32
      %dma_wait3A_41 = tpu.memref_slice %arg9[%dma_wait3A_39, %dma_wait3A_40] : memref<128x128xf32, #tpu.memory_space<vmem>> -> memref<120x128xf32, #tpu.memory_space<vmem>>
      tpu.wait_dma2 semaphore(%run_scoped3A : memref<!tpu.dma_semaphore, #tpu.memory_space<semaphore_mem>>) src(%dma_wait3A_41 : memref<120x128xf32, #tpu.memory_space<vmem>>) dst(%dma_wait3A_38 : memref<120x128xf32, #tpu.memory_space<vmem_shared>>)
      tpu.yield
    }) : () -> ()
    %barrier3A = arith.constant 0 : index
    tpu.barrier barrier_id(%barrier3A)
    %scan3A = arith.constant 0 : i32
    %scan3A_10 = arith.constant 0 : i32
    %scan3A_11 = arith.constant 79 : i32
    %scan3A_12 = arith.addi %scan3A_10, %scan3A_11 : i32
    %scan3A_13 = arith.constant 1 : i32
    scf.for %scan3A_24 = %scan3A_10 to %scan3A_12 step %scan3A_13  : i32 {
      %mul3A_25 = arith.constant 128 : i32
      %mul3A_26 = arith.muli %scan3A_24, %mul3A_25 : i32
      "tpu.region"() ({
        %run_scoped3A = tpu.sem_alloc : memref<!tpu.dma_semaphore, #tpu.memory_space<semaphore_mem>>
        %dma_start3A = tpu.memref_slice %arg7[%mul3A_26] : memref<10112xi32, #tpu.memory_space<vmem>> -> memref<128xi32, #tpu.memory_space<vmem>>
        %dma_start3A_29 = arith.constant 0 : i32
        %dma_start3A_30 = arith.constant 0 : i32
        %dma_start3A_31 = tpu.memref_slice %arg2[%dma_start3A_29, %dma_start3A_30] : memref<20000x128xf32, #tpu.memory_space<hbm>> -> memref<20000x128xf32, #tpu.memory_space<hbm>>
        tpu.enqueue_indirect_dma source(%dma_start3A_31 : memref<20000x128xf32, #tpu.memory_space<hbm>>) target(%arg9 : memref<128x128xf32, #tpu.memory_space<vmem>>) offsets(%dma_start3A : memref<128xi32, #tpu.memory_space<vmem>>) semaphore(%run_scoped3A : memref<!tpu.dma_semaphore, #tpu.memory_space<semaphore_mem>>)
        %dma_wait3A = tpu.memref_slice %arg7[%mul3A_26] : memref<10112xi32, #tpu.memory_space<vmem>> -> memref<128xi32, #tpu.memory_space<vmem>>
        %dma_wait3A_32 = arith.constant 0 : i32
        %dma_wait3A_33 = arith.constant 0 : i32
        %dma_wait3A_34 = tpu.memref_slice %arg2[%dma_wait3A_32, %dma_wait3A_33] : memref<20000x128xf32, #tpu.memory_space<hbm>> -> memref<20000x128xf32, #tpu.memory_space<hbm>>
        tpu.wait_indirect_dma semaphore(%run_scoped3A : memref<!tpu.dma_semaphore, #tpu.memory_space<semaphore_mem>>) src(%dma_wait3A_34 : memref<20000x128xf32, #tpu.memory_space<hbm>>) dst(%arg9 : memref<128x128xf32, #tpu.memory_space<vmem>>)
        tpu.yield
      }) : () -> ()
      %mul3A_27 = arith.constant 128 : i32
      %mul3A_28 = arith.muli %scan3A_24, %mul3A_27 : i32
      "tpu.region"() ({
        %run_scoped3A = tpu.sem_alloc : memref<!tpu.dma_semaphore, #tpu.memory_space<semaphore_mem>>
        %dma_start3A = tpu.memref_slice %arg8[%mul3A_28] : memref<10112xi32, #tpu.memory_space<vmem>> -> memref<128xi32, #tpu.memory_space<vmem>>
        %dma_start3A_29 = arith.constant 0 : i32
        %dma_start3A_30 = arith.constant 0 : i32
        %dma_start3A_31 = tpu.memref_slice %arg10[%dma_start3A_29, %dma_start3A_30] : memref<10112x128xf32, #tpu.memory_space<vmem_shared>> -> memref<10112x128xf32, #tpu.memory_space<vmem_shared>>
        tpu.enqueue_indirect_dma source(%arg9 : memref<128x128xf32, #tpu.memory_space<vmem>>) target(%dma_start3A_31 : memref<10112x128xf32, #tpu.memory_space<vmem_shared>>) offsets(%dma_start3A : memref<128xi32, #tpu.memory_space<vmem>>) semaphore(%run_scoped3A : memref<!tpu.dma_semaphore, #tpu.memory_space<semaphore_mem>>) {add = true}
        %dma_wait3A = tpu.memref_slice %arg8[%mul3A_28] : memref<10112xi32, #tpu.memory_space<vmem>> -> memref<128xi32, #tpu.memory_space<vmem>>
        %dma_wait3A_32 = arith.constant 0 : i32
        %dma_wait3A_33 = arith.constant 0 : i32
        %dma_wait3A_34 = tpu.memref_slice %arg10[%dma_wait3A_32, %dma_wait3A_33] : memref<10112x128xf32, #tpu.memory_space<vmem_shared>> -> memref<10112x128xf32, #tpu.memory_space<vmem_shared>>
        tpu.wait_indirect_dma semaphore(%run_scoped3A : memref<!tpu.dma_semaphore, #tpu.memory_space<semaphore_mem>>) src(%arg9 : memref<128x128xf32, #tpu.memory_space<vmem>>) dst(%dma_wait3A_34 : memref<10112x128xf32, #tpu.memory_space<vmem_shared>>)
        tpu.yield
      }) : () -> ()
    }
    %scan3A_14 = arith.constant 79 : i32
    %barrier3A_15 = arith.constant 0 : index
    tpu.barrier barrier_id(%barrier3A_15)
    %mul3A_16 = arith.constant 632 : i32
    %mul3A_17 = arith.muli %arg1, %mul3A_16 : i32
    %ne3A = arith.constant 15 : i32
    %ne3A_18 = arith.cmpi ne, %arg1, %ne3A : i32
    %convert_element_type3A = arith.extui %ne3A_18 : i1 to i32
    %cond3A = arith.constant 0 : i32
    %cond3A_19 = arith.cmpi ne, %convert_element_type3A, %cond3A : i32
    scf.if %cond3A_19 {
      "tpu.region"() ({
        %run_scoped3A = tpu.sem_alloc : memref<!tpu.dma_semaphore, #tpu.memory_space<semaphore_mem>>
        %dma_start3A = arith.constant 0 : i32
        %dma_start3A_24 = tpu.memref_slice %arg6[%arg0, %mul3A_17, %dma_start3A] : memref<2x10000x128xf32, #tpu.memory_space<hbm>> -> memref<1x632x128xf32, #tpu.memory_space<hbm>>
        %dma_start3A_25 = tpu.memref_squeeze %dma_start3A_24 : memref<1x632x128xf32, #tpu.memory_space<hbm>> -> memref<632x128xf32, #tpu.memory_space<hbm>>
        %dma_start3A_26 = arith.constant 0 : i32
        %dma_start3A_27 = tpu.memref_slice %arg10[%mul3A_17, %dma_start3A_26] : memref<10112x128xf32, #tpu.memory_space<vmem_shared>> -> memref<632x128xf32, #tpu.memory_space<vmem_shared>>
        tpu.enqueue_dma source(%dma_start3A_27 : memref<632x128xf32, #tpu.memory_space<vmem_shared>>) target(%dma_start3A_25 : memref<632x128xf32, #tpu.memory_space<hbm>>) target_semaphore(%run_scoped3A : memref<!tpu.dma_semaphore, #tpu.memory_space<semaphore_mem>>)
        %dma_wait3A = arith.constant 0 : i32
        %dma_wait3A_28 = tpu.memref_slice %arg6[%arg0, %mul3A_17, %dma_wait3A] : memref<2x10000x128xf32, #tpu.memory_space<hbm>> -> memref<1x632x128xf32, #tpu.memory_space<hbm>>
        %dma_wait3A_29 = tpu.memref_squeeze %dma_wait3A_28 : memref<1x632x128xf32, #tpu.memory_space<hbm>> -> memref<632x128xf32, #tpu.memory_space<hbm>>
        %dma_wait3A_30 = arith.constant 0 : i32
        %dma_wait3A_31 = tpu.memref_slice %arg10[%mul3A_17, %dma_wait3A_30] : memref<10112x128xf32, #tpu.memory_space<vmem_shared>> -> memref<632x128xf32, #tpu.memory_space<vmem_shared>>
        tpu.wait_dma2 semaphore(%run_scoped3A : memref<!tpu.dma_semaphore, #tpu.memory_space<semaphore_mem>>) src(%dma_wait3A_31 : memref<632x128xf32, #tpu.memory_space<vmem_shared>>) dst(%dma_wait3A_29 : memref<632x128xf32, #tpu.memory_space<hbm>>)
        tpu.yield
      }) : () -> ()
    } else {
    }
    %eq3A = arith.constant 15 : i32
    %eq3A_20 = arith.cmpi eq, %arg1, %eq3A : i32
    %convert_element_type3A_21 = arith.extui %eq3A_20 : i1 to i32
    %cond3A_22 = arith.constant 0 : i32
    %cond3A_23 = arith.cmpi ne, %convert_element_type3A_21, %cond3A_22 : i32
    scf.if %cond3A_23 {
      "tpu.region"() ({
        %run_scoped3A = tpu.sem_alloc : memref<!tpu.dma_semaphore, #tpu.memory_space<semaphore_mem>>
        %dma_start3A = arith.constant 9480 : i32
        %dma_start3A_24 = arith.constant 0 : i32
        %dma_start3A_25 = tpu.memref_slice %arg6[%arg0, %dma_start3A, %dma_start3A_24] : memref<2x10000x128xf32, #tpu.memory_space<hbm>> -> memref<1x520x128xf32, #tpu.memory_space<hbm>>
        %dma_start3A_26 = tpu.memref_squeeze %dma_start3A_25 : memref<1x520x128xf32, #tpu.memory_space<hbm>> -> memref<520x128xf32, #tpu.memory_space<hbm>>
        %dma_start3A_27 = arith.constant 9480 : i32
        %dma_start3A_28 = arith.constant 0 : i32
        %dma_start3A_29 = tpu.memref_slice %arg10[%dma_start3A_27, %dma_start3A_28] : memref<10112x128xf32, #tpu.memory_space<vmem_shared>> -> memref<520x128xf32, #tpu.memory_space<vmem_shared>>
        tpu.enqueue_dma source(%dma_start3A_29 : memref<520x128xf32, #tpu.memory_space<vmem_shared>>) target(%dma_start3A_26 : memref<520x128xf32, #tpu.memory_space<hbm>>) target_semaphore(%run_scoped3A : memref<!tpu.dma_semaphore, #tpu.memory_space<semaphore_mem>>)
        %dma_wait3A = arith.constant 9480 : i32
        %dma_wait3A_30 = arith.constant 0 : i32
        %dma_wait3A_31 = tpu.memref_slice %arg6[%arg0, %dma_wait3A, %dma_wait3A_30] : memref<2x10000x128xf32, #tpu.memory_space<hbm>> -> memref<1x520x128xf32, #tpu.memory_space<hbm>>
        %dma_wait3A_32 = tpu.memref_squeeze %dma_wait3A_31 : memref<1x520x128xf32, #tpu.memory_space<hbm>> -> memref<520x128xf32, #tpu.memory_space<hbm>>
        %dma_wait3A_33 = arith.constant 9480 : i32
        %dma_wait3A_34 = arith.constant 0 : i32
        %dma_wait3A_35 = tpu.memref_slice %arg10[%dma_wait3A_33, %dma_wait3A_34] : memref<10112x128xf32, #tpu.memory_space<vmem_shared>> -> memref<520x128xf32, #tpu.memory_space<vmem_shared>>
        tpu.wait_dma2 semaphore(%run_scoped3A : memref<!tpu.dma_semaphore, #tpu.memory_space<semaphore_mem>>) src(%dma_wait3A_35 : memref<520x128xf32, #tpu.memory_space<vmem_shared>>) dst(%dma_wait3A_32 : memref<520x128xf32, #tpu.memory_space<hbm>>)
        tpu.yield
      }) : () -> ()
    } else {
    }
    return
  }
}

#map = affine_map<(d0, d1) -> (0, 0, 0)>
#map1 = affine_map<(d0, d1) -> (0, 0)>
module attributes {stable_mosaic.version = 14 : i64} {
  func.func @deg_kernel(%arg0: i32, %arg1: i32, %arg2: memref<32x40x128xi32, #tpu.memory_space<hbm>>, %arg3: memref<128x128xf32, #tpu.memory_space<hbm>>, %arg4: memref<128x128xf32, #tpu.memory_space<hbm>>, %arg5: memref<2x10000x128xf32, #tpu.memory_space<hbm>>, %arg6: memref<40x128xi32, #tpu.memory_space<vmem>>, %arg7: memref<128x128xf32, #tpu.memory_space<vmem>>, %arg8: memref<10112x128xf32, #tpu.memory_space<vmem_shared>>) attributes {dimension_semantics = [#tpu.dimension_semantics<core_parallel>, #tpu.dimension_semantics<subcore_parallel>], iteration_bounds = array<i64: 2, 16>, scalar_prefetch = 0 : i64, scratch_operands = 3 : i64, tpu.core_type = #tpu.core_type<sc_vector_subcore>, window_params = [{transform_indices = #map}, {transform_indices = #map1}, {transform_indices = #map1}, {transform_indices = #map}]} {
    %mul3A = arith.constant 16 : i32
    %mul3A_0 = arith.muli %arg0, %mul3A : i32
    %add3A = arith.addi %mul3A_0, %arg1 : i32
    "tpu.region"() ({
      %run_scoped3A = tpu.sem_alloc : memref<!tpu.dma_semaphore, #tpu.memory_space<semaphore_mem>>
      %dma_start3A = arith.constant 0 : i32
      %dma_start3A_27 = arith.constant 0 : i32
      %dma_start3A_28 = tpu.memref_slice %arg2[%add3A, %dma_start3A, %dma_start3A_27] : memref<32x40x128xi32, #tpu.memory_space<hbm>> -> memref<1x40x128xi32, #tpu.memory_space<hbm>>
      %dma_start3A_29 = tpu.memref_squeeze %dma_start3A_28 : memref<1x40x128xi32, #tpu.memory_space<hbm>> -> memref<40x128xi32, #tpu.memory_space<hbm>>
      %dma_start3A_30 = arith.constant 0 : i32
      %dma_start3A_31 = arith.constant 0 : i32
      %dma_start3A_32 = tpu.memref_slice %arg2[%add3A, %dma_start3A_30, %dma_start3A_31] : memref<32x40x128xi32, #tpu.memory_space<hbm>> -> memref<1x40x128xi32, #tpu.memory_space<hbm>>
      %dma_start3A_33 = tpu.memref_squeeze %dma_start3A_32 : memref<1x40x128xi32, #tpu.memory_space<hbm>> -> memref<40x128xi32, #tpu.memory_space<hbm>>
      tpu.enqueue_dma source(%dma_start3A_33 : memref<40x128xi32, #tpu.memory_space<hbm>>) target(%arg6 : memref<40x128xi32, #tpu.memory_space<vmem>>) target_semaphore(%run_scoped3A : memref<!tpu.dma_semaphore, #tpu.memory_space<semaphore_mem>>)
      %dma_wait3A = arith.constant 0 : i32
      %dma_wait3A_34 = arith.constant 0 : i32
      %dma_wait3A_35 = tpu.memref_slice %arg2[%add3A, %dma_wait3A, %dma_wait3A_34] : memref<32x40x128xi32, #tpu.memory_space<hbm>> -> memref<1x40x128xi32, #tpu.memory_space<hbm>>
      %dma_wait3A_36 = tpu.memref_squeeze %dma_wait3A_35 : memref<1x40x128xi32, #tpu.memory_space<hbm>> -> memref<40x128xi32, #tpu.memory_space<hbm>>
      %dma_wait3A_37 = arith.constant 0 : i32
      %dma_wait3A_38 = arith.constant 0 : i32
      %dma_wait3A_39 = tpu.memref_slice %arg2[%add3A, %dma_wait3A_37, %dma_wait3A_38] : memref<32x40x128xi32, #tpu.memory_space<hbm>> -> memref<1x40x128xi32, #tpu.memory_space<hbm>>
      %dma_wait3A_40 = tpu.memref_squeeze %dma_wait3A_39 : memref<1x40x128xi32, #tpu.memory_space<hbm>> -> memref<40x128xi32, #tpu.memory_space<hbm>>
      tpu.wait_dma2 semaphore(%run_scoped3A : memref<!tpu.dma_semaphore, #tpu.memory_space<semaphore_mem>>) src(%dma_wait3A_40 : memref<40x128xi32, #tpu.memory_space<hbm>>) dst(%arg6 : memref<40x128xi32, #tpu.memory_space<vmem>>)
      tpu.yield
    }) : () -> ()
    "tpu.region"() ({
      %run_scoped3A = tpu.sem_alloc : memref<!tpu.dma_semaphore, #tpu.memory_space<semaphore_mem>>
      tpu.enqueue_dma source(%arg4 : memref<128x128xf32, #tpu.memory_space<hbm>>) target(%arg7 : memref<128x128xf32, #tpu.memory_space<vmem>>) target_semaphore(%run_scoped3A : memref<!tpu.dma_semaphore, #tpu.memory_space<semaphore_mem>>)
      tpu.wait_dma2 semaphore(%run_scoped3A : memref<!tpu.dma_semaphore, #tpu.memory_space<semaphore_mem>>) src(%arg4 : memref<128x128xf32, #tpu.memory_space<hbm>>) dst(%arg7 : memref<128x128xf32, #tpu.memory_space<vmem>>)
      tpu.yield
    }) : () -> ()
    %mul3A_1 = arith.constant 632 : i32
    %mul3A_2 = arith.muli %arg1, %mul3A_1 : i32
    %add3A_3 = arith.constant 0 : i32
    %add3A_4 = arith.addi %mul3A_2, %add3A_3 : i32
    "tpu.region"() ({
      %run_scoped3A = tpu.sem_alloc : memref<!tpu.dma_semaphore, #tpu.memory_space<semaphore_mem>>
      %dma_start3A = arith.constant 0 : i32
      %dma_start3A_27 = arith.constant 0 : i32
      %dma_start3A_28 = tpu.memref_slice %arg7[%dma_start3A, %dma_start3A_27] : memref<128x128xf32, #tpu.memory_space<vmem>> -> memref<128x128xf32, #tpu.memory_space<vmem>>
      %dma_start3A_29 = arith.constant 0 : i32
      %dma_start3A_30 = tpu.memref_slice %arg8[%add3A_4, %dma_start3A_29] : memref<10112x128xf32, #tpu.memory_space<vmem_shared>> -> memref<128x128xf32, #tpu.memory_space<vmem_shared>>
      %dma_start3A_31 = arith.constant 0 : i32
      %dma_start3A_32 = tpu.memref_slice %arg8[%add3A_4, %dma_start3A_31] : memref<10112x128xf32, #tpu.memory_space<vmem_shared>> -> memref<128x128xf32, #tpu.memory_space<vmem_shared>>
      %dma_start3A_33 = arith.constant 0 : i32
      %dma_start3A_34 = arith.constant 0 : i32
      %dma_start3A_35 = tpu.memref_slice %arg7[%dma_start3A_33, %dma_start3A_34] : memref<128x128xf32, #tpu.memory_space<vmem>> -> memref<128x128xf32, #tpu.memory_space<vmem>>
      tpu.enqueue_dma source(%dma_start3A_35 : memref<128x128xf32, #tpu.memory_space<vmem>>) target(%dma_start3A_32 : memref<128x128xf32, #tpu.memory_space<vmem_shared>>) target_semaphore(%run_scoped3A : memref<!tpu.dma_semaphore, #tpu.memory_space<semaphore_mem>>)
      %dma_wait3A = arith.constant 0 : i32
      %dma_wait3A_36 = arith.constant 0 : i32
      %dma_wait3A_37 = tpu.memref_slice %arg7[%dma_wait3A, %dma_wait3A_36] : memref<128x128xf32, #tpu.memory_space<vmem>> -> memref<128x128xf32, #tpu.memory_space<vmem>>
      %dma_wait3A_38 = arith.constant 0 : i32
      %dma_wait3A_39 = tpu.memref_slice %arg8[%add3A_4, %dma_wait3A_38] : memref<10112x128xf32, #tpu.memory_space<vmem_shared>> -> memref<128x128xf32, #tpu.memory_space<vmem_shared>>
      %dma_wait3A_40 = arith.constant 0 : i32
      %dma_wait3A_41 = tpu.memref_slice %arg8[%add3A_4, %dma_wait3A_40] : memref<10112x128xf32, #tpu.memory_space<vmem_shared>> -> memref<128x128xf32, #tpu.memory_space<vmem_shared>>
      %dma_wait3A_42 = arith.constant 0 : i32
      %dma_wait3A_43 = arith.constant 0 : i32
      %dma_wait3A_44 = tpu.memref_slice %arg7[%dma_wait3A_42, %dma_wait3A_43] : memref<128x128xf32, #tpu.memory_space<vmem>> -> memref<128x128xf32, #tpu.memory_space<vmem>>
      tpu.wait_dma2 semaphore(%run_scoped3A : memref<!tpu.dma_semaphore, #tpu.memory_space<semaphore_mem>>) src(%dma_wait3A_44 : memref<128x128xf32, #tpu.memory_space<vmem>>) dst(%dma_wait3A_41 : memref<128x128xf32, #tpu.memory_space<vmem_shared>>)
      tpu.yield
    }) : () -> ()
    %add3A_5 = arith.constant 128 : i32
    %add3A_6 = arith.addi %mul3A_2, %add3A_5 : i32
    "tpu.region"() ({
      %run_scoped3A = tpu.sem_alloc : memref<!tpu.dma_semaphore, #tpu.memory_space<semaphore_mem>>
      %dma_start3A = arith.constant 0 : i32
      %dma_start3A_27 = arith.constant 0 : i32
      %dma_start3A_28 = tpu.memref_slice %arg7[%dma_start3A, %dma_start3A_27] : memref<128x128xf32, #tpu.memory_space<vmem>> -> memref<128x128xf32, #tpu.memory_space<vmem>>
      %dma_start3A_29 = arith.constant 0 : i32
      %dma_start3A_30 = tpu.memref_slice %arg8[%add3A_6, %dma_start3A_29] : memref<10112x128xf32, #tpu.memory_space<vmem_shared>> -> memref<128x128xf32, #tpu.memory_space<vmem_shared>>
      %dma_start3A_31 = arith.constant 0 : i32
      %dma_start3A_32 = tpu.memref_slice %arg8[%add3A_6, %dma_start3A_31] : memref<10112x128xf32, #tpu.memory_space<vmem_shared>> -> memref<128x128xf32, #tpu.memory_space<vmem_shared>>
      %dma_start3A_33 = arith.constant 0 : i32
      %dma_start3A_34 = arith.constant 0 : i32
      %dma_start3A_35 = tpu.memref_slice %arg7[%dma_start3A_33, %dma_start3A_34] : memref<128x128xf32, #tpu.memory_space<vmem>> -> memref<128x128xf32, #tpu.memory_space<vmem>>
      tpu.enqueue_dma source(%dma_start3A_35 : memref<128x128xf32, #tpu.memory_space<vmem>>) target(%dma_start3A_32 : memref<128x128xf32, #tpu.memory_space<vmem_shared>>) target_semaphore(%run_scoped3A : memref<!tpu.dma_semaphore, #tpu.memory_space<semaphore_mem>>)
      %dma_wait3A = arith.constant 0 : i32
      %dma_wait3A_36 = arith.constant 0 : i32
      %dma_wait3A_37 = tpu.memref_slice %arg7[%dma_wait3A, %dma_wait3A_36] : memref<128x128xf32, #tpu.memory_space<vmem>> -> memref<128x128xf32, #tpu.memory_space<vmem>>
      %dma_wait3A_38 = arith.constant 0 : i32
      %dma_wait3A_39 = tpu.memref_slice %arg8[%add3A_6, %dma_wait3A_38] : memref<10112x128xf32, #tpu.memory_space<vmem_shared>> -> memref<128x128xf32, #tpu.memory_space<vmem_shared>>
      %dma_wait3A_40 = arith.constant 0 : i32
      %dma_wait3A_41 = tpu.memref_slice %arg8[%add3A_6, %dma_wait3A_40] : memref<10112x128xf32, #tpu.memory_space<vmem_shared>> -> memref<128x128xf32, #tpu.memory_space<vmem_shared>>
      %dma_wait3A_42 = arith.constant 0 : i32
      %dma_wait3A_43 = arith.constant 0 : i32
      %dma_wait3A_44 = tpu.memref_slice %arg7[%dma_wait3A_42, %dma_wait3A_43] : memref<128x128xf32, #tpu.memory_space<vmem>> -> memref<128x128xf32, #tpu.memory_space<vmem>>
      tpu.wait_dma2 semaphore(%run_scoped3A : memref<!tpu.dma_semaphore, #tpu.memory_space<semaphore_mem>>) src(%dma_wait3A_44 : memref<128x128xf32, #tpu.memory_space<vmem>>) dst(%dma_wait3A_41 : memref<128x128xf32, #tpu.memory_space<vmem_shared>>)
      tpu.yield
    }) : () -> ()
    %add3A_7 = arith.constant 256 : i32
    %add3A_8 = arith.addi %mul3A_2, %add3A_7 : i32
    "tpu.region"() ({
      %run_scoped3A = tpu.sem_alloc : memref<!tpu.dma_semaphore, #tpu.memory_space<semaphore_mem>>
      %dma_start3A = arith.constant 0 : i32
      %dma_start3A_27 = arith.constant 0 : i32
      %dma_start3A_28 = tpu.memref_slice %arg7[%dma_start3A, %dma_start3A_27] : memref<128x128xf32, #tpu.memory_space<vmem>> -> memref<128x128xf32, #tpu.memory_space<vmem>>
      %dma_start3A_29 = arith.constant 0 : i32
      %dma_start3A_30 = tpu.memref_slice %arg8[%add3A_8, %dma_start3A_29] : memref<10112x128xf32, #tpu.memory_space<vmem_shared>> -> memref<128x128xf32, #tpu.memory_space<vmem_shared>>
      %dma_start3A_31 = arith.constant 0 : i32
      %dma_start3A_32 = tpu.memref_slice %arg8[%add3A_8, %dma_start3A_31] : memref<10112x128xf32, #tpu.memory_space<vmem_shared>> -> memref<128x128xf32, #tpu.memory_space<vmem_shared>>
      %dma_start3A_33 = arith.constant 0 : i32
      %dma_start3A_34 = arith.constant 0 : i32
      %dma_start3A_35 = tpu.memref_slice %arg7[%dma_start3A_33, %dma_start3A_34] : memref<128x128xf32, #tpu.memory_space<vmem>> -> memref<128x128xf32, #tpu.memory_space<vmem>>
      tpu.enqueue_dma source(%dma_start3A_35 : memref<128x128xf32, #tpu.memory_space<vmem>>) target(%dma_start3A_32 : memref<128x128xf32, #tpu.memory_space<vmem_shared>>) target_semaphore(%run_scoped3A : memref<!tpu.dma_semaphore, #tpu.memory_space<semaphore_mem>>)
      %dma_wait3A = arith.constant 0 : i32
      %dma_wait3A_36 = arith.constant 0 : i32
      %dma_wait3A_37 = tpu.memref_slice %arg7[%dma_wait3A, %dma_wait3A_36] : memref<128x128xf32, #tpu.memory_space<vmem>> -> memref<128x128xf32, #tpu.memory_space<vmem>>
      %dma_wait3A_38 = arith.constant 0 : i32
      %dma_wait3A_39 = tpu.memref_slice %arg8[%add3A_8, %dma_wait3A_38] : memref<10112x128xf32, #tpu.memory_space<vmem_shared>> -> memref<128x128xf32, #tpu.memory_space<vmem_shared>>
      %dma_wait3A_40 = arith.constant 0 : i32
      %dma_wait3A_41 = tpu.memref_slice %arg8[%add3A_8, %dma_wait3A_40] : memref<10112x128xf32, #tpu.memory_space<vmem_shared>> -> memref<128x128xf32, #tpu.memory_space<vmem_shared>>
      %dma_wait3A_42 = arith.constant 0 : i32
      %dma_wait3A_43 = arith.constant 0 : i32
      %dma_wait3A_44 = tpu.memref_slice %arg7[%dma_wait3A_42, %dma_wait3A_43] : memref<128x128xf32, #tpu.memory_space<vmem>> -> memref<128x128xf32, #tpu.memory_space<vmem>>
      tpu.wait_dma2 semaphore(%run_scoped3A : memref<!tpu.dma_semaphore, #tpu.memory_space<semaphore_mem>>) src(%dma_wait3A_44 : memref<128x128xf32, #tpu.memory_space<vmem>>) dst(%dma_wait3A_41 : memref<128x128xf32, #tpu.memory_space<vmem_shared>>)
      tpu.yield
    }) : () -> ()
    %add3A_9 = arith.constant 384 : i32
    %add3A_10 = arith.addi %mul3A_2, %add3A_9 : i32
    "tpu.region"() ({
      %run_scoped3A = tpu.sem_alloc : memref<!tpu.dma_semaphore, #tpu.memory_space<semaphore_mem>>
      %dma_start3A = arith.constant 0 : i32
      %dma_start3A_27 = arith.constant 0 : i32
      %dma_start3A_28 = tpu.memref_slice %arg7[%dma_start3A, %dma_start3A_27] : memref<128x128xf32, #tpu.memory_space<vmem>> -> memref<128x128xf32, #tpu.memory_space<vmem>>
      %dma_start3A_29 = arith.constant 0 : i32
      %dma_start3A_30 = tpu.memref_slice %arg8[%add3A_10, %dma_start3A_29] : memref<10112x128xf32, #tpu.memory_space<vmem_shared>> -> memref<128x128xf32, #tpu.memory_space<vmem_shared>>
      %dma_start3A_31 = arith.constant 0 : i32
      %dma_start3A_32 = tpu.memref_slice %arg8[%add3A_10, %dma_start3A_31] : memref<10112x128xf32, #tpu.memory_space<vmem_shared>> -> memref<128x128xf32, #tpu.memory_space<vmem_shared>>
      %dma_start3A_33 = arith.constant 0 : i32
      %dma_start3A_34 = arith.constant 0 : i32
      %dma_start3A_35 = tpu.memref_slice %arg7[%dma_start3A_33, %dma_start3A_34] : memref<128x128xf32, #tpu.memory_space<vmem>> -> memref<128x128xf32, #tpu.memory_space<vmem>>
      tpu.enqueue_dma source(%dma_start3A_35 : memref<128x128xf32, #tpu.memory_space<vmem>>) target(%dma_start3A_32 : memref<128x128xf32, #tpu.memory_space<vmem_shared>>) target_semaphore(%run_scoped3A : memref<!tpu.dma_semaphore, #tpu.memory_space<semaphore_mem>>)
      %dma_wait3A = arith.constant 0 : i32
      %dma_wait3A_36 = arith.constant 0 : i32
      %dma_wait3A_37 = tpu.memref_slice %arg7[%dma_wait3A, %dma_wait3A_36] : memref<128x128xf32, #tpu.memory_space<vmem>> -> memref<128x128xf32, #tpu.memory_space<vmem>>
      %dma_wait3A_38 = arith.constant 0 : i32
      %dma_wait3A_39 = tpu.memref_slice %arg8[%add3A_10, %dma_wait3A_38] : memref<10112x128xf32, #tpu.memory_space<vmem_shared>> -> memref<128x128xf32, #tpu.memory_space<vmem_shared>>
      %dma_wait3A_40 = arith.constant 0 : i32
      %dma_wait3A_41 = tpu.memref_slice %arg8[%add3A_10, %dma_wait3A_40] : memref<10112x128xf32, #tpu.memory_space<vmem_shared>> -> memref<128x128xf32, #tpu.memory_space<vmem_shared>>
      %dma_wait3A_42 = arith.constant 0 : i32
      %dma_wait3A_43 = arith.constant 0 : i32
      %dma_wait3A_44 = tpu.memref_slice %arg7[%dma_wait3A_42, %dma_wait3A_43] : memref<128x128xf32, #tpu.memory_space<vmem>> -> memref<128x128xf32, #tpu.memory_space<vmem>>
      tpu.wait_dma2 semaphore(%run_scoped3A : memref<!tpu.dma_semaphore, #tpu.memory_space<semaphore_mem>>) src(%dma_wait3A_44 : memref<128x128xf32, #tpu.memory_space<vmem>>) dst(%dma_wait3A_41 : memref<128x128xf32, #tpu.memory_space<vmem_shared>>)
      tpu.yield
    }) : () -> ()
    %add3A_11 = arith.constant 512 : i32
    %add3A_12 = arith.addi %mul3A_2, %add3A_11 : i32
    "tpu.region"() ({
      %run_scoped3A = tpu.sem_alloc : memref<!tpu.dma_semaphore, #tpu.memory_space<semaphore_mem>>
      %dma_start3A = arith.constant 0 : i32
      %dma_start3A_27 = arith.constant 0 : i32
      %dma_start3A_28 = tpu.memref_slice %arg7[%dma_start3A, %dma_start3A_27] : memref<128x128xf32, #tpu.memory_space<vmem>> -> memref<120x128xf32, #tpu.memory_space<vmem>>
      %dma_start3A_29 = arith.constant 0 : i32
      %dma_start3A_30 = tpu.memref_slice %arg8[%add3A_12, %dma_start3A_29] : memref<10112x128xf32, #tpu.memory_space<vmem_shared>> -> memref<120x128xf32, #tpu.memory_space<vmem_shared>>
      %dma_start3A_31 = arith.constant 0 : i32
      %dma_start3A_32 = tpu.memref_slice %arg8[%add3A_12, %dma_start3A_31] : memref<10112x128xf32, #tpu.memory_space<vmem_shared>> -> memref<120x128xf32, #tpu.memory_space<vmem_shared>>
      %dma_start3A_33 = arith.constant 0 : i32
      %dma_start3A_34 = arith.constant 0 : i32
      %dma_start3A_35 = tpu.memref_slice %arg7[%dma_start3A_33, %dma_start3A_34] : memref<128x128xf32, #tpu.memory_space<vmem>> -> memref<120x128xf32, #tpu.memory_space<vmem>>
      tpu.enqueue_dma source(%dma_start3A_35 : memref<120x128xf32, #tpu.memory_space<vmem>>) target(%dma_start3A_32 : memref<120x128xf32, #tpu.memory_space<vmem_shared>>) target_semaphore(%run_scoped3A : memref<!tpu.dma_semaphore, #tpu.memory_space<semaphore_mem>>)
      %dma_wait3A = arith.constant 0 : i32
      %dma_wait3A_36 = arith.constant 0 : i32
      %dma_wait3A_37 = tpu.memref_slice %arg7[%dma_wait3A, %dma_wait3A_36] : memref<128x128xf32, #tpu.memory_space<vmem>> -> memref<120x128xf32, #tpu.memory_space<vmem>>
      %dma_wait3A_38 = arith.constant 0 : i32
      %dma_wait3A_39 = tpu.memref_slice %arg8[%add3A_12, %dma_wait3A_38] : memref<10112x128xf32, #tpu.memory_space<vmem_shared>> -> memref<120x128xf32, #tpu.memory_space<vmem_shared>>
      %dma_wait3A_40 = arith.constant 0 : i32
      %dma_wait3A_41 = tpu.memref_slice %arg8[%add3A_12, %dma_wait3A_40] : memref<10112x128xf32, #tpu.memory_space<vmem_shared>> -> memref<120x128xf32, #tpu.memory_space<vmem_shared>>
      %dma_wait3A_42 = arith.constant 0 : i32
      %dma_wait3A_43 = arith.constant 0 : i32
      %dma_wait3A_44 = tpu.memref_slice %arg7[%dma_wait3A_42, %dma_wait3A_43] : memref<128x128xf32, #tpu.memory_space<vmem>> -> memref<120x128xf32, #tpu.memory_space<vmem>>
      tpu.wait_dma2 semaphore(%run_scoped3A : memref<!tpu.dma_semaphore, #tpu.memory_space<semaphore_mem>>) src(%dma_wait3A_44 : memref<120x128xf32, #tpu.memory_space<vmem>>) dst(%dma_wait3A_41 : memref<120x128xf32, #tpu.memory_space<vmem_shared>>)
      tpu.yield
    }) : () -> ()
    "tpu.region"() ({
      %run_scoped3A = tpu.sem_alloc : memref<!tpu.dma_semaphore, #tpu.memory_space<semaphore_mem>>
      tpu.enqueue_dma source(%arg3 : memref<128x128xf32, #tpu.memory_space<hbm>>) target(%arg7 : memref<128x128xf32, #tpu.memory_space<vmem>>) target_semaphore(%run_scoped3A : memref<!tpu.dma_semaphore, #tpu.memory_space<semaphore_mem>>)
      tpu.wait_dma2 semaphore(%run_scoped3A : memref<!tpu.dma_semaphore, #tpu.memory_space<semaphore_mem>>) src(%arg3 : memref<128x128xf32, #tpu.memory_space<hbm>>) dst(%arg7 : memref<128x128xf32, #tpu.memory_space<vmem>>)
      tpu.yield
    }) : () -> ()
    %barrier3A = arith.constant 0 : index
    tpu.barrier barrier_id(%barrier3A)
    %scan3A = arith.constant 0 : i32
    %scan3A_13 = arith.constant 0 : i32
    %scan3A_14 = arith.constant 40 : i32
    %scan3A_15 = arith.addi %scan3A_13, %scan3A_14 : i32
    %scan3A_16 = arith.constant 1 : i32
    scf.for %scan3A_27 = %scan3A_13 to %scan3A_15 step %scan3A_16  : i32 {
      "tpu.region"() ({
        %run_scoped3A = tpu.sem_alloc : memref<!tpu.dma_semaphore, #tpu.memory_space<semaphore_mem>>
        %dma_start3A = arith.constant 0 : i32
        %dma_start3A_28 = tpu.memref_slice %arg6[%scan3A_27, %dma_start3A] : memref<40x128xi32, #tpu.memory_space<vmem>> -> memref<1x128xi32, #tpu.memory_space<vmem>>
        %dma_start3A_29 = tpu.memref_squeeze %dma_start3A_28 : memref<1x128xi32, #tpu.memory_space<vmem>> -> memref<128xi32, #tpu.memory_space<vmem>>
        %dma_start3A_30 = arith.constant 0 : i32
        %dma_start3A_31 = arith.constant 0 : i32
        %dma_start3A_32 = tpu.memref_slice %arg8[%dma_start3A_30, %dma_start3A_31] : memref<10112x128xf32, #tpu.memory_space<vmem_shared>> -> memref<10112x128xf32, #tpu.memory_space<vmem_shared>>
        tpu.enqueue_indirect_dma source(%arg7 : memref<128x128xf32, #tpu.memory_space<vmem>>) target(%dma_start3A_32 : memref<10112x128xf32, #tpu.memory_space<vmem_shared>>) offsets(%dma_start3A_29 : memref<128xi32, #tpu.memory_space<vmem>>) semaphore(%run_scoped3A : memref<!tpu.dma_semaphore, #tpu.memory_space<semaphore_mem>>) {add = true}
        %dma_wait3A = arith.constant 0 : i32
        %dma_wait3A_33 = tpu.memref_slice %arg6[%scan3A_27, %dma_wait3A] : memref<40x128xi32, #tpu.memory_space<vmem>> -> memref<1x128xi32, #tpu.memory_space<vmem>>
        %dma_wait3A_34 = tpu.memref_squeeze %dma_wait3A_33 : memref<1x128xi32, #tpu.memory_space<vmem>> -> memref<128xi32, #tpu.memory_space<vmem>>
        %dma_wait3A_35 = arith.constant 0 : i32
        %dma_wait3A_36 = arith.constant 0 : i32
        %dma_wait3A_37 = tpu.memref_slice %arg8[%dma_wait3A_35, %dma_wait3A_36] : memref<10112x128xf32, #tpu.memory_space<vmem_shared>> -> memref<10112x128xf32, #tpu.memory_space<vmem_shared>>
        tpu.wait_indirect_dma semaphore(%run_scoped3A : memref<!tpu.dma_semaphore, #tpu.memory_space<semaphore_mem>>) src(%arg7 : memref<128x128xf32, #tpu.memory_space<vmem>>) dst(%dma_wait3A_37 : memref<10112x128xf32, #tpu.memory_space<vmem_shared>>)
        tpu.yield
      }) : () -> ()
    }
    %scan3A_17 = arith.constant 40 : i32
    %barrier3A_18 = arith.constant 0 : index
    tpu.barrier barrier_id(%barrier3A_18)
    %mul3A_19 = arith.constant 632 : i32
    %mul3A_20 = arith.muli %arg1, %mul3A_19 : i32
    %ne3A = arith.constant 15 : i32
    %ne3A_21 = arith.cmpi ne, %arg1, %ne3A : i32
    %convert_element_type3A = arith.extui %ne3A_21 : i1 to i32
    %cond3A = arith.constant 0 : i32
    %cond3A_22 = arith.cmpi ne, %convert_element_type3A, %cond3A : i32
    scf.if %cond3A_22 {
      "tpu.region"() ({
        %run_scoped3A = tpu.sem_alloc : memref<!tpu.dma_semaphore, #tpu.memory_space<semaphore_mem>>
        %dma_start3A = arith.constant 0 : i32
        %dma_start3A_27 = tpu.memref_slice %arg5[%arg0, %mul3A_20, %dma_start3A] : memref<2x10000x128xf32, #tpu.memory_space<hbm>> -> memref<1x632x128xf32, #tpu.memory_space<hbm>>
        %dma_start3A_28 = tpu.memref_squeeze %dma_start3A_27 : memref<1x632x128xf32, #tpu.memory_space<hbm>> -> memref<632x128xf32, #tpu.memory_space<hbm>>
        %dma_start3A_29 = arith.constant 0 : i32
        %dma_start3A_30 = tpu.memref_slice %arg8[%mul3A_20, %dma_start3A_29] : memref<10112x128xf32, #tpu.memory_space<vmem_shared>> -> memref<632x128xf32, #tpu.memory_space<vmem_shared>>
        tpu.enqueue_dma source(%dma_start3A_30 : memref<632x128xf32, #tpu.memory_space<vmem_shared>>) target(%dma_start3A_28 : memref<632x128xf32, #tpu.memory_space<hbm>>) target_semaphore(%run_scoped3A : memref<!tpu.dma_semaphore, #tpu.memory_space<semaphore_mem>>)
        %dma_wait3A = arith.constant 0 : i32
        %dma_wait3A_31 = tpu.memref_slice %arg5[%arg0, %mul3A_20, %dma_wait3A] : memref<2x10000x128xf32, #tpu.memory_space<hbm>> -> memref<1x632x128xf32, #tpu.memory_space<hbm>>
        %dma_wait3A_32 = tpu.memref_squeeze %dma_wait3A_31 : memref<1x632x128xf32, #tpu.memory_space<hbm>> -> memref<632x128xf32, #tpu.memory_space<hbm>>
        %dma_wait3A_33 = arith.constant 0 : i32
        %dma_wait3A_34 = tpu.memref_slice %arg8[%mul3A_20, %dma_wait3A_33] : memref<10112x128xf32, #tpu.memory_space<vmem_shared>> -> memref<632x128xf32, #tpu.memory_space<vmem_shared>>
        tpu.wait_dma2 semaphore(%run_scoped3A : memref<!tpu.dma_semaphore, #tpu.memory_space<semaphore_mem>>) src(%dma_wait3A_34 : memref<632x128xf32, #tpu.memory_space<vmem_shared>>) dst(%dma_wait3A_32 : memref<632x128xf32, #tpu.memory_space<hbm>>)
        tpu.yield
      }) : () -> ()
    } else {
    }
    %eq3A = arith.constant 15 : i32
    %eq3A_23 = arith.cmpi eq, %arg1, %eq3A : i32
    %convert_element_type3A_24 = arith.extui %eq3A_23 : i1 to i32
    %cond3A_25 = arith.constant 0 : i32
    %cond3A_26 = arith.cmpi ne, %convert_element_type3A_24, %cond3A_25 : i32
    scf.if %cond3A_26 {
      "tpu.region"() ({
        %run_scoped3A = tpu.sem_alloc : memref<!tpu.dma_semaphore, #tpu.memory_space<semaphore_mem>>
        %dma_start3A = arith.constant 9480 : i32
        %dma_start3A_27 = arith.constant 0 : i32
        %dma_start3A_28 = tpu.memref_slice %arg5[%arg0, %dma_start3A, %dma_start3A_27] : memref<2x10000x128xf32, #tpu.memory_space<hbm>> -> memref<1x520x128xf32, #tpu.memory_space<hbm>>
        %dma_start3A_29 = tpu.memref_squeeze %dma_start3A_28 : memref<1x520x128xf32, #tpu.memory_space<hbm>> -> memref<520x128xf32, #tpu.memory_space<hbm>>
        %dma_start3A_30 = arith.constant 9480 : i32
        %dma_start3A_31 = arith.constant 0 : i32
        %dma_start3A_32 = tpu.memref_slice %arg8[%dma_start3A_30, %dma_start3A_31] : memref<10112x128xf32, #tpu.memory_space<vmem_shared>> -> memref<520x128xf32, #tpu.memory_space<vmem_shared>>
        tpu.enqueue_dma source(%dma_start3A_32 : memref<520x128xf32, #tpu.memory_space<vmem_shared>>) target(%dma_start3A_29 : memref<520x128xf32, #tpu.memory_space<hbm>>) target_semaphore(%run_scoped3A : memref<!tpu.dma_semaphore, #tpu.memory_space<semaphore_mem>>)
        %dma_wait3A = arith.constant 9480 : i32
        %dma_wait3A_33 = arith.constant 0 : i32
        %dma_wait3A_34 = tpu.memref_slice %arg5[%arg0, %dma_wait3A, %dma_wait3A_33] : memref<2x10000x128xf32, #tpu.memory_space<hbm>> -> memref<1x520x128xf32, #tpu.memory_space<hbm>>
        %dma_wait3A_35 = tpu.memref_squeeze %dma_wait3A_34 : memref<1x520x128xf32, #tpu.memory_space<hbm>> -> memref<520x128xf32, #tpu.memory_space<hbm>>
        %dma_wait3A_36 = arith.constant 9480 : i32
        %dma_wait3A_37 = arith.constant 0 : i32
        %dma_wait3A_38 = tpu.memref_slice %arg8[%dma_wait3A_36, %dma_wait3A_37] : memref<10112x128xf32, #tpu.memory_space<vmem_shared>> -> memref<520x128xf32, #tpu.memory_space<vmem_shared>>
        tpu.wait_dma2 semaphore(%run_scoped3A : memref<!tpu.dma_semaphore, #tpu.memory_space<semaphore_mem>>) src(%dma_wait3A_38 : memref<520x128xf32, #tpu.memory_space<vmem_shared>>) dst(%dma_wait3A_35 : memref<520x128xf32, #tpu.memory_space<hbm>>)
        tpu.yield
      }) : () -> ()
    } else {
    }
    return
  }
}

#map = affine_map<(d0, d1) -> (0, 0)>
#map1 = affine_map<(d0, d1) -> (0, 0, 0)>
module attributes {stable_mosaic.version = 14 : i64} {
  func.func @scatter_kernel(%arg0: i32, %arg1: i32, %arg2: memref<20000x128xf32, #tpu.memory_space<hbm>>, %arg3: memref<2x16x10112xi32, #tpu.memory_space<hbm>>, %arg4: memref<16x10112xi32, #tpu.memory_space<hbm>>, %arg5: memref<128x128xf32, #tpu.memory_space<hbm>>, %arg6: memref<2x10000x128xf32, #tpu.memory_space<hbm>>, %arg7: memref<10112xi32, #tpu.memory_space<vmem>>, %arg8: memref<10112xi32, #tpu.memory_space<vmem>>, %arg9: memref<128x128xf32, #tpu.memory_space<vmem>>, %arg10: memref<10112x128xf32, #tpu.memory_space<vmem_shared>>) attributes {dimension_semantics = [#tpu.dimension_semantics<core_parallel>, #tpu.dimension_semantics<subcore_parallel>], iteration_bounds = array<i64: 2, 16>, scalar_prefetch = 0 : i64, scratch_operands = 4 : i64, tpu.core_type = #tpu.core_type<sc_vector_subcore>, window_params = [{transform_indices = #map}, {transform_indices = #map1}, {transform_indices = #map}, {transform_indices = #map}, {transform_indices = #map1}]} {
    "tpu.region"() ({
      %run_scoped3A = tpu.sem_alloc : memref<!tpu.dma_semaphore, #tpu.memory_space<semaphore_mem>>
      %dma_start3A = arith.constant 0 : i32
      %dma_start3A_24 = tpu.memref_slice %arg3[%arg0, %arg1, %dma_start3A] : memref<2x16x10112xi32, #tpu.memory_space<hbm>> -> memref<1x1x10112xi32, #tpu.memory_space<hbm>>
      %dma_start3A_25 = tpu.memref_squeeze %dma_start3A_24 : memref<1x1x10112xi32, #tpu.memory_space<hbm>> -> memref<10112xi32, #tpu.memory_space<hbm>>
      %dma_start3A_26 = arith.constant 0 : i32
      %dma_start3A_27 = tpu.memref_slice %arg3[%arg0, %arg1, %dma_start3A_26] : memref<2x16x10112xi32, #tpu.memory_space<hbm>> -> memref<1x1x10112xi32, #tpu.memory_space<hbm>>
      %dma_start3A_28 = tpu.memref_squeeze %dma_start3A_27 : memref<1x1x10112xi32, #tpu.memory_space<hbm>> -> memref<10112xi32, #tpu.memory_space<hbm>>
      tpu.enqueue_dma source(%dma_start3A_28 : memref<10112xi32, #tpu.memory_space<hbm>>) target(%arg7 : memref<10112xi32, #tpu.memory_space<vmem>>) target_semaphore(%run_scoped3A : memref<!tpu.dma_semaphore, #tpu.memory_space<semaphore_mem>>)
      %dma_wait3A = arith.constant 0 : i32
      %dma_wait3A_29 = tpu.memref_slice %arg3[%arg0, %arg1, %dma_wait3A] : memref<2x16x10112xi32, #tpu.memory_space<hbm>> -> memref<1x1x10112xi32, #tpu.memory_space<hbm>>
      %dma_wait3A_30 = tpu.memref_squeeze %dma_wait3A_29 : memref<1x1x10112xi32, #tpu.memory_space<hbm>> -> memref<10112xi32, #tpu.memory_space<hbm>>
      %dma_wait3A_31 = arith.constant 0 : i32
      %dma_wait3A_32 = tpu.memref_slice %arg3[%arg0, %arg1, %dma_wait3A_31] : memref<2x16x10112xi32, #tpu.memory_space<hbm>> -> memref<1x1x10112xi32, #tpu.memory_space<hbm>>
      %dma_wait3A_33 = tpu.memref_squeeze %dma_wait3A_32 : memref<1x1x10112xi32, #tpu.memory_space<hbm>> -> memref<10112xi32, #tpu.memory_space<hbm>>
      tpu.wait_dma2 semaphore(%run_scoped3A : memref<!tpu.dma_semaphore, #tpu.memory_space<semaphore_mem>>) src(%dma_wait3A_33 : memref<10112xi32, #tpu.memory_space<hbm>>) dst(%arg7 : memref<10112xi32, #tpu.memory_space<vmem>>)
      tpu.yield
    }) : () -> ()
    "tpu.region"() ({
      %run_scoped3A = tpu.sem_alloc : memref<!tpu.dma_semaphore, #tpu.memory_space<semaphore_mem>>
      %dma_start3A = arith.constant 0 : i32
      %dma_start3A_24 = tpu.memref_slice %arg4[%arg1, %dma_start3A] : memref<16x10112xi32, #tpu.memory_space<hbm>> -> memref<1x10112xi32, #tpu.memory_space<hbm>>
      %dma_start3A_25 = tpu.memref_squeeze %dma_start3A_24 : memref<1x10112xi32, #tpu.memory_space<hbm>> -> memref<10112xi32, #tpu.memory_space<hbm>>
      %dma_start3A_26 = arith.constant 0 : i32
      %dma_start3A_27 = tpu.memref_slice %arg4[%arg1, %dma_start3A_26] : memref<16x10112xi32, #tpu.memory_space<hbm>> -> memref<1x10112xi32, #tpu.memory_space<hbm>>
      %dma_start3A_28 = tpu.memref_squeeze %dma_start3A_27 : memref<1x10112xi32, #tpu.memory_space<hbm>> -> memref<10112xi32, #tpu.memory_space<hbm>>
      tpu.enqueue_dma source(%dma_start3A_28 : memref<10112xi32, #tpu.memory_space<hbm>>) target(%arg8 : memref<10112xi32, #tpu.memory_space<vmem>>) target_semaphore(%run_scoped3A : memref<!tpu.dma_semaphore, #tpu.memory_space<semaphore_mem>>)
      %dma_wait3A = arith.constant 0 : i32
      %dma_wait3A_29 = tpu.memref_slice %arg4[%arg1, %dma_wait3A] : memref<16x10112xi32, #tpu.memory_space<hbm>> -> memref<1x10112xi32, #tpu.memory_space<hbm>>
      %dma_wait3A_30 = tpu.memref_squeeze %dma_wait3A_29 : memref<1x10112xi32, #tpu.memory_space<hbm>> -> memref<10112xi32, #tpu.memory_space<hbm>>
      %dma_wait3A_31 = arith.constant 0 : i32
      %dma_wait3A_32 = tpu.memref_slice %arg4[%arg1, %dma_wait3A_31] : memref<16x10112xi32, #tpu.memory_space<hbm>> -> memref<1x10112xi32, #tpu.memory_space<hbm>>
      %dma_wait3A_33 = tpu.memref_squeeze %dma_wait3A_32 : memref<1x10112xi32, #tpu.memory_space<hbm>> -> memref<10112xi32, #tpu.memory_space<hbm>>
      tpu.wait_dma2 semaphore(%run_scoped3A : memref<!tpu.dma_semaphore, #tpu.memory_space<semaphore_mem>>) src(%dma_wait3A_33 : memref<10112xi32, #tpu.memory_space<hbm>>) dst(%arg8 : memref<10112xi32, #tpu.memory_space<vmem>>)
      tpu.yield
    }) : () -> ()
    "tpu.region"() ({
      %run_scoped3A = tpu.sem_alloc : memref<!tpu.dma_semaphore, #tpu.memory_space<semaphore_mem>>
      tpu.enqueue_dma source(%arg5 : memref<128x128xf32, #tpu.memory_space<hbm>>) target(%arg9 : memref<128x128xf32, #tpu.memory_space<vmem>>) target_semaphore(%run_scoped3A : memref<!tpu.dma_semaphore, #tpu.memory_space<semaphore_mem>>)
      tpu.wait_dma2 semaphore(%run_scoped3A : memref<!tpu.dma_semaphore, #tpu.memory_space<semaphore_mem>>) src(%arg5 : memref<128x128xf32, #tpu.memory_space<hbm>>) dst(%arg9 : memref<128x128xf32, #tpu.memory_space<vmem>>)
      tpu.yield
    }) : () -> ()
    %mul3A = arith.constant 632 : i32
    %mul3A_0 = arith.muli %arg1, %mul3A : i32
    %add3A = arith.constant 0 : i32
    %add3A_1 = arith.addi %mul3A_0, %add3A : i32
    "tpu.region"() ({
      %run_scoped3A = tpu.sem_alloc : memref<!tpu.dma_semaphore, #tpu.memory_space<semaphore_mem>>
      %dma_start3A = arith.constant 0 : i32
      %dma_start3A_24 = arith.constant 0 : i32
      %dma_start3A_25 = tpu.memref_slice %arg9[%dma_start3A, %dma_start3A_24] : memref<128x128xf32, #tpu.memory_space<vmem>> -> memref<128x128xf32, #tpu.memory_space<vmem>>
      %dma_start3A_26 = arith.constant 0 : i32
      %dma_start3A_27 = tpu.memref_slice %arg10[%add3A_1, %dma_start3A_26] : memref<10112x128xf32, #tpu.memory_space<vmem_shared>> -> memref<128x128xf32, #tpu.memory_space<vmem_shared>>
      %dma_start3A_28 = arith.constant 0 : i32
      %dma_start3A_29 = tpu.memref_slice %arg10[%add3A_1, %dma_start3A_28] : memref<10112x128xf32, #tpu.memory_space<vmem_shared>> -> memref<128x128xf32, #tpu.memory_space<vmem_shared>>
      %dma_start3A_30 = arith.constant 0 : i32
      %dma_start3A_31 = arith.constant 0 : i32
      %dma_start3A_32 = tpu.memref_slice %arg9[%dma_start3A_30, %dma_start3A_31] : memref<128x128xf32, #tpu.memory_space<vmem>> -> memref<128x128xf32, #tpu.memory_space<vmem>>
      tpu.enqueue_dma source(%dma_start3A_32 : memref<128x128xf32, #tpu.memory_space<vmem>>) target(%dma_start3A_29 : memref<128x128xf32, #tpu.memory_space<vmem_shared>>) target_semaphore(%run_scoped3A : memref<!tpu.dma_semaphore, #tpu.memory_space<semaphore_mem>>)
      %dma_wait3A = arith.constant 0 : i32
      %dma_wait3A_33 = arith.constant 0 : i32
      %dma_wait3A_34 = tpu.memref_slice %arg9[%dma_wait3A, %dma_wait3A_33] : memref<128x128xf32, #tpu.memory_space<vmem>> -> memref<128x128xf32, #tpu.memory_space<vmem>>
      %dma_wait3A_35 = arith.constant 0 : i32
      %dma_wait3A_36 = tpu.memref_slice %arg10[%add3A_1, %dma_wait3A_35] : memref<10112x128xf32, #tpu.memory_space<vmem_shared>> -> memref<128x128xf32, #tpu.memory_space<vmem_shared>>
      %dma_wait3A_37 = arith.constant 0 : i32
      %dma_wait3A_38 = tpu.memref_slice %arg10[%add3A_1, %dma_wait3A_37] : memref<10112x128xf32, #tpu.memory_space<vmem_shared>> -> memref<128x128xf32, #tpu.memory_space<vmem_shared>>
      %dma_wait3A_39 = arith.constant 0 : i32
      %dma_wait3A_40 = arith.constant 0 : i32
      %dma_wait3A_41 = tpu.memref_slice %arg9[%dma_wait3A_39, %dma_wait3A_40] : memref<128x128xf32, #tpu.memory_space<vmem>> -> memref<128x128xf32, #tpu.memory_space<vmem>>
      tpu.wait_dma2 semaphore(%run_scoped3A : memref<!tpu.dma_semaphore, #tpu.memory_space<semaphore_mem>>) src(%dma_wait3A_41 : memref<128x128xf32, #tpu.memory_space<vmem>>) dst(%dma_wait3A_38 : memref<128x128xf32, #tpu.memory_space<vmem_shared>>)
      tpu.yield
    }) : () -> ()
    %add3A_2 = arith.constant 128 : i32
    %add3A_3 = arith.addi %mul3A_0, %add3A_2 : i32
    "tpu.region"() ({
      %run_scoped3A = tpu.sem_alloc : memref<!tpu.dma_semaphore, #tpu.memory_space<semaphore_mem>>
      %dma_start3A = arith.constant 0 : i32
      %dma_start3A_24 = arith.constant 0 : i32
      %dma_start3A_25 = tpu.memref_slice %arg9[%dma_start3A, %dma_start3A_24] : memref<128x128xf32, #tpu.memory_space<vmem>> -> memref<128x128xf32, #tpu.memory_space<vmem>>
      %dma_start3A_26 = arith.constant 0 : i32
      %dma_start3A_27 = tpu.memref_slice %arg10[%add3A_3, %dma_start3A_26] : memref<10112x128xf32, #tpu.memory_space<vmem_shared>> -> memref<128x128xf32, #tpu.memory_space<vmem_shared>>
      %dma_start3A_28 = arith.constant 0 : i32
      %dma_start3A_29 = tpu.memref_slice %arg10[%add3A_3, %dma_start3A_28] : memref<10112x128xf32, #tpu.memory_space<vmem_shared>> -> memref<128x128xf32, #tpu.memory_space<vmem_shared>>
      %dma_start3A_30 = arith.constant 0 : i32
      %dma_start3A_31 = arith.constant 0 : i32
      %dma_start3A_32 = tpu.memref_slice %arg9[%dma_start3A_30, %dma_start3A_31] : memref<128x128xf32, #tpu.memory_space<vmem>> -> memref<128x128xf32, #tpu.memory_space<vmem>>
      tpu.enqueue_dma source(%dma_start3A_32 : memref<128x128xf32, #tpu.memory_space<vmem>>) target(%dma_start3A_29 : memref<128x128xf32, #tpu.memory_space<vmem_shared>>) target_semaphore(%run_scoped3A : memref<!tpu.dma_semaphore, #tpu.memory_space<semaphore_mem>>)
      %dma_wait3A = arith.constant 0 : i32
      %dma_wait3A_33 = arith.constant 0 : i32
      %dma_wait3A_34 = tpu.memref_slice %arg9[%dma_wait3A, %dma_wait3A_33] : memref<128x128xf32, #tpu.memory_space<vmem>> -> memref<128x128xf32, #tpu.memory_space<vmem>>
      %dma_wait3A_35 = arith.constant 0 : i32
      %dma_wait3A_36 = tpu.memref_slice %arg10[%add3A_3, %dma_wait3A_35] : memref<10112x128xf32, #tpu.memory_space<vmem_shared>> -> memref<128x128xf32, #tpu.memory_space<vmem_shared>>
      %dma_wait3A_37 = arith.constant 0 : i32
      %dma_wait3A_38 = tpu.memref_slice %arg10[%add3A_3, %dma_wait3A_37] : memref<10112x128xf32, #tpu.memory_space<vmem_shared>> -> memref<128x128xf32, #tpu.memory_space<vmem_shared>>
      %dma_wait3A_39 = arith.constant 0 : i32
      %dma_wait3A_40 = arith.constant 0 : i32
      %dma_wait3A_41 = tpu.memref_slice %arg9[%dma_wait3A_39, %dma_wait3A_40] : memref<128x128xf32, #tpu.memory_space<vmem>> -> memref<128x128xf32, #tpu.memory_space<vmem>>
      tpu.wait_dma2 semaphore(%run_scoped3A : memref<!tpu.dma_semaphore, #tpu.memory_space<semaphore_mem>>) src(%dma_wait3A_41 : memref<128x128xf32, #tpu.memory_space<vmem>>) dst(%dma_wait3A_38 : memref<128x128xf32, #tpu.memory_space<vmem_shared>>)
      tpu.yield
    }) : () -> ()
    %add3A_4 = arith.constant 256 : i32
    %add3A_5 = arith.addi %mul3A_0, %add3A_4 : i32
    "tpu.region"() ({
      %run_scoped3A = tpu.sem_alloc : memref<!tpu.dma_semaphore, #tpu.memory_space<semaphore_mem>>
      %dma_start3A = arith.constant 0 : i32
      %dma_start3A_24 = arith.constant 0 : i32
      %dma_start3A_25 = tpu.memref_slice %arg9[%dma_start3A, %dma_start3A_24] : memref<128x128xf32, #tpu.memory_space<vmem>> -> memref<128x128xf32, #tpu.memory_space<vmem>>
      %dma_start3A_26 = arith.constant 0 : i32
      %dma_start3A_27 = tpu.memref_slice %arg10[%add3A_5, %dma_start3A_26] : memref<10112x128xf32, #tpu.memory_space<vmem_shared>> -> memref<128x128xf32, #tpu.memory_space<vmem_shared>>
      %dma_start3A_28 = arith.constant 0 : i32
      %dma_start3A_29 = tpu.memref_slice %arg10[%add3A_5, %dma_start3A_28] : memref<10112x128xf32, #tpu.memory_space<vmem_shared>> -> memref<128x128xf32, #tpu.memory_space<vmem_shared>>
      %dma_start3A_30 = arith.constant 0 : i32
      %dma_start3A_31 = arith.constant 0 : i32
      %dma_start3A_32 = tpu.memref_slice %arg9[%dma_start3A_30, %dma_start3A_31] : memref<128x128xf32, #tpu.memory_space<vmem>> -> memref<128x128xf32, #tpu.memory_space<vmem>>
      tpu.enqueue_dma source(%dma_start3A_32 : memref<128x128xf32, #tpu.memory_space<vmem>>) target(%dma_start3A_29 : memref<128x128xf32, #tpu.memory_space<vmem_shared>>) target_semaphore(%run_scoped3A : memref<!tpu.dma_semaphore, #tpu.memory_space<semaphore_mem>>)
      %dma_wait3A = arith.constant 0 : i32
      %dma_wait3A_33 = arith.constant 0 : i32
      %dma_wait3A_34 = tpu.memref_slice %arg9[%dma_wait3A, %dma_wait3A_33] : memref<128x128xf32, #tpu.memory_space<vmem>> -> memref<128x128xf32, #tpu.memory_space<vmem>>
      %dma_wait3A_35 = arith.constant 0 : i32
      %dma_wait3A_36 = tpu.memref_slice %arg10[%add3A_5, %dma_wait3A_35] : memref<10112x128xf32, #tpu.memory_space<vmem_shared>> -> memref<128x128xf32, #tpu.memory_space<vmem_shared>>
      %dma_wait3A_37 = arith.constant 0 : i32
      %dma_wait3A_38 = tpu.memref_slice %arg10[%add3A_5, %dma_wait3A_37] : memref<10112x128xf32, #tpu.memory_space<vmem_shared>> -> memref<128x128xf32, #tpu.memory_space<vmem_shared>>
      %dma_wait3A_39 = arith.constant 0 : i32
      %dma_wait3A_40 = arith.constant 0 : i32
      %dma_wait3A_41 = tpu.memref_slice %arg9[%dma_wait3A_39, %dma_wait3A_40] : memref<128x128xf32, #tpu.memory_space<vmem>> -> memref<128x128xf32, #tpu.memory_space<vmem>>
      tpu.wait_dma2 semaphore(%run_scoped3A : memref<!tpu.dma_semaphore, #tpu.memory_space<semaphore_mem>>) src(%dma_wait3A_41 : memref<128x128xf32, #tpu.memory_space<vmem>>) dst(%dma_wait3A_38 : memref<128x128xf32, #tpu.memory_space<vmem_shared>>)
      tpu.yield
    }) : () -> ()
    %add3A_6 = arith.constant 384 : i32
    %add3A_7 = arith.addi %mul3A_0, %add3A_6 : i32
    "tpu.region"() ({
      %run_scoped3A = tpu.sem_alloc : memref<!tpu.dma_semaphore, #tpu.memory_space<semaphore_mem>>
      %dma_start3A = arith.constant 0 : i32
      %dma_start3A_24 = arith.constant 0 : i32
      %dma_start3A_25 = tpu.memref_slice %arg9[%dma_start3A, %dma_start3A_24] : memref<128x128xf32, #tpu.memory_space<vmem>> -> memref<128x128xf32, #tpu.memory_space<vmem>>
      %dma_start3A_26 = arith.constant 0 : i32
      %dma_start3A_27 = tpu.memref_slice %arg10[%add3A_7, %dma_start3A_26] : memref<10112x128xf32, #tpu.memory_space<vmem_shared>> -> memref<128x128xf32, #tpu.memory_space<vmem_shared>>
      %dma_start3A_28 = arith.constant 0 : i32
      %dma_start3A_29 = tpu.memref_slice %arg10[%add3A_7, %dma_start3A_28] : memref<10112x128xf32, #tpu.memory_space<vmem_shared>> -> memref<128x128xf32, #tpu.memory_space<vmem_shared>>
      %dma_start3A_30 = arith.constant 0 : i32
      %dma_start3A_31 = arith.constant 0 : i32
      %dma_start3A_32 = tpu.memref_slice %arg9[%dma_start3A_30, %dma_start3A_31] : memref<128x128xf32, #tpu.memory_space<vmem>> -> memref<128x128xf32, #tpu.memory_space<vmem>>
      tpu.enqueue_dma source(%dma_start3A_32 : memref<128x128xf32, #tpu.memory_space<vmem>>) target(%dma_start3A_29 : memref<128x128xf32, #tpu.memory_space<vmem_shared>>) target_semaphore(%run_scoped3A : memref<!tpu.dma_semaphore, #tpu.memory_space<semaphore_mem>>)
      %dma_wait3A = arith.constant 0 : i32
      %dma_wait3A_33 = arith.constant 0 : i32
      %dma_wait3A_34 = tpu.memref_slice %arg9[%dma_wait3A, %dma_wait3A_33] : memref<128x128xf32, #tpu.memory_space<vmem>> -> memref<128x128xf32, #tpu.memory_space<vmem>>
      %dma_wait3A_35 = arith.constant 0 : i32
      %dma_wait3A_36 = tpu.memref_slice %arg10[%add3A_7, %dma_wait3A_35] : memref<10112x128xf32, #tpu.memory_space<vmem_shared>> -> memref<128x128xf32, #tpu.memory_space<vmem_shared>>
      %dma_wait3A_37 = arith.constant 0 : i32
      %dma_wait3A_38 = tpu.memref_slice %arg10[%add3A_7, %dma_wait3A_37] : memref<10112x128xf32, #tpu.memory_space<vmem_shared>> -> memref<128x128xf32, #tpu.memory_space<vmem_shared>>
      %dma_wait3A_39 = arith.constant 0 : i32
      %dma_wait3A_40 = arith.constant 0 : i32
      %dma_wait3A_41 = tpu.memref_slice %arg9[%dma_wait3A_39, %dma_wait3A_40] : memref<128x128xf32, #tpu.memory_space<vmem>> -> memref<128x128xf32, #tpu.memory_space<vmem>>
      tpu.wait_dma2 semaphore(%run_scoped3A : memref<!tpu.dma_semaphore, #tpu.memory_space<semaphore_mem>>) src(%dma_wait3A_41 : memref<128x128xf32, #tpu.memory_space<vmem>>) dst(%dma_wait3A_38 : memref<128x128xf32, #tpu.memory_space<vmem_shared>>)
      tpu.yield
    }) : () -> ()
    %add3A_8 = arith.constant 512 : i32
    %add3A_9 = arith.addi %mul3A_0, %add3A_8 : i32
    "tpu.region"() ({
      %run_scoped3A = tpu.sem_alloc : memref<!tpu.dma_semaphore, #tpu.memory_space<semaphore_mem>>
      %dma_start3A = arith.constant 0 : i32
      %dma_start3A_24 = arith.constant 0 : i32
      %dma_start3A_25 = tpu.memref_slice %arg9[%dma_start3A, %dma_start3A_24] : memref<128x128xf32, #tpu.memory_space<vmem>> -> memref<120x128xf32, #tpu.memory_space<vmem>>
      %dma_start3A_26 = arith.constant 0 : i32
      %dma_start3A_27 = tpu.memref_slice %arg10[%add3A_9, %dma_start3A_26] : memref<10112x128xf32, #tpu.memory_space<vmem_shared>> -> memref<120x128xf32, #tpu.memory_space<vmem_shared>>
      %dma_start3A_28 = arith.constant 0 : i32
      %dma_start3A_29 = tpu.memref_slice %arg10[%add3A_9, %dma_start3A_28] : memref<10112x128xf32, #tpu.memory_space<vmem_shared>> -> memref<120x128xf32, #tpu.memory_space<vmem_shared>>
      %dma_start3A_30 = arith.constant 0 : i32
      %dma_start3A_31 = arith.constant 0 : i32
      %dma_start3A_32 = tpu.memref_slice %arg9[%dma_start3A_30, %dma_start3A_31] : memref<128x128xf32, #tpu.memory_space<vmem>> -> memref<120x128xf32, #tpu.memory_space<vmem>>
      tpu.enqueue_dma source(%dma_start3A_32 : memref<120x128xf32, #tpu.memory_space<vmem>>) target(%dma_start3A_29 : memref<120x128xf32, #tpu.memory_space<vmem_shared>>) target_semaphore(%run_scoped3A : memref<!tpu.dma_semaphore, #tpu.memory_space<semaphore_mem>>)
      %dma_wait3A = arith.constant 0 : i32
      %dma_wait3A_33 = arith.constant 0 : i32
      %dma_wait3A_34 = tpu.memref_slice %arg9[%dma_wait3A, %dma_wait3A_33] : memref<128x128xf32, #tpu.memory_space<vmem>> -> memref<120x128xf32, #tpu.memory_space<vmem>>
      %dma_wait3A_35 = arith.constant 0 : i32
      %dma_wait3A_36 = tpu.memref_slice %arg10[%add3A_9, %dma_wait3A_35] : memref<10112x128xf32, #tpu.memory_space<vmem_shared>> -> memref<120x128xf32, #tpu.memory_space<vmem_shared>>
      %dma_wait3A_37 = arith.constant 0 : i32
      %dma_wait3A_38 = tpu.memref_slice %arg10[%add3A_9, %dma_wait3A_37] : memref<10112x128xf32, #tpu.memory_space<vmem_shared>> -> memref<120x128xf32, #tpu.memory_space<vmem_shared>>
      %dma_wait3A_39 = arith.constant 0 : i32
      %dma_wait3A_40 = arith.constant 0 : i32
      %dma_wait3A_41 = tpu.memref_slice %arg9[%dma_wait3A_39, %dma_wait3A_40] : memref<128x128xf32, #tpu.memory_space<vmem>> -> memref<120x128xf32, #tpu.memory_space<vmem>>
      tpu.wait_dma2 semaphore(%run_scoped3A : memref<!tpu.dma_semaphore, #tpu.memory_space<semaphore_mem>>) src(%dma_wait3A_41 : memref<120x128xf32, #tpu.memory_space<vmem>>) dst(%dma_wait3A_38 : memref<120x128xf32, #tpu.memory_space<vmem_shared>>)
      tpu.yield
    }) : () -> ()
    %barrier3A = arith.constant 0 : index
    tpu.barrier barrier_id(%barrier3A)
    %scan3A = arith.constant 0 : i32
    %scan3A_10 = arith.constant 0 : i32
    %scan3A_11 = arith.constant 79 : i32
    %scan3A_12 = arith.addi %scan3A_10, %scan3A_11 : i32
    %scan3A_13 = arith.constant 1 : i32
    scf.for %scan3A_24 = %scan3A_10 to %scan3A_12 step %scan3A_13  : i32 {
      %mul3A_25 = arith.constant 128 : i32
      %mul3A_26 = arith.muli %scan3A_24, %mul3A_25 : i32
      "tpu.region"() ({
        %run_scoped3A = tpu.sem_alloc : memref<!tpu.dma_semaphore, #tpu.memory_space<semaphore_mem>>
        %dma_start3A = tpu.memref_slice %arg7[%mul3A_26] : memref<10112xi32, #tpu.memory_space<vmem>> -> memref<128xi32, #tpu.memory_space<vmem>>
        %dma_start3A_29 = arith.constant 0 : i32
        %dma_start3A_30 = arith.constant 0 : i32
        %dma_start3A_31 = tpu.memref_slice %arg2[%dma_start3A_29, %dma_start3A_30] : memref<20000x128xf32, #tpu.memory_space<hbm>> -> memref<20000x128xf32, #tpu.memory_space<hbm>>
        tpu.enqueue_indirect_dma source(%dma_start3A_31 : memref<20000x128xf32, #tpu.memory_space<hbm>>) target(%arg9 : memref<128x128xf32, #tpu.memory_space<vmem>>) offsets(%dma_start3A : memref<128xi32, #tpu.memory_space<vmem>>) semaphore(%run_scoped3A : memref<!tpu.dma_semaphore, #tpu.memory_space<semaphore_mem>>)
        %dma_wait3A = tpu.memref_slice %arg7[%mul3A_26] : memref<10112xi32, #tpu.memory_space<vmem>> -> memref<128xi32, #tpu.memory_space<vmem>>
        %dma_wait3A_32 = arith.constant 0 : i32
        %dma_wait3A_33 = arith.constant 0 : i32
        %dma_wait3A_34 = tpu.memref_slice %arg2[%dma_wait3A_32, %dma_wait3A_33] : memref<20000x128xf32, #tpu.memory_space<hbm>> -> memref<20000x128xf32, #tpu.memory_space<hbm>>
        tpu.wait_indirect_dma semaphore(%run_scoped3A : memref<!tpu.dma_semaphore, #tpu.memory_space<semaphore_mem>>) src(%dma_wait3A_34 : memref<20000x128xf32, #tpu.memory_space<hbm>>) dst(%arg9 : memref<128x128xf32, #tpu.memory_space<vmem>>)
        tpu.yield
      }) : () -> ()
      %mul3A_27 = arith.constant 128 : i32
      %mul3A_28 = arith.muli %scan3A_24, %mul3A_27 : i32
      "tpu.region"() ({
        %run_scoped3A = tpu.sem_alloc : memref<!tpu.dma_semaphore, #tpu.memory_space<semaphore_mem>>
        %dma_start3A = tpu.memref_slice %arg8[%mul3A_28] : memref<10112xi32, #tpu.memory_space<vmem>> -> memref<128xi32, #tpu.memory_space<vmem>>
        %dma_start3A_29 = arith.constant 0 : i32
        %dma_start3A_30 = arith.constant 0 : i32
        %dma_start3A_31 = tpu.memref_slice %arg10[%dma_start3A_29, %dma_start3A_30] : memref<10112x128xf32, #tpu.memory_space<vmem_shared>> -> memref<10112x128xf32, #tpu.memory_space<vmem_shared>>
        tpu.enqueue_indirect_dma source(%arg9 : memref<128x128xf32, #tpu.memory_space<vmem>>) target(%dma_start3A_31 : memref<10112x128xf32, #tpu.memory_space<vmem_shared>>) offsets(%dma_start3A : memref<128xi32, #tpu.memory_space<vmem>>) semaphore(%run_scoped3A : memref<!tpu.dma_semaphore, #tpu.memory_space<semaphore_mem>>) {add = true}
        %dma_wait3A = tpu.memref_slice %arg8[%mul3A_28] : memref<10112xi32, #tpu.memory_space<vmem>> -> memref<128xi32, #tpu.memory_space<vmem>>
        %dma_wait3A_32 = arith.constant 0 : i32
        %dma_wait3A_33 = arith.constant 0 : i32
        %dma_wait3A_34 = tpu.memref_slice %arg10[%dma_wait3A_32, %dma_wait3A_33] : memref<10112x128xf32, #tpu.memory_space<vmem_shared>> -> memref<10112x128xf32, #tpu.memory_space<vmem_shared>>
        tpu.wait_indirect_dma semaphore(%run_scoped3A : memref<!tpu.dma_semaphore, #tpu.memory_space<semaphore_mem>>) src(%arg9 : memref<128x128xf32, #tpu.memory_space<vmem>>) dst(%dma_wait3A_34 : memref<10112x128xf32, #tpu.memory_space<vmem_shared>>)
        tpu.yield
      }) : () -> ()
    }
    %scan3A_14 = arith.constant 79 : i32
    %barrier3A_15 = arith.constant 0 : index
    tpu.barrier barrier_id(%barrier3A_15)
    %mul3A_16 = arith.constant 632 : i32
    %mul3A_17 = arith.muli %arg1, %mul3A_16 : i32
    %ne3A = arith.constant 15 : i32
    %ne3A_18 = arith.cmpi ne, %arg1, %ne3A : i32
    %convert_element_type3A = arith.extui %ne3A_18 : i1 to i32
    %cond3A = arith.constant 0 : i32
    %cond3A_19 = arith.cmpi ne, %convert_element_type3A, %cond3A : i32
    scf.if %cond3A_19 {
      "tpu.region"() ({
        %run_scoped3A = tpu.sem_alloc : memref<!tpu.dma_semaphore, #tpu.memory_space<semaphore_mem>>
        %dma_start3A = arith.constant 0 : i32
        %dma_start3A_24 = tpu.memref_slice %arg6[%arg0, %mul3A_17, %dma_start3A] : memref<2x10000x128xf32, #tpu.memory_space<hbm>> -> memref<1x632x128xf32, #tpu.memory_space<hbm>>
        %dma_start3A_25 = tpu.memref_squeeze %dma_start3A_24 : memref<1x632x128xf32, #tpu.memory_space<hbm>> -> memref<632x128xf32, #tpu.memory_space<hbm>>
        %dma_start3A_26 = arith.constant 0 : i32
        %dma_start3A_27 = tpu.memref_slice %arg10[%mul3A_17, %dma_start3A_26] : memref<10112x128xf32, #tpu.memory_space<vmem_shared>> -> memref<632x128xf32, #tpu.memory_space<vmem_shared>>
        tpu.enqueue_dma source(%dma_start3A_27 : memref<632x128xf32, #tpu.memory_space<vmem_shared>>) target(%dma_start3A_25 : memref<632x128xf32, #tpu.memory_space<hbm>>) target_semaphore(%run_scoped3A : memref<!tpu.dma_semaphore, #tpu.memory_space<semaphore_mem>>)
        %dma_wait3A = arith.constant 0 : i32
        %dma_wait3A_28 = tpu.memref_slice %arg6[%arg0, %mul3A_17, %dma_wait3A] : memref<2x10000x128xf32, #tpu.memory_space<hbm>> -> memref<1x632x128xf32, #tpu.memory_space<hbm>>
        %dma_wait3A_29 = tpu.memref_squeeze %dma_wait3A_28 : memref<1x632x128xf32, #tpu.memory_space<hbm>> -> memref<632x128xf32, #tpu.memory_space<hbm>>
        %dma_wait3A_30 = arith.constant 0 : i32
        %dma_wait3A_31 = tpu.memref_slice %arg10[%mul3A_17, %dma_wait3A_30] : memref<10112x128xf32, #tpu.memory_space<vmem_shared>> -> memref<632x128xf32, #tpu.memory_space<vmem_shared>>
        tpu.wait_dma2 semaphore(%run_scoped3A : memref<!tpu.dma_semaphore, #tpu.memory_space<semaphore_mem>>) src(%dma_wait3A_31 : memref<632x128xf32, #tpu.memory_space<vmem_shared>>) dst(%dma_wait3A_29 : memref<632x128xf32, #tpu.memory_space<hbm>>)
        tpu.yield
      }) : () -> ()
    } else {
    }
    %eq3A = arith.constant 15 : i32
    %eq3A_20 = arith.cmpi eq, %arg1, %eq3A : i32
    %convert_element_type3A_21 = arith.extui %eq3A_20 : i1 to i32
    %cond3A_22 = arith.constant 0 : i32
    %cond3A_23 = arith.cmpi ne, %convert_element_type3A_21, %cond3A_22 : i32
    scf.if %cond3A_23 {
      "tpu.region"() ({
        %run_scoped3A = tpu.sem_alloc : memref<!tpu.dma_semaphore, #tpu.memory_space<semaphore_mem>>
        %dma_start3A = arith.constant 9480 : i32
        %dma_start3A_24 = arith.constant 0 : i32
        %dma_start3A_25 = tpu.memref_slice %arg6[%arg0, %dma_start3A, %dma_start3A_24] : memref<2x10000x128xf32, #tpu.memory_space<hbm>> -> memref<1x520x128xf32, #tpu.memory_space<hbm>>
        %dma_start3A_26 = tpu.memref_squeeze %dma_start3A_25 : memref<1x520x128xf32, #tpu.memory_space<hbm>> -> memref<520x128xf32, #tpu.memory_space<hbm>>
        %dma_start3A_27 = arith.constant 9480 : i32
        %dma_start3A_28 = arith.constant 0 : i32
        %dma_start3A_29 = tpu.memref_slice %arg10[%dma_start3A_27, %dma_start3A_28] : memref<10112x128xf32, #tpu.memory_space<vmem_shared>> -> memref<520x128xf32, #tpu.memory_space<vmem_shared>>
        tpu.enqueue_dma source(%dma_start3A_29 : memref<520x128xf32, #tpu.memory_space<vmem_shared>>) target(%dma_start3A_26 : memref<520x128xf32, #tpu.memory_space<hbm>>) target_semaphore(%run_scoped3A : memref<!tpu.dma_semaphore, #tpu.memory_space<semaphore_mem>>)
        %dma_wait3A = arith.constant 9480 : i32
        %dma_wait3A_30 = arith.constant 0 : i32
        %dma_wait3A_31 = tpu.memref_slice %arg6[%arg0, %dma_wait3A, %dma_wait3A_30] : memref<2x10000x128xf32, #tpu.memory_space<hbm>> -> memref<1x520x128xf32, #tpu.memory_space<hbm>>
        %dma_wait3A_32 = tpu.memref_squeeze %dma_wait3A_31 : memref<1x520x128xf32, #tpu.memory_space<hbm>> -> memref<520x128xf32, #tpu.memory_space<hbm>>
        %dma_wait3A_33 = arith.constant 9480 : i32
        %dma_wait3A_34 = arith.constant 0 : i32
        %dma_wait3A_35 = tpu.memref_slice %arg10[%dma_wait3A_33, %dma_wait3A_34] : memref<10112x128xf32, #tpu.memory_space<vmem_shared>> -> memref<520x128xf32, #tpu.memory_space<vmem_shared>>
        tpu.wait_dma2 semaphore(%run_scoped3A : memref<!tpu.dma_semaphore, #tpu.memory_space<semaphore_mem>>) src(%dma_wait3A_35 : memref<520x128xf32, #tpu.memory_space<vmem_shared>>) dst(%dma_wait3A_32 : memref<520x128xf32, #tpu.memory_space<hbm>>)
        tpu.yield
      }) : () -> ()
    } else {
    }
    return
  }
}

module attributes {stable_mosaic.version = 14 : i64} {
  func.func @_tc_dense_body(%arg0: i32, %arg1: memref<400x256xf32, #tpu.memory_space<vmem>>, %arg2: memref<2x400x128xf32, #tpu.memory_space<vmem>>, %arg3: memref<2x400x128xf32, #tpu.memory_space<vmem>>, %arg4: memref<256x256xf32, #tpu.memory_space<vmem>>, %arg5: memref<400x256xf32, #tpu.memory_space<vmem>>, %arg6: memref<2x400x128xf32, #tpu.memory_space<vmem>>) attributes {dimension_semantics = [#tpu.dimension_semantics<arbitrary>], iteration_bounds = array<i64: 25>, scalar_prefetch = 0 : i64, scratch_operands = 0 : i64, tpu.core_type = #tpu.core_type<tc>, window_params = [{transform_indices = @transform_0, window_bounds = array<i64: 400, 256>}, {transform_indices = @transform_1, window_bounds = array<i64: 2, 400, 128>}, {transform_indices = @transform_2, window_bounds = array<i64: 2, 400, 128>}, {pipeline_mode = #tpu.pipeline_mode<synchronous>, transform_indices = @transform_3, window_bounds = array<i64: 256, 256>}, {transform_indices = @transform_4, window_bounds = array<i64: 400, 256>}, {transform_indices = @transform_5, window_bounds = array<i64: 2, 400, 128>}]} {
    %get3A = arith.constant 0 : index
    %get3A_0 = arith.constant 0 : index
    %get3A_1 = arith.constant 0 : index
    %get3A_2 = vector.load %arg3[%get3A, %get3A_0, %get3A_1] : memref<2x400x128xf32, #tpu.memory_space<vmem>>, vector<1x400x128xf32>
    %get3A_3 = vector.shape_cast %get3A_2 : vector<1x400x128xf32> to vector<400x128xf32>
    %slice3A = vector.extract_strided_slice %get3A_3 {offsets = [0, 0], sizes = [400, 1], strides = [1, 1]} : vector<400x128xf32> to vector<400x1xf32>
    %get3A_4 = arith.constant 1 : index
    %get3A_5 = arith.constant 0 : index
    %get3A_6 = arith.constant 0 : index
    %get3A_7 = vector.load %arg3[%get3A_4, %get3A_5, %get3A_6] : memref<2x400x128xf32, #tpu.memory_space<vmem>>, vector<1x400x128xf32>
    %get3A_8 = vector.shape_cast %get3A_7 : vector<1x400x128xf32> to vector<400x128xf32>
    %slice3A_9 = vector.extract_strided_slice %get3A_8 {offsets = [0, 0], sizes = [400, 1], strides = [1, 1]} : vector<400x128xf32> to vector<400x1xf32>
    %add3A = arith.addf %slice3A, %slice3A_9 : vector<400x1xf32>
    %add3A_10 = arith.constant 1.000000e+00 : f32
    %add3A_11 = vector.broadcast %add3A_10 : f32 to vector<400x1xf32>
    %add3A_12 = arith.addf %add3A, %add3A_11 : vector<400x1xf32>
    %rsqrt3A = math.rsqrt %add3A_12 : vector<400x1xf32>
    %get3A_13 = arith.constant 0 : index
    %get3A_14 = arith.constant 0 : index
    %get3A_15 = arith.constant 0 : index
    %get3A_16 = vector.load %arg2[%get3A_13, %get3A_14, %get3A_15] : memref<2x400x128xf32, #tpu.memory_space<vmem>>, vector<1x400x128xf32>
    %get3A_17 = vector.shape_cast %get3A_16 : vector<1x400x128xf32> to vector<400x128xf32>
    %get3A_18 = arith.constant 1 : index
    %get3A_19 = arith.constant 0 : index
    %get3A_20 = arith.constant 0 : index
    %get3A_21 = vector.load %arg2[%get3A_18, %get3A_19, %get3A_20] : memref<2x400x128xf32, #tpu.memory_space<vmem>>, vector<1x400x128xf32>
    %get3A_22 = vector.shape_cast %get3A_21 : vector<1x400x128xf32> to vector<400x128xf32>
    %concatenate3A = tpu.concatenate %get3A_17, %get3A_22 in 1 : vector<400x128xf32>, vector<400x128xf32> -> vector<400x256xf32>
    %get3A_23 = arith.constant 0 : index
    %get3A_24 = arith.constant 0 : index
    %get3A_25 = vector.load %arg1[%get3A_23, %get3A_24] : memref<400x256xf32, #tpu.memory_space<vmem>>, vector<400x256xf32>
    %add3A_26 = arith.addf %get3A_25, %concatenate3A : vector<400x256xf32>
    %mul3A = vector.broadcast %rsqrt3A : vector<400x1xf32> to vector<400x256xf32>
    %mul3A_27 = arith.mulf %add3A_26, %mul3A : vector<400x256xf32>
    %get3A_28 = arith.constant 0 : index
    %get3A_29 = arith.constant 0 : index
    %get3A_30 = vector.load %arg4[%get3A_28, %get3A_29] : memref<256x256xf32, #tpu.memory_space<vmem>>, vector<256x256xf32>
    %dot_general3A = arith.constant dense<0.000000e+00> : vector<400x256xf32>
    %dot_general3A_31 = tpu.matmul %mul3A_27, %get3A_30, %dot_general3A {dimension_numbers = #tpu.dot_dimension_numbers<[1], [1], [0], [0], [0, 0, 1, 0], [], []>, transpose_lhs_hint = false} : vector<400x256xf32>, vector<256x256xf32>, vector<400x256xf32> -> vector<400x256xf32>
    %max3A = arith.constant 0.000000e+00 : f32
    %max3A_32 = vector.broadcast %max3A : f32 to vector<400x256xf32>
    %max3A_33 = arith.maximumf %dot_general3A_31, %max3A_32 : vector<400x256xf32>
    %swap3A = arith.constant 0 : index
    %swap3A_34 = arith.constant 0 : index
    %swap3A_35 = vector.load %arg5[%swap3A, %swap3A_34] : memref<400x256xf32, #tpu.memory_space<vmem>>, vector<400x256xf32>
    tpu.vector_store %arg5[%swap3A, %swap3A_34], %max3A_33 {strides = array<i32>} : memref<400x256xf32, #tpu.memory_space<vmem>>, vector<400x256xf32>,
    %mul3A_36 = vector.broadcast %rsqrt3A : vector<400x1xf32> to vector<400x256xf32>
    %mul3A_37 = arith.mulf %max3A_33, %mul3A_36 : vector<400x256xf32>
    %slice3A_38 = vector.extract_strided_slice %mul3A_37 {offsets = [0, 0], sizes = [400, 128], strides = [1, 1]} : vector<400x256xf32> to vector<400x128xf32>
    %swap3A_39 = arith.constant 0 : index
    %swap3A_40 = arith.constant 0 : index
    %swap3A_41 = arith.constant 0 : index
    %swap3A_42 = vector.load %arg6[%swap3A_39, %swap3A_40, %swap3A_41] : memref<2x400x128xf32, #tpu.memory_space<vmem>>, vector<1x400x128xf32>
    %swap3A_43 = vector.shape_cast %swap3A_42 : vector<1x400x128xf32> to vector<400x128xf32>
    %swap3A_44 = vector.shape_cast %slice3A_38 : vector<400x128xf32> to vector<1x400x128xf32>
    tpu.vector_store %arg6[%swap3A_39, %swap3A_40, %swap3A_41], %swap3A_44 {strides = array<i32>} : memref<2x400x128xf32, #tpu.memory_space<vmem>>, vector<1x400x128xf32>,
    %slice3A_45 = vector.extract_strided_slice %mul3A_37 {offsets = [0, 128], sizes = [400, 128], strides = [1, 1]} : vector<400x256xf32> to vector<400x128xf32>
    %swap3A_46 = arith.constant 1 : index
    %swap3A_47 = arith.constant 0 : index
    %swap3A_48 = arith.constant 0 : index
    %swap3A_49 = vector.load %arg6[%swap3A_46, %swap3A_47, %swap3A_48] : memref<2x400x128xf32, #tpu.memory_space<vmem>>, vector<1x400x128xf32>
    %swap3A_50 = vector.shape_cast %swap3A_49 : vector<1x400x128xf32> to vector<400x128xf32>
    %swap3A_51 = vector.shape_cast %slice3A_45 : vector<400x128xf32> to vector<1x400x128xf32>
    tpu.vector_store %arg6[%swap3A_46, %swap3A_47, %swap3A_48], %swap3A_51 {strides = array<i32>} : memref<2x400x128xf32, #tpu.memory_space<vmem>>, vector<1x400x128xf32>,
    return
  }
  func.func @transform_0(%arg0: i32) -> (i32, i32) {
    %c0_i32 = arith.constant 0 : i32
    %c0_i32_0 = arith.constant 0 : i32
    return %arg0, %c0_i32 : i32, i32
  }
  func.func @transform_1(%arg0: i32) -> (i32, i32, i32) {
    %c0_i32 = arith.constant 0 : i32
    %c0_i32_0 = arith.constant 0 : i32
    %c0_i32_1 = arith.constant 0 : i32
    return %c0_i32, %arg0, %c0_i32_0 : i32, i32, i32
  }
  func.func @transform_2(%arg0: i32) -> (i32, i32, i32) {
    %c0_i32 = arith.constant 0 : i32
    %c0_i32_0 = arith.constant 0 : i32
    %c0_i32_1 = arith.constant 0 : i32
    return %c0_i32, %arg0, %c0_i32_0 : i32, i32, i32
  }
  func.func @transform_3(%arg0: i32) -> (i32, i32) {
    %c0_i32 = arith.constant 0 : i32
    %c0_i32_0 = arith.constant 0 : i32
    %c0_i32_1 = arith.constant 0 : i32
    return %c0_i32, %c0_i32_0 : i32, i32
  }
  func.func @transform_4(%arg0: i32) -> (i32, i32) {
    %c0_i32 = arith.constant 0 : i32
    %c0_i32_0 = arith.constant 0 : i32
    return %arg0, %c0_i32 : i32, i32
  }
  func.func @transform_5(%arg0: i32) -> (i32, i32, i32) {
    %c0_i32 = arith.constant 0 : i32
    %c0_i32_0 = arith.constant 0 : i32
    %c0_i32_1 = arith.constant 0 : i32
    return %c0_i32, %arg0, %c0_i32_0 : i32, i32, i32
  }
}

module attributes {stable_mosaic.version = 14 : i64} {
  func.func @_tc_prologue_body(%arg0: i32, %arg1: memref<400x256xf32, #tpu.memory_space<vmem>>, %arg2: memref<2x400x128xf32, #tpu.memory_space<vmem>>, %arg3: memref<2x400x128xf32, #tpu.memory_space<vmem>>) attributes {dimension_semantics = [#tpu.dimension_semantics<arbitrary>], iteration_bounds = array<i64: 25>, scalar_prefetch = 0 : i64, scratch_operands = 0 : i64, tpu.core_type = #tpu.core_type<tc>, window_params = [{transform_indices = @transform_0, window_bounds = array<i64: 400, 256>}, {transform_indices = @transform_1, window_bounds = array<i64: 2, 400, 128>}, {transform_indices = @transform_2, window_bounds = array<i64: 2, 400, 128>}]} {
    %get3A = arith.constant 0 : index
    %get3A_0 = arith.constant 0 : index
    %get3A_1 = arith.constant 0 : index
    %get3A_2 = vector.load %arg2[%get3A, %get3A_0, %get3A_1] : memref<2x400x128xf32, #tpu.memory_space<vmem>>, vector<1x400x128xf32>
    %get3A_3 = vector.shape_cast %get3A_2 : vector<1x400x128xf32> to vector<400x128xf32>
    %slice3A = vector.extract_strided_slice %get3A_3 {offsets = [0, 0], sizes = [400, 1], strides = [1, 1]} : vector<400x128xf32> to vector<400x1xf32>
    %get3A_4 = arith.constant 1 : index
    %get3A_5 = arith.constant 0 : index
    %get3A_6 = arith.constant 0 : index
    %get3A_7 = vector.load %arg2[%get3A_4, %get3A_5, %get3A_6] : memref<2x400x128xf32, #tpu.memory_space<vmem>>, vector<1x400x128xf32>
    %get3A_8 = vector.shape_cast %get3A_7 : vector<1x400x128xf32> to vector<400x128xf32>
    %slice3A_9 = vector.extract_strided_slice %get3A_8 {offsets = [0, 0], sizes = [400, 1], strides = [1, 1]} : vector<400x128xf32> to vector<400x1xf32>
    %add3A = arith.addf %slice3A, %slice3A_9 : vector<400x1xf32>
    %add3A_10 = arith.constant 1.000000e+00 : f32
    %add3A_11 = vector.broadcast %add3A_10 : f32 to vector<400x1xf32>
    %add3A_12 = arith.addf %add3A, %add3A_11 : vector<400x1xf32>
    %rsqrt3A = math.rsqrt %add3A_12 : vector<400x1xf32>
    %get3A_13 = arith.constant 0 : index
    %get3A_14 = arith.constant 0 : index
    %get3A_15 = vector.load %arg1[%get3A_13, %get3A_14] : memref<400x256xf32, #tpu.memory_space<vmem>>, vector<400x256xf32>
    %mul3A = vector.broadcast %rsqrt3A : vector<400x1xf32> to vector<400x256xf32>
    %mul3A_16 = arith.mulf %get3A_15, %mul3A : vector<400x256xf32>
    %slice3A_17 = vector.extract_strided_slice %mul3A_16 {offsets = [0, 0], sizes = [400, 128], strides = [1, 1]} : vector<400x256xf32> to vector<400x128xf32>
    %swap3A = arith.constant 0 : index
    %swap3A_18 = arith.constant 0 : index
    %swap3A_19 = arith.constant 0 : index
    %swap3A_20 = vector.load %arg3[%swap3A, %swap3A_18, %swap3A_19] : memref<2x400x128xf32, #tpu.memory_space<vmem>>, vector<1x400x128xf32>
    %swap3A_21 = vector.shape_cast %swap3A_20 : vector<1x400x128xf32> to vector<400x128xf32>
    %swap3A_22 = vector.shape_cast %slice3A_17 : vector<400x128xf32> to vector<1x400x128xf32>
    tpu.vector_store %arg3[%swap3A, %swap3A_18, %swap3A_19], %swap3A_22 {strides = array<i32>} : memref<2x400x128xf32, #tpu.memory_space<vmem>>, vector<1x400x128xf32>,
    %slice3A_23 = vector.extract_strided_slice %mul3A_16 {offsets = [0, 128], sizes = [400, 128], strides = [1, 1]} : vector<400x256xf32> to vector<400x128xf32>
    %swap3A_24 = arith.constant 1 : index
    %swap3A_25 = arith.constant 0 : index
    %swap3A_26 = arith.constant 0 : index
    %swap3A_27 = vector.load %arg3[%swap3A_24, %swap3A_25, %swap3A_26] : memref<2x400x128xf32, #tpu.memory_space<vmem>>, vector<1x400x128xf32>
    %swap3A_28 = vector.shape_cast %swap3A_27 : vector<1x400x128xf32> to vector<400x128xf32>
    %swap3A_29 = vector.shape_cast %slice3A_23 : vector<400x128xf32> to vector<1x400x128xf32>
    tpu.vector_store %arg3[%swap3A_24, %swap3A_25, %swap3A_26], %swap3A_29 {strides = array<i32>} : memref<2x400x128xf32, #tpu.memory_space<vmem>>, vector<1x400x128xf32>,
    return
  }
  func.func @transform_0(%arg0: i32) -> (i32, i32) {
    %c0_i32 = arith.constant 0 : i32
    %c0_i32_0 = arith.constant 0 : i32
    return %arg0, %c0_i32 : i32, i32
  }
  func.func @transform_1(%arg0: i32) -> (i32, i32, i32) {
    %c0_i32 = arith.constant 0 : i32
    %c0_i32_0 = arith.constant 0 : i32
    %c0_i32_1 = arith.constant 0 : i32
    return %c0_i32, %arg0, %c0_i32_0 : i32, i32, i32
  }
  func.func @transform_2(%arg0: i32) -> (i32, i32, i32) {
    %c0_i32 = arith.constant 0 : i32
    %c0_i32_0 = arith.constant 0 : i32
    %c0_i32_1 = arith.constant 0 : i32
    return %c0_i32, %arg0, %c0_i32_0 : i32, i32, i32
  }
}

module attributes {stable_mosaic.version = 14 : i64} {
  func.func @_tc_dense_body(%arg0: i32, %arg1: memref<400x256xf32, #tpu.memory_space<vmem>>, %arg2: memref<2x400x128xf32, #tpu.memory_space<vmem>>, %arg3: memref<2x400x128xf32, #tpu.memory_space<vmem>>, %arg4: memref<256x256xf32, #tpu.memory_space<vmem>>, %arg5: memref<400x256xf32, #tpu.memory_space<vmem>>, %arg6: memref<2x400x128xf32, #tpu.memory_space<vmem>>) attributes {dimension_semantics = [#tpu.dimension_semantics<arbitrary>], iteration_bounds = array<i64: 25>, scalar_prefetch = 0 : i64, scratch_operands = 0 : i64, tpu.core_type = #tpu.core_type<tc>, window_params = [{transform_indices = @transform_0, window_bounds = array<i64: 400, 256>}, {transform_indices = @transform_1, window_bounds = array<i64: 2, 400, 128>}, {transform_indices = @transform_2, window_bounds = array<i64: 2, 400, 128>}, {pipeline_mode = #tpu.pipeline_mode<synchronous>, transform_indices = @transform_3, window_bounds = array<i64: 256, 256>}, {transform_indices = @transform_4, window_bounds = array<i64: 400, 256>}, {transform_indices = @transform_5, window_bounds = array<i64: 2, 400, 128>}]} {
    %get3A = arith.constant 0 : index
    %get3A_0 = arith.constant 0 : index
    %get3A_1 = arith.constant 0 : index
    %get3A_2 = vector.load %arg3[%get3A, %get3A_0, %get3A_1] : memref<2x400x128xf32, #tpu.memory_space<vmem>>, vector<1x400x128xf32>
    %get3A_3 = vector.shape_cast %get3A_2 : vector<1x400x128xf32> to vector<400x128xf32>
    %slice3A = vector.extract_strided_slice %get3A_3 {offsets = [0, 0], sizes = [400, 1], strides = [1, 1]} : vector<400x128xf32> to vector<400x1xf32>
    %get3A_4 = arith.constant 1 : index
    %get3A_5 = arith.constant 0 : index
    %get3A_6 = arith.constant 0 : index
    %get3A_7 = vector.load %arg3[%get3A_4, %get3A_5, %get3A_6] : memref<2x400x128xf32, #tpu.memory_space<vmem>>, vector<1x400x128xf32>
    %get3A_8 = vector.shape_cast %get3A_7 : vector<1x400x128xf32> to vector<400x128xf32>
    %slice3A_9 = vector.extract_strided_slice %get3A_8 {offsets = [0, 0], sizes = [400, 1], strides = [1, 1]} : vector<400x128xf32> to vector<400x1xf32>
    %add3A = arith.addf %slice3A, %slice3A_9 : vector<400x1xf32>
    %add3A_10 = arith.constant 1.000000e+00 : f32
    %add3A_11 = vector.broadcast %add3A_10 : f32 to vector<400x1xf32>
    %add3A_12 = arith.addf %add3A, %add3A_11 : vector<400x1xf32>
    %rsqrt3A = math.rsqrt %add3A_12 : vector<400x1xf32>
    %get3A_13 = arith.constant 0 : index
    %get3A_14 = arith.constant 0 : index
    %get3A_15 = arith.constant 0 : index
    %get3A_16 = vector.load %arg2[%get3A_13, %get3A_14, %get3A_15] : memref<2x400x128xf32, #tpu.memory_space<vmem>>, vector<1x400x128xf32>
    %get3A_17 = vector.shape_cast %get3A_16 : vector<1x400x128xf32> to vector<400x128xf32>
    %get3A_18 = arith.constant 1 : index
    %get3A_19 = arith.constant 0 : index
    %get3A_20 = arith.constant 0 : index
    %get3A_21 = vector.load %arg2[%get3A_18, %get3A_19, %get3A_20] : memref<2x400x128xf32, #tpu.memory_space<vmem>>, vector<1x400x128xf32>
    %get3A_22 = vector.shape_cast %get3A_21 : vector<1x400x128xf32> to vector<400x128xf32>
    %concatenate3A = tpu.concatenate %get3A_17, %get3A_22 in 1 : vector<400x128xf32>, vector<400x128xf32> -> vector<400x256xf32>
    %get3A_23 = arith.constant 0 : index
    %get3A_24 = arith.constant 0 : index
    %get3A_25 = vector.load %arg1[%get3A_23, %get3A_24] : memref<400x256xf32, #tpu.memory_space<vmem>>, vector<400x256xf32>
    %add3A_26 = arith.addf %get3A_25, %concatenate3A : vector<400x256xf32>
    %mul3A = vector.broadcast %rsqrt3A : vector<400x1xf32> to vector<400x256xf32>
    %mul3A_27 = arith.mulf %add3A_26, %mul3A : vector<400x256xf32>
    %get3A_28 = arith.constant 0 : index
    %get3A_29 = arith.constant 0 : index
    %get3A_30 = vector.load %arg4[%get3A_28, %get3A_29] : memref<256x256xf32, #tpu.memory_space<vmem>>, vector<256x256xf32>
    %dot_general3A = arith.constant dense<0.000000e+00> : vector<400x256xf32>
    %dot_general3A_31 = tpu.matmul %mul3A_27, %get3A_30, %dot_general3A {dimension_numbers = #tpu.dot_dimension_numbers<[1], [1], [0], [0], [0, 0, 1, 0], [], []>, transpose_lhs_hint = false} : vector<400x256xf32>, vector<256x256xf32>, vector<400x256xf32> -> vector<400x256xf32>
    %max3A = arith.constant 0.000000e+00 : f32
    %max3A_32 = vector.broadcast %max3A : f32 to vector<400x256xf32>
    %max3A_33 = arith.maximumf %dot_general3A_31, %max3A_32 : vector<400x256xf32>
    %swap3A = arith.constant 0 : index
    %swap3A_34 = arith.constant 0 : index
    %swap3A_35 = vector.load %arg5[%swap3A, %swap3A_34] : memref<400x256xf32, #tpu.memory_space<vmem>>, vector<400x256xf32>
    tpu.vector_store %arg5[%swap3A, %swap3A_34], %max3A_33 {strides = array<i32>} : memref<400x256xf32, #tpu.memory_space<vmem>>, vector<400x256xf32>,
    %mul3A_36 = vector.broadcast %rsqrt3A : vector<400x1xf32> to vector<400x256xf32>
    %mul3A_37 = arith.mulf %max3A_33, %mul3A_36 : vector<400x256xf32>
    %slice3A_38 = vector.extract_strided_slice %mul3A_37 {offsets = [0, 0], sizes = [400, 128], strides = [1, 1]} : vector<400x256xf32> to vector<400x128xf32>
    %swap3A_39 = arith.constant 0 : index
    %swap3A_40 = arith.constant 0 : index
    %swap3A_41 = arith.constant 0 : index
    %swap3A_42 = vector.load %arg6[%swap3A_39, %swap3A_40, %swap3A_41] : memref<2x400x128xf32, #tpu.memory_space<vmem>>, vector<1x400x128xf32>
    %swap3A_43 = vector.shape_cast %swap3A_42 : vector<1x400x128xf32> to vector<400x128xf32>
    %swap3A_44 = vector.shape_cast %slice3A_38 : vector<400x128xf32> to vector<1x400x128xf32>
    tpu.vector_store %arg6[%swap3A_39, %swap3A_40, %swap3A_41], %swap3A_44 {strides = array<i32>} : memref<2x400x128xf32, #tpu.memory_space<vmem>>, vector<1x400x128xf32>,
    %slice3A_45 = vector.extract_strided_slice %mul3A_37 {offsets = [0, 128], sizes = [400, 128], strides = [1, 1]} : vector<400x256xf32> to vector<400x128xf32>
    %swap3A_46 = arith.constant 1 : index
    %swap3A_47 = arith.constant 0 : index
    %swap3A_48 = arith.constant 0 : index
    %swap3A_49 = vector.load %arg6[%swap3A_46, %swap3A_47, %swap3A_48] : memref<2x400x128xf32, #tpu.memory_space<vmem>>, vector<1x400x128xf32>
    %swap3A_50 = vector.shape_cast %swap3A_49 : vector<1x400x128xf32> to vector<400x128xf32>
    %swap3A_51 = vector.shape_cast %slice3A_45 : vector<400x128xf32> to vector<1x400x128xf32>
    tpu.vector_store %arg6[%swap3A_46, %swap3A_47, %swap3A_48], %swap3A_51 {strides = array<i32>} : memref<2x400x128xf32, #tpu.memory_space<vmem>>, vector<1x400x128xf32>,
    return
  }
  func.func @transform_0(%arg0: i32) -> (i32, i32) {
    %c0_i32 = arith.constant 0 : i32
    %c0_i32_0 = arith.constant 0 : i32
    return %arg0, %c0_i32 : i32, i32
  }
  func.func @transform_1(%arg0: i32) -> (i32, i32, i32) {
    %c0_i32 = arith.constant 0 : i32
    %c0_i32_0 = arith.constant 0 : i32
    %c0_i32_1 = arith.constant 0 : i32
    return %c0_i32, %arg0, %c0_i32_0 : i32, i32, i32
  }
  func.func @transform_2(%arg0: i32) -> (i32, i32, i32) {
    %c0_i32 = arith.constant 0 : i32
    %c0_i32_0 = arith.constant 0 : i32
    %c0_i32_1 = arith.constant 0 : i32
    return %c0_i32, %arg0, %c0_i32_0 : i32, i32, i32
  }
  func.func @transform_3(%arg0: i32) -> (i32, i32) {
    %c0_i32 = arith.constant 0 : i32
    %c0_i32_0 = arith.constant 0 : i32
    %c0_i32_1 = arith.constant 0 : i32
    return %c0_i32, %c0_i32_0 : i32, i32
  }
  func.func @transform_4(%arg0: i32) -> (i32, i32) {
    %c0_i32 = arith.constant 0 : i32
    %c0_i32_0 = arith.constant 0 : i32
    return %arg0, %c0_i32 : i32, i32
  }
  func.func @transform_5(%arg0: i32) -> (i32, i32, i32) {
    %c0_i32 = arith.constant 0 : i32
    %c0_i32_0 = arith.constant 0 : i32
    %c0_i32_1 = arith.constant 0 : i32
    return %c0_i32, %arg0, %c0_i32_0 : i32, i32, i32
  }
}

</mosaic_0001>

<sc_bundles>
// kernel: kernel.10.cloned.1.call-start
scs
__scs_entry_jumppad:
0x0: {  	(pc) =	sbr.rel $0x88, $3  }
0x1: {  	(tag) =	ssettag $0x0;
	lr =	simm.s32 $0x1  }
0x2: {  	[smem:$0x3F9C] =	sst lr;
	_ =	strace $0xD0000000  }
0x3: {  	_ = 	snop  }
0x4: {  	_ = 	snop  }
0x5: {  	_ = 	snop  }
0x6: {  	_ = 	snop  }
0x7: {  	_ = 	snop  }
__scs_overlays_trampoline_lowered:
0x8: {  	[smem:$0x3FAB] =	sst s0  }
0x9: {  	[smem:$0x3FAC] =	sst s1  }
0xa: {  	[smem:$0x3FAD] =	sst s2  }
0xb: {  	[smem:$0x3FAE] =	sst s3  }
0xc: {  	[smem:$0x3FAF] =	sst s4  }
0xd: {  	[smem:$0x3FB0] =	sst s5  }
0xe: {  	[smem:$0x3FB1] =	sst s6  }
0xf: {  	[smem:$0x3FB2] =	sst s7  }
0x10: {  	[smem:$0x3FB3] =	sst s8  }
0x11: {  	[smem:$0x3FB4] =	sst s9;
	s0 =	simm.s32 @!p0 $0x0  }
0x12: {  	s1 =	sld [smem:$0x3F9A];
	s0 =	simm.s32 @p0 $0x1  }
0x13: {  	[smem:$0x3FB5] =	sst s0;
	s0 =	simm.s32 @!p1 $0x0  }
0x14: {  	s2 =	sld [smem:$0x3F99];
	s0 =	simm.s32 @p1 $0x1  }
0x15: {  	[smem:$0x3FB6] =	sst s0;
	s0 =	simm.s32 @!p2 $0x0  }
0x16: {  	s3 =	sld [smem:$0x3FDB];
	s0 =	simm.s32 @p2 $0x1  }
0x17: {  	s4 =	simm.s32 $0x1BF5;
	[smem:$0x3FB8] =	sst s0  }
0x18: {  	s0 =	sld [smem:$0x3F9B];
	_ =	swait.ge [sflag:s4], $0x0  }
0x19: {  	s7 =	sld [smem:$0x3F9C]  }
0x1a: {  	s8 =	sadd.s32 $0xFFFFE003, lr  }
0x1b: {  	s9 =	sadd.s32 $0xFFFFFEF7, lr;
	s5 =	simm.s32 $0xFFFFFFFF;
	p2 =	slt.u32 s8, $0xFFFFF086  }
0x1c: {  	p1 =	slt.u32 s9, $0xF7A;
	s5 =	simm.s32 @!p2 $0x0  }
0x1d: {  	s5 =	simm.s32 @p1 $0x1;
	p0 =	seq.s32 s7, s2  }
0x1e: {  	s7 =	smul.u32 @!p0 $0xF7A, s2;
	p2 =	seq.s32 @!p0 s5, $0x0  }
0x1f: {  	s9 =	smul.u32 $0xF7A, s1;
	s8 =	simm.s32 @!p0 $0x1BF5;
	p2 =	por !p2, p0  }
0x20: {  	[sflag:s8] =	ssyncset.s32 @!p0 $0xFFFFF086;
	s6 =	sadd.s32 @!p0 s3, s7;
	s7 =	simm.s32 @!p0 $0x108  }
0x21: {  	s3 =	sadd.s32 s3, s9;
	s6 =	sadd.s32 @!p0 $0x88, s6;
	s7 =	simm.s32 @p2 $0x1082  }
0x22: {  	[simem:s7], [sflag:s8] =	dma.local @!p0 [hbm:s6], $0xF7A  }
0x23: {  	s9 =	sor.u32 $0xD0000000, s2;
	s6 =	simm.s32 $0x108;
	_ =	swait.ge @!p0 [sflag:s8], $0x0  }
0x24: {  	s3 =	sadd.s32 $0x88, s3;
	s6 =	simm.s32 @!p1 $0x1082;
	[sflag:s4] =	ssyncset.s32 $0xFFFFF086  }
0x25: {  	[simem:s6], [sflag:s4] =	dma.local [hbm:s3], $0xF7A  }
0x26: {  	[smem:$0x3F9C] =	sst s1;
	(tag) =	ssettag s2;
	_ =	strace s9  }
0x27: {  	s1 =	sld [smem:$0x3FAC]  }
0x28: {  	s2 =	sld [smem:$0x3FAD]  }
0x29: {  	s4 =	sld [smem:$0x3FAF]  }
0x2a: {  	p0 =	seq.s32 s5, $0x0;
	s5 =	sld [smem:$0x3FB0]  }
0x2b: {  	s6 =	sld [smem:$0x3FB1]  }
0x2c: {  	s7 =	sld [smem:$0x3FB2]  }
0x2d: {  	s3 =	simm.s32 $0x108;
	s8 =	sld [smem:$0x3FB3]  }
0x2e: {  	s3 =	simm.s32 @!p0 $0x1082;
	s9 =	sld [smem:$0x3FB4]  }
0x2f: {  	lr =	sadd.s32 s0, s3;
	s0 =	sld [smem:$0x3FAB]  }
0x30: {  	s3 =	sld [smem:$0x3FAE]  }
0x31: {  	[smem:$0x3FB7] =	sst s10  }
0x32: {  	s10 =	sld [smem:$0x3FB5];
	_ =	sdelay $0x3  }
0x33: {  	p0 =	seq.s32 s10, $0x1;
	s10 =	sld [smem:$0x3FB7];
	_ =	sdelay $0x3  }
0x34: {  	[smem:$0x3FB7] =	sst s10  }
0x35: {  	s10 =	sld [smem:$0x3FB6];
	_ =	sdelay $0x3  }
0x36: {  	p1 =	seq.s32 s10, $0x1;
	s10 =	sld [smem:$0x3FB7];
	_ =	sdelay $0x3  }
0x37: {  	[smem:$0x3FB7] =	sst s10  }
0x38: {  	s10 =	sld [smem:$0x3FB8]  }
0x39: {  	_ = 	snop;
	(pc) =	sbr.ind lr, $3  }
0x3a: {  	_ = 	snop  }
0x3b: {  	_ = 	snop  }
0x3c: {  	p2 =	seq.s32 s10, $0x1;
	s10 =	sld [smem:$0x3FB7]  }
0x3d: {  	_ =	shalt  }
0x3e: {  	_ =	shalt  }
0x3f: {  	_ =	shalt  }
0x40: {  	_ =	shalt  }
0x41: {  	_ =	shalt  }
0x42: {  	_ =	shalt  }
0x43: {  	_ =	shalt  }
0x44: {  	_ =	shalt  }
0x45: {  	_ =	shalt  }
0x46: {  	_ =	shalt  }
0x47: {  	_ =	shalt  }
0x48: {  	_ =	shalt  }
0x49: {  	_ =	shalt  }
0x4a: {  	_ =	shalt  }
0x4b: {  	_ =	shalt  }
0x4c: {  	_ =	shalt  }
0x4d: {  	_ =	shalt  }
0x4e: {  	_ =	shalt  }
0x4f: {  	_ =	shalt  }
0x50: {  	_ =	shalt  }
0x51: {  	_ =	shalt  }
0x52: {  	_ =	shalt  }
0x53: {  	_ =	shalt  }
0x54: {  	_ =	shalt  }
0x55: {  	_ =	shalt  }
0x56: {  	_ =	shalt  }
0x57: {  	_ =	shalt  }
0x58: {  	_ =	shalt  }
0x59: {  	_ =	shalt  }
0x5a: {  	_ =	shalt  }
0x5b: {  	_ =	shalt  }
0x5c: {  	_ =	shalt  }
0x5d: {  	_ =	shalt  }
0x5e: {  	_ =	shalt  }
0x5f: {  	_ =	shalt  }
0x60: {  	_ =	shalt  }
0x61: {  	_ =	shalt  }
0x62: {  	_ =	shalt  }
0x63: {  	_ =	shalt  }
0x64: {  	_ =	shalt  }
0x65: {  	_ =	shalt  }
0x66: {  	_ =	shalt  }
0x67: {  	_ =	shalt  }
0x68: {  	_ =	shalt  }
0x69: {  	_ =	shalt  }
0x6a: {  	_ =	shalt  }
0x6b: {  	_ =	shalt  }
0x6c: {  	_ =	shalt  }
0x6d: {  	_ =	shalt  }
0x6e: {  	_ =	shalt  }
0x6f: {  	_ =	shalt  }
0x70: {  	_ =	shalt  }
0x71: {  	_ =	shalt  }
0x72: {  	_ =	shalt  }
0x73: {  	_ =	shalt  }
0x74: {  	_ =	shalt  }
0x75: {  	_ =	shalt  }
0x76: {  	_ =	shalt  }
0x77: {  	_ =	shalt  }
0x78: {  	_ =	shalt  }
0x79: {  	_ =	shalt  }
0x7a: {  	_ =	shalt  }
0x7b: {  	_ =	shalt  }
0x7c: {  	_ =	shalt  }
0x7d: {  	_ =	shalt  }
0x7e: {  	_ =	shalt  }
0x7f: {  	_ =	shalt  }
0x80: {  	_ =	shalt  }
0x81: {  	_ =	shalt  }
0x82: {  	_ =	shalt  }
0x83: {  	_ =	shalt  }
0x84: {  	_ =	shalt  }
0x85: {  	_ =	shalt  }
0x86: {  	_ =	shalt  }
0x87: {  	_ =	shalt  }
.Lfunc_end0:
.L_simem_size_0:
called_computation_lowered:
.L_overlay_start_0:
0x88: {  	s2 =	sld [smem:$0x3FD9]  }
0x89: {  	s3 =	sld [smem:$0x3FFE];
	_ =	sdelay $0x1  }
0x8a: {  	s1 =	srdreg.scid  }
0x8b: {  	s0 =	sand.u32 $0x1, s1  }
0x8c: {  	s17 =	sshll.u32 s0, $0xA;
	s2 =	sadd.s32 s3, s2  }
0x8d: {  	s2 =	sadd.s32 s2, s17  }
0x8e: {  	[smem:$0x3FC3] =	sst s2  }
0x8f: {  	_ = 	snop  }
0x90: {  	s2 =	sld [smem:$0x3FD0];
	(tm) =	ssettm $0x1  }
0x91: {  	s18 =	sld [smem:$0x3FFB];
	_ =	sdelay $0x3  }
0x92: {  	_ =	strace s18  }
0x93: {  	s3 =	sld [smem:$0x3FFC];
	_ =	sdelay $0x3  }
0x94: {  	_ =	strace s3  }
0x95: {  	s3 =	sld [smem:$0x3FFD];
	_ =	sdelay $0x3  }
0x96: {  	_ =	strace s3  }
0x97: {  	_ =	strace $0x8FFFFFFF  }
0x98: {  	s19 =	sld [smem:$0x3FDB];
	_ =	sdelay $0x1  }
0x99: {  	s4 =	simm.s32 $_scs_section_size  }
0x9a: {  	s5 =	simm.s32 $_size__tile_overlayer_lowered;
	s6 =	simm.s32 $_tile_overlayer_lowered  }
0x9b: {  	s22 =	simm.s32 $0x1BFF;
	s21 =	sshll.u32 s6, $0x1;
	s3 =	sadd.s32 s4, s19  }
0x9c: {  	s7 =	simm.s32 $0x0;
	s20 =	sshll.u32 s5, $0x1;
	s5 =	sadd.s32 s21, s3  }
0x9d: {  	[timem:s7], [sflag:s22] =	dma.local [hbm:s5], s20  }
0x9e: {  	_ =	swait.ge [sflag:s22], s20  }
0x9f: {  	s4 =	ssub.s32 $0x0, s20;
	[sflag:s22] =	ssyncset.done $0x0  }
0xa0: {  	[sflag:s22] =	ssyncadd.s32 s4;
	_ =	sdelay $0x1  }
0xa1: {  	s23 =	simm.s32 $0x1B8B  }
0xa2: {  	_ =	swait.ge [sflag:s23], $0x1  }
0xa3: {  	[sflag:s23] =	ssyncset.done $0x0  }
0xa4: {  	s25 =	simm.s32 $0x1B8E;
	s24 =	sld [smem:$0x3FFE];
	[sflag:s23] =	ssyncadd.s32 $0xFFFFFFFF  }
0xa5: {  	s26 =	simm.s32 $execute0_lowered;
	[smem:$0x3FD2] =	sst s25  }
0xa6: {  	s5 =	sshll.u32 s26, $0x1;
	_ =	strace $0x80000046;
	[dreg:$0x1] =	wrdreg $0xFFFFFFFF  }
0xa7: {  	s28 =	simm.s32 $_size_execute0_lowered;
	s3 =	sadd.s32 s3, s5;
	[dreg:$0x0] =	wrdreg $0x0  }
0xa8: {  	s5 =	sshll.u32 s28, $0x1;
	[dreg:$0x2] =	wrdreg s3  }
0xa9: {  	[dreg:$0x3] =	wrdreg s5  }
0xaa: {  	[dreg:$0x4] =	wrdreg $0xC0  }
0xab: {  	_ =	task [dreg:s7], $0x5FFFF  }
0xac: {  	[dreg:$0x1] =	wrdreg $0xFFFFFFFF  }
0xad: {  	[dreg:$0x0] =	wrdreg $0x60  }
0xae: {  	[dreg:$0x2] =	wrdreg s2  }
0xaf: {  	[dreg:$0x3] =	wrdreg s24  }
0xb0: {  	[dreg:$0x4] =	wrdreg $0x54000  }
0xb1: {  	[dreg:$0x5] =	wrdreg $0x9  }
0xb2: {  	_ =	task.clear_ibuf [dreg:s7], $0x6FFFF;
	_ =	strace $0x90000046  }
0xb3: {  	s29 =	simm.s32 $0x9;
	_ =	strace $0x80000048  }
0xb4: {  	_ =	swait.ge [sflag:s29], $0x1  }
0xb5: {  	[sflag:s29] =	ssyncadd.s32 $0xFFFFFFFF  }
0xb6: {  	_ =	strace $0x90000048  }
0xb7: {  	_ =	sfence  }
0xb8: {  	s30 =	sld [smem:$0x0];
	_ =	sdelay $0x2  }
0xb9: {  	s31 =	sshll.u32 s1, $0xD;
	s1 =	sshrl.u32 s1, $0x2  }
0xba: {  	s3 =	sand.u32 $0x4000, s31;
	s1 =	sadd.s32 s1, s30  }
0xbb: {  	s0 =	sor.u32 s3, s0;
	s1 =	sshll.u32 s1, $0x11  }
0xbc: {  	s0 =	sor.u32 s1, s0  }
0xbd: {  	s0 =	sadd.s32 $0x8F2B, s0  }
0xbe: {  	[sflag:s0] =	ssyncadd.remote.s32 $0x1  }
0xbf: {  	_ =	sfence.sel $0xFFFF  }
0xc0: {  	[dreg:$0x0] =	wrdreg $0xFFFFFFFF;
	(pc) =	sbr.abs _section_cstart, $3  }
0xc1: {  	[dreg:$0x1] =	wrdreg $0xFFFFFFFF  }
0xc2: {  	_ =	task.clear_ibuf [dreg:s7], $0x2FFFF;
	_ =	strace $0x9FFFFFFF  }
0xc3: {  	(tm) =	ssettm $0x7FFFFFFF  }
tec
execute0_lowered:
.L_overlay_start_1:
0x0: {  	(tag) =	ssettag $0x1  }
0x1: {  	s6 =	rddreg [dreg:$0x0]  }
0x2: {  	s7 =	rddreg [dreg:$0x1]  }
0x3: {  	s1 =	rddreg [dreg:$0x2];
	s2 =	srdreg.scid  }
0x4: {  	s0 =	rddreg [dreg:$0x3];
	s3 =	simm.s32 $0x0;
	s16 =	simm.s32 $0x1400  }
0x5: {  	s17 =	simm.s32 $0x80;
	s21 =	simm.s32 $0x0;
	s8 =	sand.u32 $0x1, s2  }
0x6: {  	s2 =	stileid.u32;
	[smem:$0x7FF] =	sst s3;
	s5 =	sadd.s32 $0x2800, s7  }
0x7: {  	s13 =	sadd.s32 $0x3800, s7;
	s18 =	sadd.s32 $0x128400, s1;
	s10 =	smul.u32 $0x4F000, s2  }
0x8: {  	s4 =	sshll.u32 s8, $0x4;
	_ =	strace $0x80000047;
	s11 =	smul.u32 $0x138800, s8  }
0x9: {  	s30 =	ssub.s32 $0x2, s8;
	s12 =	smul.u32 $0x13C00, s2;
	p0 =	seq.s32 s2, $0xF  }
0xa: {  	s4 =	sor.u32 s2, s4;
	s31 =	sshrl.u32 s30, $0x1;
	s18 =	sshrl.u32 @p0 s18, $0x3  }
0xb: {  	s19 =	sshll.u32 @!p0 s2, $0x6;
	s9 =	smul.u32 $0x280, s4;
	s4 =	sadd.s32 $0x3000, s7  }
0xc: {  	s10 =	sshrl.u32 s10, $0x2;
	s14 =	ssub.s32 s30, s31;
	s12 =	sadd.s32 s12, s11  }
0xd: {  	s15 =	sshrl.u32 s11, $0x3;
	s19 =	sor.u32 @!p0 $0x1C01, s19;
	s7 =	sadd.s32 s10, s1  }
0xe: {  	s12 =	sshrl.u32 s12, $0x3;
	s14 =	smax.u32 s14, $0x1;
	s6 =	sadd.s32 s6, s9  }
0xf: {  	s8 =	sadd.s32 $0x4000, s7;
	s9 =	sadd.s32 $0x8000, s7;
	s10 =	sadd.s32 $0xC000, s7  }
0x10: {  	s11 =	sadd.s32 $0x10000, s7;
	s12 =	sadd.s32 s13, s12;
	s13 =	sadd.s32 s13, s15  }
0x11: {  	s15 =	simm.s32 $0x1;
	s20 =	sshrl.u32 @!p0 s7, $0x3;
	s13 =	sadd.s32 $0x25080, s13  }
.LBB2_1:
0x12: {  	[tilespmem:s3], [sflag:$0x1] =	stream.linear.gather [hbm4b:s6+s3], $0x1400, $0x38;
	[tilespmem:$0x19000] =	vst v63  }
0x13: {  	_ =	swait.ge [sflag:s15], $0x1400  }
0x14: {  	[sflag:s15] =	ssyncset.done $0x0  }
0x15: {  	[sflag:s15] =	ssyncadd.s32 $0xFFFFEC00  }
0x16: {  	[tilespmem:s16], [sflag:$0x1] =	stream.linear.gather [hbm4b:s5+s3], $0x4000, $0x38;
	[tilespmem:$0x19000] =	vst v63  }
0x17: {  	_ =	swait.ge [sflag:s15], $0x4000  }
0x18: {  	[sflag:s15] =	ssyncset.done $0x0  }
0x19: {  	[sflag:s15] =	ssyncadd.s32 $0xFFFFC000  }
0x1a: {  	[spmem:s7] =	stream.linear.scatter [tilespmem:s16], [sflag:$0x1], $0x4000, $0x38;
	[tilespmem:$0x19000] =	vst v63  }
0x1b: {  	_ =	swait.ge [sflag:s15], $0x4000  }
0x1c: {  	[sflag:s15] =	ssyncset.done $0x0  }
0x1d: {  	[sflag:s15] =	ssyncadd.s32 $0xFFFFC000  }
0x1e: {  	[spmem:s8] =	stream.linear.scatter [tilespmem:s16], [sflag:$0x1], $0x4000, $0x38;
	[tilespmem:$0x19000] =	vst v63  }
0x1f: {  	_ =	swait.ge [sflag:s15], $0x4000  }
0x20: {  	[sflag:s15] =	ssyncset.done $0x0  }
0x21: {  	[sflag:s15] =	ssyncadd.s32 $0xFFFFC000  }
0x22: {  	[spmem:s9] =	stream.linear.scatter [tilespmem:s16], [sflag:$0x1], $0x4000, $0x38;
	[tilespmem:$0x19000] =	vst v63  }
0x23: {  	_ =	swait.ge [sflag:s15], $0x4000  }
0x24: {  	[sflag:s15] =	ssyncset.done $0x0  }
0x25: {  	[sflag:s15] =	ssyncadd.s32 $0xFFFFC000  }
0x26: {  	[spmem:s10] =	stream.linear.scatter [tilespmem:s16], [sflag:$0x1], $0x4000, $0x38;
	[tilespmem:$0x19000] =	vst v63  }
0x27: {  	_ =	swait.ge [sflag:s15], $0x4000  }
0x28: {  	[sflag:s15] =	ssyncset.done $0x0  }
0x29: {  	[sflag:s15] =	ssyncadd.s32 $0xFFFFC000  }
0x2a: {  	[spmem:s11] =	stream.linear.scatter [tilespmem:s16], [sflag:$0x1], $0x3C00, $0x38;
	[tilespmem:$0x19000] =	vst v63  }
0x2b: {  	_ =	swait.ge [sflag:s15], $0x3C00  }
0x2c: {  	[sflag:s15] =	ssyncset.done $0x0  }
0x2d: {  	[sflag:s15] =	ssyncadd.s32 $0xFFFFC400  }
0x2e: {  	[tilespmem:s16], [sflag:$0x1] =	stream.linear.gather [hbm4b:s4+s3], $0x4000, $0x38;
	[tilespmem:$0x19000] =	vst v63  }
0x2f: {  	_ =	swait.ge [sflag:s15], $0x4000  }
0x30: {  	[sflag:s15] =	ssyncset.done $0x0  }
0x31: {  	[sflag:s15] =	ssyncadd.s32 $0xFFFFC000  }
0x32: {  	s22 =	simm.s32 $0x0;
	[bflag:$0x0] =	sbarrier.arrive $0xFFFF  }
0x33: {  	[spmem:s1] =	stream.indirect.scatter.add.f32 [tilespmem:s16], [sflag:$0x1], $0x80, s22, s17, $0xb8;
	[tilespmem:$0x19000] =	vst v63  }
0x34: {  	_ =	swait.ge [sflag:s15], $0x4000  }
0x35: {  	s22 =	simm.s32 $0x200;
	[sflag:s15] =	ssyncset.done $0x0  }
.LBB2_2:
0x36: {  	s23 =	sshra.s32 s22, $0x2;
	[sflag:s15] =	ssyncadd.s32 $0xFFFFC000;
	p1 =	sne.s32 s22, $0x4E00  }
0x37: {  	[spmem:s1] =	stream.indirect.scatter.add.f32 [tilespmem:s16], [sflag:$0x1], $0x80, s23, s17, $0xb8;
	[tilespmem:$0x19000] =	vst v63  }
.Ltmp0:
0x38: {  	_ = 	snop;
	(pc) =	sbr.rel @p1 .LBB2_2-.Ltmp0, $4  }
0x39: {  	_ = 	snop  }
0x3a: {  	s22 =	sadd.s32 $0x200, s22  }
0x3b: {  	_ =	swait.ge [sflag:s15], $0x4000  }
0x3c: {  	[sflag:s15] =	ssyncset.done $0x0  }
0x3d: {  	[sflag:s15] =	ssyncadd.s32 $0xFFFFC000  }
0x3e: {  	s22 =	simm.s32 @p0 $0x1FC1;
	[bflag:$0x0] =	sbarrier.arrive $0xFFFF  }
0x3f: {  	[hbm:s13], [sflag:s22] =	dma.local @p0 [spmem:s18], $0x2080  }
0x40: {  	s22 =	simm.s32 @p0 $0x1  }
0x41: {  	s21 =	sadd.s32 $0x1, s21;
	_ =	swait.ge @p0 [sflag:s22], $0x2080  }
0x42: {  	p1 =	sne.s32 s21, s14;
	[sflag:s22] =	ssyncset.done @p0 $0x0  }
.Ltmp1:
0x43: {  	[sflag:s22] =	ssyncadd.s32 @p0 $0xFFFFDF80;
	s22 =	simm.s32 @!p0 $0x1;
	(pc) =	sbr.rel @p1 .LBB2_1-.Ltmp1, $4  }
0x44: {  	[hbm:s12], [sflag:s19] =	dma.local @!p0 [spmem:s20], $0x2780  }
0x45: {  	_ =	swait.ge @!p0 [sflag:s22], $0x2780  }
0x46: {  	[sflag:s22] =	ssyncset.done @!p0 $0x0  }
0x47: {  	[sflag:s22] =	ssyncadd.s32 @!p0 $0xFFFFD880  }
0x48: {  	_ =	sfence.sel $0x180000  }
0x49: {  	[bflag:$0x0] =	sbarrier.arrive $0xFFFF  }
0x4a: {  	p0 =	sne.s32 s2, $0x0;
	_ =	strace $0x90000047  }
0x4b: {  	s0 =	sadd.s32 @!p0 $0x100000, s0;
	[bflag:$0x2] =	sbarrier.arrive $0xFFFF  }
0x4c: {  	[sflag:s0] =	ssyncadd.tile.s32 @!p0 $0x1;
	_ =	shalt  }
.Lfunc_end2:
_tile_overlayer_lowered:
.L_overlay_start_2:
0x4d: {  	(tag) =	ssettag $0x2  }
0x4e: {  	s0 =	rddreg [dreg:$0x0];
	s2 =	stileid.u32  }
0x4f: {  	s1 =	rddreg [dreg:$0x1];
	p0 =	sne.s32 s2, $0x0  }
0x50: {  	s3 =	rddreg [dreg:$0x2];
	[bflag:$0x3] =	sbarrier.arrive $0xFFFF;
	s2 =	simm.s32 @!p0 $0x1C01  }
0x51: {  	[timem:s3], [sflag:s2] =	dma.local @!p0 [hbm:s0], s1  }
0x52: {  	s0 =	simm.s32 @!p0 $0x1  }
0x53: {  	_ =	swait.ge @!p0 [sflag:s0], s1  }
0x54: {  	s1 =	ssub.s32 @!p0 $0x0, s1;
	[sflag:s0] =	ssyncset.done @!p0 $0x0  }
0x55: {  	[sflag:s0] =	ssyncadd.s32 @!p0 s1  }
0x56: {  	[bflag:$0x3] =	sbarrier.arrive $0xFFFF  }
0x57: {  	_ =	shalt  }

// kernel: kernel.13.cloned.1.call-start
scs
__scs_entry_jumppad:
0x0: {  	(pc) =	sbr.rel $0x88, $3  }
0x1: {  	(tag) =	ssettag $0x0;
	lr =	simm.s32 $0x1  }
0x2: {  	[smem:$0x3F9C] =	sst lr;
	_ =	strace $0xD0000000  }
0x3: {  	_ = 	snop  }
0x4: {  	_ = 	snop  }
0x5: {  	_ = 	snop  }
0x6: {  	_ = 	snop  }
0x7: {  	_ = 	snop  }
__scs_overlays_trampoline_lowered:
0x8: {  	[smem:$0x3FAB] =	sst s0  }
0x9: {  	[smem:$0x3FAC] =	sst s1  }
0xa: {  	[smem:$0x3FAD] =	sst s2  }
0xb: {  	[smem:$0x3FAE] =	sst s3  }
0xc: {  	[smem:$0x3FAF] =	sst s4  }
0xd: {  	[smem:$0x3FB0] =	sst s5  }
0xe: {  	[smem:$0x3FB1] =	sst s6  }
0xf: {  	[smem:$0x3FB2] =	sst s7  }
0x10: {  	[smem:$0x3FB3] =	sst s8  }
0x11: {  	[smem:$0x3FB4] =	sst s9;
	s0 =	simm.s32 @!p0 $0x0  }
0x12: {  	s1 =	sld [smem:$0x3F9A];
	s0 =	simm.s32 @p0 $0x1  }
0x13: {  	[smem:$0x3FB5] =	sst s0;
	s0 =	simm.s32 @!p1 $0x0  }
0x14: {  	s2 =	sld [smem:$0x3F99];
	s0 =	simm.s32 @p1 $0x1  }
0x15: {  	[smem:$0x3FB6] =	sst s0;
	s0 =	simm.s32 @!p2 $0x0  }
0x16: {  	s3 =	sld [smem:$0x3FDB];
	s0 =	simm.s32 @p2 $0x1  }
0x17: {  	s4 =	simm.s32 $0x1BF5;
	[smem:$0x3FB8] =	sst s0  }
0x18: {  	s0 =	sld [smem:$0x3F9B];
	_ =	swait.ge [sflag:s4], $0x0  }
0x19: {  	s7 =	sld [smem:$0x3F9C]  }
0x1a: {  	s8 =	sadd.s32 $0xFFFFE003, lr  }
0x1b: {  	s9 =	sadd.s32 $0xFFFFFEF7, lr;
	s5 =	simm.s32 $0xFFFFFFFF;
	p2 =	slt.u32 s8, $0xFFFFF086  }
0x1c: {  	p1 =	slt.u32 s9, $0xF7A;
	s5 =	simm.s32 @!p2 $0x0  }
0x1d: {  	s5 =	simm.s32 @p1 $0x1;
	p0 =	seq.s32 s7, s2  }
0x1e: {  	s7 =	smul.u32 @!p0 $0xF7A, s2;
	p2 =	seq.s32 @!p0 s5, $0x0  }
0x1f: {  	s9 =	smul.u32 $0xF7A, s1;
	s8 =	simm.s32 @!p0 $0x1BF5;
	p2 =	por !p2, p0  }
0x20: {  	[sflag:s8] =	ssyncset.s32 @!p0 $0xFFFFF086;
	s6 =	sadd.s32 @!p0 s3, s7;
	s7 =	simm.s32 @!p0 $0x108  }
0x21: {  	s3 =	sadd.s32 s3, s9;
	s6 =	sadd.s32 @!p0 $0x88, s6;
	s7 =	simm.s32 @p2 $0x1082  }
0x22: {  	[simem:s7], [sflag:s8] =	dma.local @!p0 [hbm:s6], $0xF7A  }
0x23: {  	s9 =	sor.u32 $0xD0000000, s2;
	s6 =	simm.s32 $0x108;
	_ =	swait.ge @!p0 [sflag:s8], $0x0  }
0x24: {  	s3 =	sadd.s32 $0x88, s3;
	s6 =	simm.s32 @!p1 $0x1082;
	[sflag:s4] =	ssyncset.s32 $0xFFFFF086  }
0x25: {  	[simem:s6], [sflag:s4] =	dma.local [hbm:s3], $0xF7A  }
0x26: {  	[smem:$0x3F9C] =	sst s1;
	(tag) =	ssettag s2;
	_ =	strace s9  }
0x27: {  	s1 =	sld [smem:$0x3FAC]  }
0x28: {  	s2 =	sld [smem:$0x3FAD]  }
0x29: {  	s4 =	sld [smem:$0x3FAF]  }
0x2a: {  	p0 =	seq.s32 s5, $0x0;
	s5 =	sld [smem:$0x3FB0]  }
0x2b: {  	s6 =	sld [smem:$0x3FB1]  }
0x2c: {  	s7 =	sld [smem:$0x3FB2]  }
0x2d: {  	s3 =	simm.s32 $0x108;
	s8 =	sld [smem:$0x3FB3]  }
0x2e: {  	s3 =	simm.s32 @!p0 $0x1082;
	s9 =	sld [smem:$0x3FB4]  }
0x2f: {  	lr =	sadd.s32 s0, s3;
	s0 =	sld [smem:$0x3FAB]  }
0x30: {  	s3 =	sld [smem:$0x3FAE]  }
0x31: {  	[smem:$0x3FB7] =	sst s10  }
0x32: {  	s10 =	sld [smem:$0x3FB5];
	_ =	sdelay $0x3  }
0x33: {  	p0 =	seq.s32 s10, $0x1;
	s10 =	sld [smem:$0x3FB7];
	_ =	sdelay $0x3  }
0x34: {  	[smem:$0x3FB7] =	sst s10  }
0x35: {  	s10 =	sld [smem:$0x3FB6];
	_ =	sdelay $0x3  }
0x36: {  	p1 =	seq.s32 s10, $0x1;
	s10 =	sld [smem:$0x3FB7];
	_ =	sdelay $0x3  }
0x37: {  	[smem:$0x3FB7] =	sst s10  }
0x38: {  	s10 =	sld [smem:$0x3FB8]  }
0x39: {  	_ = 	snop;
	(pc) =	sbr.ind lr, $3  }
0x3a: {  	_ = 	snop  }
0x3b: {  	_ = 	snop  }
0x3c: {  	p2 =	seq.s32 s10, $0x1;
	s10 =	sld [smem:$0x3FB7]  }
0x3d: {  	_ =	shalt  }
0x3e: {  	_ =	shalt  }
0x3f: {  	_ =	shalt  }
0x40: {  	_ =	shalt  }
0x41: {  	_ =	shalt  }
0x42: {  	_ =	shalt  }
0x43: {  	_ =	shalt  }
0x44: {  	_ =	shalt  }
0x45: {  	_ =	shalt  }
0x46: {  	_ =	shalt  }
0x47: {  	_ =	shalt  }
0x48: {  	_ =	shalt  }
0x49: {  	_ =	shalt  }
0x4a: {  	_ =	shalt  }
0x4b: {  	_ =	shalt  }
0x4c: {  	_ =	shalt  }
0x4d: {  	_ =	shalt  }
0x4e: {  	_ =	shalt  }
0x4f: {  	_ =	shalt  }
0x50: {  	_ =	shalt  }
0x51: {  	_ =	shalt  }
0x52: {  	_ =	shalt  }
0x53: {  	_ =	shalt  }
0x54: {  	_ =	shalt  }
0x55: {  	_ =	shalt  }
0x56: {  	_ =	shalt  }
0x57: {  	_ =	shalt  }
0x58: {  	_ =	shalt  }
0x59: {  	_ =	shalt  }
0x5a: {  	_ =	shalt  }
0x5b: {  	_ =	shalt  }
0x5c: {  	_ =	shalt  }
0x5d: {  	_ =	shalt  }
0x5e: {  	_ =	shalt  }
0x5f: {  	_ =	shalt  }
0x60: {  	_ =	shalt  }
0x61: {  	_ =	shalt  }
0x62: {  	_ =	shalt  }
0x63: {  	_ =	shalt  }
0x64: {  	_ =	shalt  }
0x65: {  	_ =	shalt  }
0x66: {  	_ =	shalt  }
0x67: {  	_ =	shalt  }
0x68: {  	_ =	shalt  }
0x69: {  	_ =	shalt  }
0x6a: {  	_ =	shalt  }
0x6b: {  	_ =	shalt  }
0x6c: {  	_ =	shalt  }
0x6d: {  	_ =	shalt  }
0x6e: {  	_ =	shalt  }
0x6f: {  	_ =	shalt  }
0x70: {  	_ =	shalt  }
0x71: {  	_ =	shalt  }
0x72: {  	_ =	shalt  }
0x73: {  	_ =	shalt  }
0x74: {  	_ =	shalt  }
0x75: {  	_ =	shalt  }
0x76: {  	_ =	shalt  }
0x77: {  	_ =	shalt  }
0x78: {  	_ =	shalt  }
0x79: {  	_ =	shalt  }
0x7a: {  	_ =	shalt  }
0x7b: {  	_ =	shalt  }
0x7c: {  	_ =	shalt  }
0x7d: {  	_ =	shalt  }
0x7e: {  	_ =	shalt  }
0x7f: {  	_ =	shalt  }
0x80: {  	_ =	shalt  }
0x81: {  	_ =	shalt  }
0x82: {  	_ =	shalt  }
0x83: {  	_ =	shalt  }
0x84: {  	_ =	shalt  }
0x85: {  	_ =	shalt  }
0x86: {  	_ =	shalt  }
0x87: {  	_ =	shalt  }
.Lfunc_end0:
.L_simem_size_0:
called_computation.1_lowered:
.L_overlay_start_0:
0x88: {  	s2 =	sld [smem:$0x3FD9]  }
0x89: {  	s3 =	sld [smem:$0x3FFE];
	_ =	sdelay $0x1  }
0x8a: {  	s1 =	srdreg.scid  }
0x8b: {  	s0 =	sand.u32 $0x1, s1  }
0x8c: {  	s17 =	sshll.u32 s0, $0xA;
	s2 =	sadd.s32 s3, s2  }
0x8d: {  	s2 =	sadd.s32 s2, s17  }
0x8e: {  	[smem:$0x3FC3] =	sst s2  }
0x8f: {  	_ = 	snop  }
0x90: {  	s2 =	sld [smem:$0x3FD0];
	(tm) =	ssettm $0x1  }
0x91: {  	s18 =	sld [smem:$0x3FFB];
	_ =	sdelay $0x3  }
0x92: {  	_ =	strace s18  }
0x93: {  	s3 =	sld [smem:$0x3FFC];
	_ =	sdelay $0x3  }
0x94: {  	_ =	strace s3  }
0x95: {  	s3 =	sld [smem:$0x3FFD];
	_ =	sdelay $0x3  }
0x96: {  	_ =	strace s3  }
0x97: {  	_ =	strace $0x8FFFFFFF  }
0x98: {  	s19 =	sld [smem:$0x3FDB];
	_ =	sdelay $0x1  }
0x99: {  	s4 =	simm.s32 $_scs_section_size  }
0x9a: {  	s5 =	simm.s32 $_size__tile_overlayer_lowered;
	s6 =	simm.s32 $_tile_overlayer_lowered  }
0x9b: {  	s22 =	simm.s32 $0x1BFF;
	s21 =	sshll.u32 s6, $0x1;
	s3 =	sadd.s32 s4, s19  }
0x9c: {  	s7 =	simm.s32 $0x0;
	s20 =	sshll.u32 s5, $0x1;
	s5 =	sadd.s32 s21, s3  }
0x9d: {  	[timem:s7], [sflag:s22] =	dma.local [hbm:s5], s20  }
0x9e: {  	_ =	swait.ge [sflag:s22], s20  }
0x9f: {  	s4 =	ssub.s32 $0x0, s20;
	[sflag:s22] =	ssyncset.done $0x0  }
0xa0: {  	[sflag:s22] =	ssyncadd.s32 s4;
	_ =	sdelay $0x1  }
0xa1: {  	s23 =	simm.s32 $0x1B8B  }
0xa2: {  	_ =	swait.ge [sflag:s23], $0x1  }
0xa3: {  	[sflag:s23] =	ssyncset.done $0x0  }
0xa4: {  	s25 =	simm.s32 $0x1B8E;
	s24 =	sld [smem:$0x3FFE];
	[sflag:s23] =	ssyncadd.s32 $0xFFFFFFFF  }
0xa5: {  	s26 =	simm.s32 $execute0_lowered;
	[smem:$0x3FD2] =	sst s25  }
0xa6: {  	s5 =	sshll.u32 s26, $0x1;
	_ =	strace $0x80000049;
	[dreg:$0x1] =	wrdreg $0xFFFFFFFF  }
0xa7: {  	s28 =	simm.s32 $_size_execute0_lowered;
	s3 =	sadd.s32 s3, s5;
	[dreg:$0x0] =	wrdreg $0x0  }
0xa8: {  	s5 =	sshll.u32 s28, $0x1;
	[dreg:$0x2] =	wrdreg s3  }
0xa9: {  	[dreg:$0x3] =	wrdreg s5  }
0xaa: {  	[dreg:$0x4] =	wrdreg $0xC0  }
0xab: {  	_ =	task [dreg:s7], $0x5FFFF  }
0xac: {  	[dreg:$0x1] =	wrdreg $0xFFFFFFFF  }
0xad: {  	[dreg:$0x0] =	wrdreg $0x60  }
0xae: {  	[dreg:$0x2] =	wrdreg s2  }
0xaf: {  	[dreg:$0x3] =	wrdreg s24  }
0xb0: {  	[dreg:$0x4] =	wrdreg $0x8F000  }
0xb1: {  	[dreg:$0x5] =	wrdreg $0x9  }
0xb2: {  	_ =	task.clear_ibuf [dreg:s7], $0x6FFFF;
	_ =	strace $0x90000049  }
0xb3: {  	s29 =	simm.s32 $0x9;
	_ =	strace $0x8000004B  }
0xb4: {  	_ =	swait.ge [sflag:s29], $0x1  }
0xb5: {  	[sflag:s29] =	ssyncadd.s32 $0xFFFFFFFF  }
0xb6: {  	_ =	strace $0x9000004B  }
0xb7: {  	_ =	sfence  }
0xb8: {  	s30 =	sld [smem:$0x0];
	_ =	sdelay $0x2  }
0xb9: {  	s31 =	sshll.u32 s1, $0xD;
	s1 =	sshrl.u32 s1, $0x2  }
0xba: {  	s3 =	sand.u32 $0x4000, s31;
	s1 =	sadd.s32 s1, s30  }
0xbb: {  	s0 =	sor.u32 s3, s0;
	s1 =	sshll.u32 s1, $0x11  }
0xbc: {  	s0 =	sor.u32 s1, s0  }
0xbd: {  	s0 =	sadd.s32 $0x8F2B, s0  }
0xbe: {  	[sflag:s0] =	ssyncadd.remote.s32 $0x1  }
0xbf: {  	_ =	sfence.sel $0xFFFF  }
0xc0: {  	[dreg:$0x0] =	wrdreg $0xFFFFFFFF;
	(pc) =	sbr.abs _section_cstart, $3  }
0xc1: {  	[dreg:$0x1] =	wrdreg $0xFFFFFFFF  }
0xc2: {  	_ =	task.clear_ibuf [dreg:s7], $0x2FFFF;
	_ =	strace $0x9FFFFFFF  }
0xc3: {  	(tm) =	ssettm $0x7FFFFFFF  }
tec
execute0_lowered:
.L_overlay_start_1:
0x0: {  	(tag) =	ssettag $0x1  }
0x1: {  	s1 =	srdreg.scid  }
0x2: {  	s0 =	stileid.u32;
	s7 =	rddreg [dreg:$0x1]  }
0x3: {  	s17 =	simm.s32 $0x400;
	s18 =	simm.s32 $0x1;
	s19 =	simm.s32 $0x2780  }
0x4: {  	s20 =	simm.s32 $0x4F00;
	s24 =	simm.s32 $0x0;
	s11 =	smul.u32 $0x4F000, s0  }
0x5: {  	s6 =	sand.u32 $0x1, s1;
	s3 =	sshrl.u32 s0, $0x3;
	s14 =	smul.u32 $0x13C00, s0  }
0x6: {  	s1 =	rddreg [dreg:$0x0];
	s4 =	sshll.u32 s0, $0x7;
	s2 =	smul.u32 $0x27800, s6  }
0x7: {  	s13 =	sadd.s32 $0x60800, s7;
	p0 =	seq.s32 s0, $0xF;
	s5 =	smul.u32 $0x13C00, s3  }
0x8: {  	s3 =	rddreg [dreg:$0x2];
	s9 =	sand.u32 $0x380, s4;
	s4 =	simm.s32 $0x0  }
0x9: {  	s10 =	ssub.s32 $0x2, s6;
	s12 =	smul.u32 $0x138800, s6;
	s22 =	sshll.u32 @!p0 s0, $0x6  }
0xa: {  	[smem:$0x7FF] =	sst s4;
	s30 =	sshrl.u32 s10, $0x1;
	s31 =	sshrl.u32 s11, $0x2  }
0xb: {  	s21 =	sadd.s32 $0x128400, s3;
	s22 =	sor.u32 @!p0 $0x1C01, s22;
	s8 =	sadd.s32 s2, s5  }
0xc: {  	s2 =	rddreg [dreg:$0x3];
	s5 =	sor.u32 s9, s5;
	_ =	strace $0x8000004A  }
0xd: {  	s15 =	ssub.s32 s10, s30;
	s14 =	sadd.s32 s14, s12;
	s16 =	sshrl.u32 s12, $0x3  }
0xe: {  	s21 =	sshrl.u32 @p0 s21, $0x3;
	s8 =	sor.u32 s9, s8;
	s5 =	sshrl.u32 s5, $0x3  }
0xf: {  	s14 =	sshrl.u32 s14, $0x3;
	s16 =	sadd.s32 s13, s16;
	s15 =	smax.u32 s15, $0x1  }
0x10: {  	s8 =	sshrl.u32 s8, $0x3;
	s29 =	sadd.s32 s5, s7;
	s5 =	sadd.s32 $0x2800, s7  }
0x11: {  	s13 =	sadd.s32 s13, s14;
	s14 =	sadd.s32 $0x25080, s16;
	s8 =	sadd.s32 s8, s7  }
0x12: {  	s16 =	simm.s32 $0x80;
	s7 =	sadd.s32 s31, s3;
	s6 =	sadd.s32 $0x56A00, s8  }
0x13: {  	s8 =	sadd.s32 $0x51A00, s29;
	s9 =	sadd.s32 $0x4000, s7;
	s10 =	sadd.s32 $0x8000, s7  }
0x14: {  	s11 =	sadd.s32 $0xC000, s7;
	s12 =	sadd.s32 $0x10000, s7;
	s23 =	sshrl.u32 @!p0 s7, $0x3  }
.LBB2_1:
0x15: {  	[tilespmem:s4], [sflag:$0x1] =	stream.strided.gather [hbm4b:s6+s16], $0x2780, s17, s16, $0x38;
	[tilespmem:$0x1CB00] =	vst v63  }
0x16: {  	_ =	swait.ge [sflag:s18], $0x2780  }
0x17: {  	[sflag:s18] =	ssyncset.done $0x0  }
0x18: {  	[sflag:s18] =	ssyncadd.s32 $0xFFFFD880  }
0x19: {  	[tilespmem:s19], [sflag:$0x1] =	stream.strided.gather [hbm4b:s8+s16], $0x2780, s17, s16, $0x38;
	[tilespmem:$0x1CB00] =	vst v63  }
0x1a: {  	_ =	swait.ge [sflag:s18], $0x2780  }
0x1b: {  	[sflag:s18] =	ssyncset.done $0x0  }
0x1c: {  	[sflag:s18] =	ssyncadd.s32 $0xFFFFD880  }
0x1d: {  	[tilespmem:s20], [sflag:$0x1] =	stream.linear.gather [hbm4b:s5+s4], $0x4000, $0x38;
	[tilespmem:$0x1CB00] =	vst v63  }
0x1e: {  	_ =	swait.ge [sflag:s18], $0x4000  }
0x1f: {  	[sflag:s18] =	ssyncset.done $0x0  }
0x20: {  	[sflag:s18] =	ssyncadd.s32 $0xFFFFC000  }
0x21: {  	[spmem:s7] =	stream.linear.scatter [tilespmem:s20], [sflag:$0x1], $0x4000, $0x38;
	[tilespmem:$0x1CB00] =	vst v63  }
0x22: {  	_ =	swait.ge [sflag:s18], $0x4000  }
0x23: {  	[sflag:s18] =	ssyncset.done $0x0  }
0x24: {  	[sflag:s18] =	ssyncadd.s32 $0xFFFFC000  }
0x25: {  	[spmem:s9] =	stream.linear.scatter [tilespmem:s20], [sflag:$0x1], $0x4000, $0x38;
	[tilespmem:$0x1CB00] =	vst v63  }
0x26: {  	_ =	swait.ge [sflag:s18], $0x4000  }
0x27: {  	[sflag:s18] =	ssyncset.done $0x0  }
0x28: {  	[sflag:s18] =	ssyncadd.s32 $0xFFFFC000  }
0x29: {  	[spmem:s10] =	stream.linear.scatter [tilespmem:s20], [sflag:$0x1], $0x4000, $0x38;
	[tilespmem:$0x1CB00] =	vst v63  }
0x2a: {  	_ =	swait.ge [sflag:s18], $0x4000  }
0x2b: {  	[sflag:s18] =	ssyncset.done $0x0  }
0x2c: {  	[sflag:s18] =	ssyncadd.s32 $0xFFFFC000  }
0x2d: {  	[spmem:s11] =	stream.linear.scatter [tilespmem:s20], [sflag:$0x1], $0x4000, $0x38;
	[tilespmem:$0x1CB00] =	vst v63  }
0x2e: {  	_ =	swait.ge [sflag:s18], $0x4000  }
0x2f: {  	[sflag:s18] =	ssyncset.done $0x0  }
0x30: {  	[sflag:s18] =	ssyncadd.s32 $0xFFFFC000  }
0x31: {  	[spmem:s12] =	stream.linear.scatter [tilespmem:s20], [sflag:$0x1], $0x3C00, $0x38;
	[tilespmem:$0x1CB00] =	vst v63  }
0x32: {  	_ =	swait.ge [sflag:s18], $0x3C00  }
0x33: {  	[sflag:s18] =	ssyncset.done $0x0  }
0x34: {  	[sflag:s18] =	ssyncadd.s32 $0xFFFFC400  }
0x35: {  	s25 =	simm.s32 $0x0;
	[bflag:$0x0] =	sbarrier.arrive $0xFFFF  }
0x36: {  	[tilespmem:s20], [sflag:$0x1] =	stream.indirect.gather [hbm4b:s1+s16], $0x80, s25, s16, $0xb8;
	[tilespmem:$0x1CB00] =	vst v63  }
0x37: {  	_ =	swait.ge [sflag:s18], $0x4000  }
0x38: {  	[sflag:s18] =	ssyncset.done $0x0  }
0x39: {  	s31 =	simm.s32 $0x2780;
	[sflag:s18] =	ssyncadd.s32 $0xFFFFC000  }
0x3a: {  	[spmem:s3] =	stream.indirect.scatter.add.f32 [tilespmem:s20], [sflag:$0x1], $0x80, s31, s16, $0xb8;
	[tilespmem:$0x1CB00] =	vst v63  }
0x3b: {  	_ =	swait.ge [sflag:s18], $0x4000  }
0x3c: {  	s26 =	simm.s32 $0x400;
	s25 =	simm.s32 $0x200;
	[sflag:s18] =	ssyncset.done $0x0  }
.LBB2_2:
0x3d: {  	s28 =	sshra.s32 s25, $0x2  }
0x3e: {  	[sflag:s18] =	ssyncadd.s32 $0xFFFFC000;
	s25 =	smov.u32 s26;
	s29 =	sadd.s32 $0x200, s26  }
0x3f: {  	[tilespmem:s20], [sflag:$0x1] =	stream.indirect.gather [hbm4b:s1+s16], $0x80, s28, s16, $0xb8;
	[tilespmem:$0x1CB00] =	vst v63  }
0x40: {  	p1 =	sne.s32 s26, $0x9C00;
	_ =	swait.ge [sflag:s18], $0x4000  }
.Ltmp0:
0x41: {  	[sflag:s18] =	ssyncset.done $0x0;
	(pc) =	sbr.rel @p1 .LBB2_2-.Ltmp0, $4  }
0x42: {  	s26 =	sadd.s32 $0x2780, s28;
	[sflag:s18] =	ssyncadd.s32 $0xFFFFC000  }
0x43: {  	[spmem:s3] =	stream.indirect.scatter.add.f32 [tilespmem:s20], [sflag:$0x1], $0x80, s26, s16, $0xb8;
	[tilespmem:$0x1CB00] =	vst v63  }
0x44: {  	_ =	swait.ge [sflag:s18], $0x4000  }
0x45: {  	s26 =	smov.u32 s29;
	[sflag:s18] =	ssyncset.done $0x0  }
0x46: {  	s25 =	sshra.s32 s25, $0x2;
	[sflag:s18] =	ssyncadd.s32 $0xFFFFC000  }
0x47: {  	[tilespmem:s20], [sflag:$0x1] =	stream.indirect.gather [hbm4b:s1+s16], $0x80, s25, s16, $0xb8;
	[tilespmem:$0x1CB00] =	vst v63  }
0x48: {  	_ =	swait.ge [sflag:s18], $0x4000  }
0x49: {  	[sflag:s18] =	ssyncset.done $0x0  }
0x4a: {  	s25 =	sadd.s32 $0x2780, s25;
	[sflag:s18] =	ssyncadd.s32 $0xFFFFC000  }
0x4b: {  	[spmem:s3] =	stream.indirect.scatter.add.f32 [tilespmem:s20], [sflag:$0x1], $0x80, s25, s16, $0xb8;
	[tilespmem:$0x1CB00] =	vst v63  }
0x4c: {  	_ =	swait.ge [sflag:s18], $0x4000  }
0x4d: {  	[sflag:s18] =	ssyncset.done $0x0  }
0x4e: {  	[sflag:s18] =	ssyncadd.s32 $0xFFFFC000  }
0x4f: {  	s25 =	simm.s32 @p0 $0x1FC1;
	[bflag:$0x0] =	sbarrier.arrive $0xFFFF  }
0x50: {  	[hbm:s14], [sflag:s25] =	dma.local @p0 [spmem:s21], $0x2080  }
0x51: {  	s25 =	simm.s32 @p0 $0x1  }
0x52: {  	s24 =	sadd.s32 $0x1, s24;
	_ =	swait.ge @p0 [sflag:s25], $0x2080  }
0x53: {  	p1 =	sne.s32 s24, s15;
	[sflag:s25] =	ssyncset.done @p0 $0x0  }
.Ltmp1:
0x54: {  	[sflag:s25] =	ssyncadd.s32 @p0 $0xFFFFDF80;
	s25 =	simm.s32 @!p0 $0x1;
	(pc) =	sbr.rel @p1 .LBB2_1-.Ltmp1, $4  }
0x55: {  	[hbm:s13], [sflag:s22] =	dma.local @!p0 [spmem:s23], $0x2780  }
0x56: {  	_ =	swait.ge @!p0 [sflag:s25], $0x2780  }
0x57: {  	[sflag:s25] =	ssyncset.done @!p0 $0x0  }
0x58: {  	[sflag:s25] =	ssyncadd.s32 @!p0 $0xFFFFD880  }
0x59: {  	_ =	sfence.sel $0x180000  }
0x5a: {  	[bflag:$0x0] =	sbarrier.arrive $0xFFFF  }
0x5b: {  	p0 =	sne.s32 s0, $0x0;
	_ =	strace $0x9000004A  }
0x5c: {  	s0 =	sadd.s32 @!p0 $0x100000, s2;
	[bflag:$0x2] =	sbarrier.arrive $0xFFFF  }
0x5d: {  	[sflag:s0] =	ssyncadd.tile.s32 @!p0 $0x1;
	_ =	shalt  }
.Lfunc_end2:
_tile_overlayer_lowered:
.L_overlay_start_2:
0x5e: {  	(tag) =	ssettag $0x2  }
0x5f: {  	s0 =	rddreg [dreg:$0x0];
	s2 =	stileid.u32  }
0x60: {  	s1 =	rddreg [dreg:$0x1];
	p0 =	sne.s32 s2, $0x0  }
0x61: {  	s3 =	rddreg [dreg:$0x2];
	[bflag:$0x3] =	sbarrier.arrive $0xFFFF;
	s2 =	simm.s32 @!p0 $0x1C01  }
0x62: {  	[timem:s3], [sflag:s2] =	dma.local @!p0 [hbm:s0], s1  }
0x63: {  	s0 =	simm.s32 @!p0 $0x1  }
0x64: {  	_ =	swait.ge @!p0 [sflag:s0], s1  }
0x65: {  	s1 =	ssub.s32 @!p0 $0x0, s1;
	[sflag:s0] =	ssyncset.done @!p0 $0x0  }
0x66: {  	[sflag:s0] =	ssyncadd.s32 @!p0 s1  }
0x67: {  	[bflag:$0x3] =	sbarrier.arrive $0xFFFF  }
0x68: {  	_ =	shalt  }

// kernel: kernel.16.cloned.1.call-start
scs
__scs_entry_jumppad:
0x0: {  	(pc) =	sbr.rel $0x88, $3  }
0x1: {  	(tag) =	ssettag $0x0;
	lr =	simm.s32 $0x1  }
0x2: {  	[smem:$0x3F9C] =	sst lr;
	_ =	strace $0xD0000000  }
0x3: {  	_ = 	snop  }
0x4: {  	_ = 	snop  }
0x5: {  	_ = 	snop  }
0x6: {  	_ = 	snop  }
0x7: {  	_ = 	snop  }
__scs_overlays_trampoline_lowered:
0x8: {  	[smem:$0x3FAB] =	sst s0  }
0x9: {  	[smem:$0x3FAC] =	sst s1  }
0xa: {  	[smem:$0x3FAD] =	sst s2  }
0xb: {  	[smem:$0x3FAE] =	sst s3  }
0xc: {  	[smem:$0x3FAF] =	sst s4  }
0xd: {  	[smem:$0x3FB0] =	sst s5  }
0xe: {  	[smem:$0x3FB1] =	sst s6  }
0xf: {  	[smem:$0x3FB2] =	sst s7  }
0x10: {  	[smem:$0x3FB3] =	sst s8  }
0x11: {  	[smem:$0x3FB4] =	sst s9;
	s0 =	simm.s32 @!p0 $0x0  }
0x12: {  	s1 =	sld [smem:$0x3F9A];
	s0 =	simm.s32 @p0 $0x1  }
0x13: {  	[smem:$0x3FB5] =	sst s0;
	s0 =	simm.s32 @!p1 $0x0  }
0x14: {  	s2 =	sld [smem:$0x3F99];
	s0 =	simm.s32 @p1 $0x1  }
0x15: {  	[smem:$0x3FB6] =	sst s0;
	s0 =	simm.s32 @!p2 $0x0  }
0x16: {  	s3 =	sld [smem:$0x3FDB];
	s0 =	simm.s32 @p2 $0x1  }
0x17: {  	s4 =	simm.s32 $0x1BF5;
	[smem:$0x3FB8] =	sst s0  }
0x18: {  	s0 =	sld [smem:$0x3F9B];
	_ =	swait.ge [sflag:s4], $0x0  }
0x19: {  	s7 =	sld [smem:$0x3F9C]  }
0x1a: {  	s8 =	sadd.s32 $0xFFFFE003, lr  }
0x1b: {  	s9 =	sadd.s32 $0xFFFFFEF7, lr;
	s5 =	simm.s32 $0xFFFFFFFF;
	p2 =	slt.u32 s8, $0xFFFFF086  }
0x1c: {  	p1 =	slt.u32 s9, $0xF7A;
	s5 =	simm.s32 @!p2 $0x0  }
0x1d: {  	s5 =	simm.s32 @p1 $0x1;
	p0 =	seq.s32 s7, s2  }
0x1e: {  	s7 =	smul.u32 @!p0 $0xF7A, s2;
	p2 =	seq.s32 @!p0 s5, $0x0  }
0x1f: {  	s9 =	smul.u32 $0xF7A, s1;
	s8 =	simm.s32 @!p0 $0x1BF5;
	p2 =	por !p2, p0  }
0x20: {  	[sflag:s8] =	ssyncset.s32 @!p0 $0xFFFFF086;
	s6 =	sadd.s32 @!p0 s3, s7;
	s7 =	simm.s32 @!p0 $0x108  }
0x21: {  	s3 =	sadd.s32 s3, s9;
	s6 =	sadd.s32 @!p0 $0x88, s6;
	s7 =	simm.s32 @p2 $0x1082  }
0x22: {  	[simem:s7], [sflag:s8] =	dma.local @!p0 [hbm:s6], $0xF7A  }
0x23: {  	s9 =	sor.u32 $0xD0000000, s2;
	s6 =	simm.s32 $0x108;
	_ =	swait.ge @!p0 [sflag:s8], $0x0  }
0x24: {  	s3 =	sadd.s32 $0x88, s3;
	s6 =	simm.s32 @!p1 $0x1082;
	[sflag:s4] =	ssyncset.s32 $0xFFFFF086  }
0x25: {  	[simem:s6], [sflag:s4] =	dma.local [hbm:s3], $0xF7A  }
0x26: {  	[smem:$0x3F9C] =	sst s1;
	(tag) =	ssettag s2;
	_ =	strace s9  }
0x27: {  	s1 =	sld [smem:$0x3FAC]  }
0x28: {  	s2 =	sld [smem:$0x3FAD]  }
0x29: {  	s4 =	sld [smem:$0x3FAF]  }
0x2a: {  	p0 =	seq.s32 s5, $0x0;
	s5 =	sld [smem:$0x3FB0]  }
0x2b: {  	s6 =	sld [smem:$0x3FB1]  }
0x2c: {  	s7 =	sld [smem:$0x3FB2]  }
0x2d: {  	s3 =	simm.s32 $0x108;
	s8 =	sld [smem:$0x3FB3]  }
0x2e: {  	s3 =	simm.s32 @!p0 $0x1082;
	s9 =	sld [smem:$0x3FB4]  }
0x2f: {  	lr =	sadd.s32 s0, s3;
	s0 =	sld [smem:$0x3FAB]  }
0x30: {  	s3 =	sld [smem:$0x3FAE]  }
0x31: {  	[smem:$0x3FB7] =	sst s10  }
0x32: {  	s10 =	sld [smem:$0x3FB5];
	_ =	sdelay $0x3  }
0x33: {  	p0 =	seq.s32 s10, $0x1;
	s10 =	sld [smem:$0x3FB7];
	_ =	sdelay $0x3  }
0x34: {  	[smem:$0x3FB7] =	sst s10  }
0x35: {  	s10 =	sld [smem:$0x3FB6];
	_ =	sdelay $0x3  }
0x36: {  	p1 =	seq.s32 s10, $0x1;
	s10 =	sld [smem:$0x3FB7];
	_ =	sdelay $0x3  }
0x37: {  	[smem:$0x3FB7] =	sst s10  }
0x38: {  	s10 =	sld [smem:$0x3FB8]  }
0x39: {  	_ = 	snop;
	(pc) =	sbr.ind lr, $3  }
0x3a: {  	_ = 	snop  }
0x3b: {  	_ = 	snop  }
0x3c: {  	p2 =	seq.s32 s10, $0x1;
	s10 =	sld [smem:$0x3FB7]  }
0x3d: {  	_ =	shalt  }
0x3e: {  	_ =	shalt  }
0x3f: {  	_ =	shalt  }
0x40: {  	_ =	shalt  }
0x41: {  	_ =	shalt  }
0x42: {  	_ =	shalt  }
0x43: {  	_ =	shalt  }
0x44: {  	_ =	shalt  }
0x45: {  	_ =	shalt  }
0x46: {  	_ =	shalt  }
0x47: {  	_ =	shalt  }
0x48: {  	_ =	shalt  }
0x49: {  	_ =	shalt  }
0x4a: {  	_ =	shalt  }
0x4b: {  	_ =	shalt  }
0x4c: {  	_ =	shalt  }
0x4d: {  	_ =	shalt  }
0x4e: {  	_ =	shalt  }
0x4f: {  	_ =	shalt  }
0x50: {  	_ =	shalt  }
0x51: {  	_ =	shalt  }
0x52: {  	_ =	shalt  }
0x53: {  	_ =	shalt  }
0x54: {  	_ =	shalt  }
0x55: {  	_ =	shalt  }
0x56: {  	_ =	shalt  }
0x57: {  	_ =	shalt  }
0x58: {  	_ =	shalt  }
0x59: {  	_ =	shalt  }
0x5a: {  	_ =	shalt  }
0x5b: {  	_ =	shalt  }
0x5c: {  	_ =	shalt  }
0x5d: {  	_ =	shalt  }
0x5e: {  	_ =	shalt  }
0x5f: {  	_ =	shalt  }
0x60: {  	_ =	shalt  }
0x61: {  	_ =	shalt  }
0x62: {  	_ =	shalt  }
0x63: {  	_ =	shalt  }
0x64: {  	_ =	shalt  }
0x65: {  	_ =	shalt  }
0x66: {  	_ =	shalt  }
0x67: {  	_ =	shalt  }
0x68: {  	_ =	shalt  }
0x69: {  	_ =	shalt  }
0x6a: {  	_ =	shalt  }
0x6b: {  	_ =	shalt  }
0x6c: {  	_ =	shalt  }
0x6d: {  	_ =	shalt  }
0x6e: {  	_ =	shalt  }
0x6f: {  	_ =	shalt  }
0x70: {  	_ =	shalt  }
0x71: {  	_ =	shalt  }
0x72: {  	_ =	shalt  }
0x73: {  	_ =	shalt  }
0x74: {  	_ =	shalt  }
0x75: {  	_ =	shalt  }
0x76: {  	_ =	shalt  }
0x77: {  	_ =	shalt  }
0x78: {  	_ =	shalt  }
0x79: {  	_ =	shalt  }
0x7a: {  	_ =	shalt  }
0x7b: {  	_ =	shalt  }
0x7c: {  	_ =	shalt  }
0x7d: {  	_ =	shalt  }
0x7e: {  	_ =	shalt  }
0x7f: {  	_ =	shalt  }
0x80: {  	_ =	shalt  }
0x81: {  	_ =	shalt  }
0x82: {  	_ =	shalt  }
0x83: {  	_ =	shalt  }
0x84: {  	_ =	shalt  }
0x85: {  	_ =	shalt  }
0x86: {  	_ =	shalt  }
0x87: {  	_ =	shalt  }
.Lfunc_end0:
.L_simem_size_0:
called_computation.2_lowered:
.L_overlay_start_0:
0x88: {  	s2 =	sld [smem:$0x3FD9]  }
0x89: {  	s3 =	sld [smem:$0x3FFE];
	_ =	sdelay $0x1  }
0x8a: {  	s1 =	srdreg.scid  }
0x8b: {  	s0 =	sand.u32 $0x1, s1  }
0x8c: {  	s16 =	sshll.u32 s0, $0xA;
	s2 =	sadd.s32 s3, s2  }
0x8d: {  	s2 =	sadd.s32 s2, s16  }
0x8e: {  	[smem:$0x3FC3] =	sst s2  }
0x8f: {  	_ = 	snop  }
0x90: {  	(tm) =	ssettm $0x1  }
0x91: {  	s17 =	sld [smem:$0x3FFB];
	_ =	sdelay $0x3  }
0x92: {  	_ =	strace s17  }
0x93: {  	s2 =	sld [smem:$0x3FFC];
	_ =	sdelay $0x3  }
0x94: {  	_ =	strace s2  }
0x95: {  	s2 =	sld [smem:$0x3FFD];
	_ =	sdelay $0x3  }
0x96: {  	_ =	strace s2  }
0x97: {  	_ =	strace $0x8FFFFFFF  }
0x98: {  	s18 =	sld [smem:$0x3FDB];
	_ =	sdelay $0x1  }
0x99: {  	s19 =	simm.s32 $_scs_section_size  }
0x9a: {  	s4 =	simm.s32 $_size__tile_overlayer_lowered;
	s5 =	simm.s32 $_tile_overlayer_lowered  }
0x9b: {  	s22 =	simm.s32 $0x1BFF;
	s21 =	sshll.u32 s5, $0x1;
	s2 =	sadd.s32 s19, s18  }
0x9c: {  	s6 =	simm.s32 $0x0;
	s20 =	sshll.u32 s4, $0x1;
	s4 =	sadd.s32 s21, s2  }
0x9d: {  	[timem:s6], [sflag:s22] =	dma.local [hbm:s4], s20  }
0x9e: {  	_ =	swait.ge [sflag:s22], s20  }
0x9f: {  	s3 =	ssub.s32 $0x0, s20;
	[sflag:s22] =	ssyncset.done $0x0  }
0xa0: {  	[sflag:s22] =	ssyncadd.s32 s3;
	_ =	sdelay $0x1  }
0xa1: {  	s23 =	simm.s32 $0x1B8B  }
0xa2: {  	_ =	swait.ge [sflag:s23], $0x1  }
0xa3: {  	[sflag:s23] =	ssyncset.done $0x0  }
0xa4: {  	s25 =	simm.s32 $0x1B8E;
	s24 =	sld [smem:$0x3FFE];
	[sflag:s23] =	ssyncadd.s32 $0xFFFFFFFF  }
0xa5: {  	s26 =	simm.s32 $execute0_lowered;
	[smem:$0x3FD2] =	sst s25  }
0xa6: {  	s4 =	sshll.u32 s26, $0x1;
	_ =	strace $0x8000004C;
	[dreg:$0x1] =	wrdreg $0xFFFFFFFF  }
0xa7: {  	s28 =	simm.s32 $_size_execute0_lowered;
	s2 =	sadd.s32 s2, s4;
	[dreg:$0x0] =	wrdreg $0x0  }
0xa8: {  	s4 =	sshll.u32 s28, $0x1;
	[dreg:$0x2] =	wrdreg s2  }
0xa9: {  	[dreg:$0x3] =	wrdreg s4  }
0xaa: {  	[dreg:$0x4] =	wrdreg $0xC0  }
0xab: {  	_ =	task [dreg:s6], $0x5FFFF  }
0xac: {  	[dreg:$0x1] =	wrdreg $0xFFFFFFFF  }
0xad: {  	[dreg:$0x0] =	wrdreg $0x60  }
0xae: {  	[dreg:$0x2] =	wrdreg s24  }
0xaf: {  	[dreg:$0x3] =	wrdreg $0x8F000  }
0xb0: {  	[dreg:$0x4] =	wrdreg $0x9  }
0xb1: {  	_ =	task.clear_ibuf [dreg:s6], $0x5FFFF;
	_ =	strace $0x9000004C  }
0xb2: {  	s29 =	simm.s32 $0x9;
	_ =	strace $0x8000004E  }
0xb3: {  	_ =	swait.ge [sflag:s29], $0x1  }
0xb4: {  	[sflag:s29] =	ssyncadd.s32 $0xFFFFFFFF  }
0xb5: {  	_ =	strace $0x9000004E  }
0xb6: {  	_ =	sfence  }
0xb7: {  	s30 =	sld [smem:$0x0];
	_ =	sdelay $0x2  }
0xb8: {  	s31 =	sshll.u32 s1, $0xD;
	s1 =	sshrl.u32 s1, $0x2  }
0xb9: {  	s3 =	sand.u32 $0x4000, s31;
	s1 =	sadd.s32 s1, s30  }
0xba: {  	s0 =	sor.u32 s3, s0;
	s1 =	sshll.u32 s1, $0x11  }
0xbb: {  	s0 =	sor.u32 s1, s0  }
0xbc: {  	s0 =	sadd.s32 $0x8F2B, s0  }
0xbd: {  	[sflag:s0] =	ssyncadd.remote.s32 $0x1  }
0xbe: {  	_ =	sfence.sel $0xFFFF  }
0xbf: {  	[dreg:$0x0] =	wrdreg $0xFFFFFFFF;
	(pc) =	sbr.abs _section_cstart, $3  }
0xc0: {  	[dreg:$0x1] =	wrdreg $0xFFFFFFFF  }
0xc1: {  	_ =	task.clear_ibuf [dreg:s6], $0x2FFFF;
	_ =	strace $0x9FFFFFFF  }
0xc2: {  	(tm) =	ssettm $0x7FFFFFFF  }
0xc3: {  	_ =	shalt  }
tec
execute0_lowered:
.L_overlay_start_1:
0x0: {  	(tag) =	ssettag $0x1  }
0x1: {  	s1 =	srdreg.scid  }
0x2: {  	s0 =	stileid.u32;
	s7 =	rddreg [dreg:$0x0]  }
0x3: {  	s2 =	rddreg [dreg:$0x1];
	s3 =	simm.s32 $0x0;
	s17 =	simm.s32 $0x400  }
0x4: {  	s18 =	simm.s32 $0x1;
	s19 =	simm.s32 $0x2780;
	s20 =	simm.s32 $0x4F00  }
0x5: {  	s24 =	simm.s32 $0x0;
	s6 =	sand.u32 $0x1, s1;
	s26 =	sshrl.u32 s0, $0x3  }
0x6: {  	s1 =	rddreg [dreg:$0x2];
	s8 =	sshll.u32 s0, $0x7;
	s11 =	smul.u32 $0x4F000, s0  }
0x7: {  	[smem:$0x7FF] =	sst s3;
	s13 =	sadd.s32 $0xAEA00, s7;
	s14 =	smul.u32 $0x13C00, s0  }
0x8: {  	s21 =	sadd.s32 $0x128400, s2;
	p0 =	seq.s32 s0, $0xF;
	s4 =	smul.u32 $0x27800, s6  }
0x9: {  	s5 =	smul.u32 $0x13C00, s26;
	s8 =	sand.u32 $0x380, s8;
	_ =	strace $0x8000004D  }
0xa: {  	s10 =	ssub.s32 $0x2, s6;
	s12 =	smul.u32 $0x138800, s6;
	s21 =	sshrl.u32 @p0 s21, $0x3  }
0xb: {  	s22 =	sshll.u32 @!p0 s0, $0x6;
	s30 =	sshrl.u32 s10, $0x1;
	s31 =	sshrl.u32 s11, $0x2  }
0xc: {  	s22 =	sor.u32 @!p0 $0x1C01, s22;
	s4 =	sadd.s32 s4, s5;
	s5 =	sor.u32 s8, s5  }
0xd: {  	s15 =	ssub.s32 s10, s30;
	s14 =	sadd.s32 s14, s12;
	s16 =	sshrl.u32 s12, $0x3  }
0xe: {  	s4 =	sor.u32 s8, s4;
	s5 =	sshrl.u32 s5, $0x3;
	s14 =	sshrl.u32 s14, $0x3  }
0xf: {  	s16 =	sadd.s32 s13, s16;
	s15 =	smax.u32 s15, $0x1;
	s9 =	sshrl.u32 s4, $0x3  }
0x10: {  	s4 =	sadd.s32 $0x60800, s7;
	s29 =	sadd.s32 s5, s7;
	s5 =	sadd.s32 $0x2800, s7  }
0x11: {  	s13 =	sadd.s32 s13, s14;
	s14 =	sadd.s32 $0x25080, s16;
	s16 =	simm.s32 $0x80  }
0x12: {  	s28 =	sadd.s32 s9, s7;
	s7 =	sadd.s32 s31, s2;
	s8 =	sadd.s32 $0x51A00, s29  }
0x13: {  	s6 =	sadd.s32 $0x56A00, s28;
	s9 =	sadd.s32 $0x4000, s7;
	s10 =	sadd.s32 $0x8000, s7  }
0x14: {  	s11 =	sadd.s32 $0xC000, s7;
	s12 =	sadd.s32 $0x10000, s7;
	s23 =	sshrl.u32 @!p0 s7, $0x3  }
.LBB2_1:
0x15: {  	[tilespmem:s3], [sflag:$0x1] =	stream.strided.gather [hbm4b:s6+s16], $0x2780, s17, s16, $0x38;
	[tilespmem:$0x1CB00] =	vst v63  }
0x16: {  	_ =	swait.ge [sflag:s18], $0x2780  }
0x17: {  	[sflag:s18] =	ssyncset.done $0x0  }
0x18: {  	[sflag:s18] =	ssyncadd.s32 $0xFFFFD880  }
0x19: {  	[tilespmem:s19], [sflag:$0x1] =	stream.strided.gather [hbm4b:s8+s16], $0x2780, s17, s16, $0x38;
	[tilespmem:$0x1CB00] =	vst v63  }
0x1a: {  	_ =	swait.ge [sflag:s18], $0x2780  }
0x1b: {  	[sflag:s18] =	ssyncset.done $0x0  }
0x1c: {  	[sflag:s18] =	ssyncadd.s32 $0xFFFFD880  }
0x1d: {  	[tilespmem:s20], [sflag:$0x1] =	stream.linear.gather [hbm4b:s5+s3], $0x4000, $0x38;
	[tilespmem:$0x1CB00] =	vst v63  }
0x1e: {  	_ =	swait.ge [sflag:s18], $0x4000  }
0x1f: {  	[sflag:s18] =	ssyncset.done $0x0  }
0x20: {  	[sflag:s18] =	ssyncadd.s32 $0xFFFFC000  }
0x21: {  	[spmem:s7] =	stream.linear.scatter [tilespmem:s20], [sflag:$0x1], $0x4000, $0x38;
	[tilespmem:$0x1CB00] =	vst v63  }
0x22: {  	_ =	swait.ge [sflag:s18], $0x4000  }
0x23: {  	[sflag:s18] =	ssyncset.done $0x0  }
0x24: {  	[sflag:s18] =	ssyncadd.s32 $0xFFFFC000  }
0x25: {  	[spmem:s9] =	stream.linear.scatter [tilespmem:s20], [sflag:$0x1], $0x4000, $0x38;
	[tilespmem:$0x1CB00] =	vst v63  }
0x26: {  	_ =	swait.ge [sflag:s18], $0x4000  }
0x27: {  	[sflag:s18] =	ssyncset.done $0x0  }
0x28: {  	[sflag:s18] =	ssyncadd.s32 $0xFFFFC000  }
0x29: {  	[spmem:s10] =	stream.linear.scatter [tilespmem:s20], [sflag:$0x1], $0x4000, $0x38;
	[tilespmem:$0x1CB00] =	vst v63  }
0x2a: {  	_ =	swait.ge [sflag:s18], $0x4000  }
0x2b: {  	[sflag:s18] =	ssyncset.done $0x0  }
0x2c: {  	[sflag:s18] =	ssyncadd.s32 $0xFFFFC000  }
0x2d: {  	[spmem:s11] =	stream.linear.scatter [tilespmem:s20], [sflag:$0x1], $0x4000, $0x38;
	[tilespmem:$0x1CB00] =	vst v63  }
0x2e: {  	_ =	swait.ge [sflag:s18], $0x4000  }
0x2f: {  	[sflag:s18] =	ssyncset.done $0x0  }
0x30: {  	[sflag:s18] =	ssyncadd.s32 $0xFFFFC000  }
0x31: {  	[spmem:s12] =	stream.linear.scatter [tilespmem:s20], [sflag:$0x1], $0x3C00, $0x38;
	[tilespmem:$0x1CB00] =	vst v63  }
0x32: {  	_ =	swait.ge [sflag:s18], $0x3C00  }
0x33: {  	[sflag:s18] =	ssyncset.done $0x0  }
0x34: {  	[sflag:s18] =	ssyncadd.s32 $0xFFFFC400  }
0x35: {  	s25 =	simm.s32 $0x0;
	[bflag:$0x0] =	sbarrier.arrive $0xFFFF  }
0x36: {  	[tilespmem:s20], [sflag:$0x1] =	stream.indirect.gather [hbm4b:s4+s16], $0x80, s25, s16, $0xb8;
	[tilespmem:$0x1CB00] =	vst v63  }
0x37: {  	_ =	swait.ge [sflag:s18], $0x4000  }
0x38: {  	[sflag:s18] =	ssyncset.done $0x0  }
0x39: {  	s31 =	simm.s32 $0x2780;
	[sflag:s18] =	ssyncadd.s32 $0xFFFFC000  }
0x3a: {  	[spmem:s2] =	stream.indirect.scatter.add.f32 [tilespmem:s20], [sflag:$0x1], $0x80, s31, s16, $0xb8;
	[tilespmem:$0x1CB00] =	vst v63  }
0x3b: {  	_ =	swait.ge [sflag:s18], $0x4000  }
0x3c: {  	s26 =	simm.s32 $0x400;
	s25 =	simm.s32 $0x200;
	[sflag:s18] =	ssyncset.done $0x0  }
.LBB2_2:
0x3d: {  	s28 =	sshra.s32 s25, $0x2  }
0x3e: {  	[sflag:s18] =	ssyncadd.s32 $0xFFFFC000;
	s25 =	smov.u32 s26;
	s29 =	sadd.s32 $0x200, s26  }
0x3f: {  	[tilespmem:s20], [sflag:$0x1] =	stream.indirect.gather [hbm4b:s4+s16], $0x80, s28, s16, $0xb8;
	[tilespmem:$0x1CB00] =	vst v63  }
0x40: {  	p1 =	sne.s32 s26, $0x9C00;
	_ =	swait.ge [sflag:s18], $0x4000  }
.Ltmp0:
0x41: {  	[sflag:s18] =	ssyncset.done $0x0;
	(pc) =	sbr.rel @p1 .LBB2_2-.Ltmp0, $4  }
0x42: {  	s26 =	sadd.s32 $0x2780, s28;
	[sflag:s18] =	ssyncadd.s32 $0xFFFFC000  }
0x43: {  	[spmem:s2] =	stream.indirect.scatter.add.f32 [tilespmem:s20], [sflag:$0x1], $0x80, s26, s16, $0xb8;
	[tilespmem:$0x1CB00] =	vst v63  }
0x44: {  	_ =	swait.ge [sflag:s18], $0x4000  }
0x45: {  	s26 =	smov.u32 s29;
	[sflag:s18] =	ssyncset.done $0x0  }
0x46: {  	s25 =	sshra.s32 s25, $0x2;
	[sflag:s18] =	ssyncadd.s32 $0xFFFFC000  }
0x47: {  	[tilespmem:s20], [sflag:$0x1] =	stream.indirect.gather [hbm4b:s4+s16], $0x80, s25, s16, $0xb8;
	[tilespmem:$0x1CB00] =	vst v63  }
0x48: {  	_ =	swait.ge [sflag:s18], $0x4000  }
0x49: {  	[sflag:s18] =	ssyncset.done $0x0  }
0x4a: {  	s25 =	sadd.s32 $0x2780, s25;
	[sflag:s18] =	ssyncadd.s32 $0xFFFFC000  }
0x4b: {  	[spmem:s2] =	stream.indirect.scatter.add.f32 [tilespmem:s20], [sflag:$0x1], $0x80, s25, s16, $0xb8;
	[tilespmem:$0x1CB00] =	vst v63  }
0x4c: {  	_ =	swait.ge [sflag:s18], $0x4000  }
0x4d: {  	[sflag:s18] =	ssyncset.done $0x0  }
0x4e: {  	[sflag:s18] =	ssyncadd.s32 $0xFFFFC000  }
0x4f: {  	s25 =	simm.s32 @p0 $0x1FC1;
	[bflag:$0x0] =	sbarrier.arrive $0xFFFF  }
0x50: {  	[hbm:s14], [sflag:s25] =	dma.local @p0 [spmem:s21], $0x2080  }
0x51: {  	s25 =	simm.s32 @p0 $0x1  }
0x52: {  	s24 =	sadd.s32 $0x1, s24;
	_ =	swait.ge @p0 [sflag:s25], $0x2080  }
0x53: {  	p1 =	sne.s32 s24, s15;
	[sflag:s25] =	ssyncset.done @p0 $0x0  }
.Ltmp1:
0x54: {  	[sflag:s25] =	ssyncadd.s32 @p0 $0xFFFFDF80;
	s25 =	simm.s32 @!p0 $0x1;
	(pc) =	sbr.rel @p1 .LBB2_1-.Ltmp1, $4  }
0x55: {  	[hbm:s13], [sflag:s22] =	dma.local @!p0 [spmem:s23], $0x2780  }
0x56: {  	_ =	swait.ge @!p0 [sflag:s25], $0x2780  }
0x57: {  	[sflag:s25] =	ssyncset.done @!p0 $0x0  }
0x58: {  	[sflag:s25] =	ssyncadd.s32 @!p0 $0xFFFFD880  }
0x59: {  	_ =	sfence.sel $0x180000  }
0x5a: {  	[bflag:$0x0] =	sbarrier.arrive $0xFFFF  }
0x5b: {  	p0 =	sne.s32 s0, $0x0;
	_ =	strace $0x9000004D  }
0x5c: {  	s0 =	sadd.s32 @!p0 $0x100000, s1;
	[bflag:$0x2] =	sbarrier.arrive $0xFFFF  }
0x5d: {  	[sflag:s0] =	ssyncadd.tile.s32 @!p0 $0x1;
	_ =	shalt  }
.Lfunc_end2:
_tile_overlayer_lowered:
.L_overlay_start_2:
0x5e: {  	(tag) =	ssettag $0x2  }
0x5f: {  	s0 =	rddreg [dreg:$0x0];
	s2 =	stileid.u32  }
0x60: {  	s1 =	rddreg [dreg:$0x1];
	p0 =	sne.s32 s2, $0x0  }
0x61: {  	s3 =	rddreg [dreg:$0x2];
	[bflag:$0x3] =	sbarrier.arrive $0xFFFF;
	s2 =	simm.s32 @!p0 $0x1C01  }
0x62: {  	[timem:s3], [sflag:s2] =	dma.local @!p0 [hbm:s0], s1  }
0x63: {  	s0 =	simm.s32 @!p0 $0x1  }
0x64: {  	_ =	swait.ge @!p0 [sflag:s0], s1  }
0x65: {  	s1 =	ssub.s32 @!p0 $0x0, s1;
	[sflag:s0] =	ssyncset.done @!p0 $0x0  }
0x66: {  	[sflag:s0] =	ssyncadd.s32 @!p0 s1  }
0x67: {  	[bflag:$0x3] =	sbarrier.arrive $0xFFFF  }
0x68: {  	_ =	shalt  }

// kernel: kernel.19.cloned.1.call-start
scs
__scs_entry_jumppad:
0x0: {  	(pc) =	sbr.rel $0x88, $3  }
0x1: {  	(tag) =	ssettag $0x0;
	lr =	simm.s32 $0x1  }
0x2: {  	[smem:$0x3F9C] =	sst lr;
	_ =	strace $0xD0000000  }
0x3: {  	_ = 	snop  }
0x4: {  	_ = 	snop  }
0x5: {  	_ = 	snop  }
0x6: {  	_ = 	snop  }
0x7: {  	_ = 	snop  }
__scs_overlays_trampoline_lowered:
0x8: {  	[smem:$0x3FAB] =	sst s0  }
0x9: {  	[smem:$0x3FAC] =	sst s1  }
0xa: {  	[smem:$0x3FAD] =	sst s2  }
0xb: {  	[smem:$0x3FAE] =	sst s3  }
0xc: {  	[smem:$0x3FAF] =	sst s4  }
0xd: {  	[smem:$0x3FB0] =	sst s5  }
0xe: {  	[smem:$0x3FB1] =	sst s6  }
0xf: {  	[smem:$0x3FB2] =	sst s7  }
0x10: {  	[smem:$0x3FB3] =	sst s8  }
0x11: {  	[smem:$0x3FB4] =	sst s9;
	s0 =	simm.s32 @!p0 $0x0  }
0x12: {  	s1 =	sld [smem:$0x3F9A];
	s0 =	simm.s32 @p0 $0x1  }
0x13: {  	[smem:$0x3FB5] =	sst s0;
	s0 =	simm.s32 @!p1 $0x0  }
0x14: {  	s2 =	sld [smem:$0x3F99];
	s0 =	simm.s32 @p1 $0x1  }
0x15: {  	[smem:$0x3FB6] =	sst s0;
	s0 =	simm.s32 @!p2 $0x0  }
0x16: {  	s3 =	sld [smem:$0x3FDB];
	s0 =	simm.s32 @p2 $0x1  }
0x17: {  	s4 =	simm.s32 $0x1BF5;
	[smem:$0x3FB8] =	sst s0  }
0x18: {  	s0 =	sld [smem:$0x3F9B];
	_ =	swait.ge [sflag:s4], $0x0  }
0x19: {  	s7 =	sld [smem:$0x3F9C]  }
0x1a: {  	s8 =	sadd.s32 $0xFFFFE003, lr  }
0x1b: {  	s9 =	sadd.s32 $0xFFFFFEF7, lr;
	s5 =	simm.s32 $0xFFFFFFFF;
	p2 =	slt.u32 s8, $0xFFFFF086  }
0x1c: {  	p1 =	slt.u32 s9, $0xF7A;
	s5 =	simm.s32 @!p2 $0x0  }
0x1d: {  	s5 =	simm.s32 @p1 $0x1;
	p0 =	seq.s32 s7, s2  }
0x1e: {  	s7 =	smul.u32 @!p0 $0xF7A, s2;
	p2 =	seq.s32 @!p0 s5, $0x0  }
0x1f: {  	s9 =	smul.u32 $0xF7A, s1;
	s8 =	simm.s32 @!p0 $0x1BF5;
	p2 =	por !p2, p0  }
0x20: {  	[sflag:s8] =	ssyncset.s32 @!p0 $0xFFFFF086;
	s6 =	sadd.s32 @!p0 s3, s7;
	s7 =	simm.s32 @!p0 $0x108  }
0x21: {  	s3 =	sadd.s32 s3, s9;
	s6 =	sadd.s32 @!p0 $0x88, s6;
	s7 =	simm.s32 @p2 $0x1082  }
0x22: {  	[simem:s7], [sflag:s8] =	dma.local @!p0 [hbm:s6], $0xF7A  }
0x23: {  	s9 =	sor.u32 $0xD0000000, s2;
	s6 =	simm.s32 $0x108;
	_ =	swait.ge @!p0 [sflag:s8], $0x0  }
0x24: {  	s3 =	sadd.s32 $0x88, s3;
	s6 =	simm.s32 @!p1 $0x1082;
	[sflag:s4] =	ssyncset.s32 $0xFFFFF086  }
0x25: {  	[simem:s6], [sflag:s4] =	dma.local [hbm:s3], $0xF7A  }
0x26: {  	[smem:$0x3F9C] =	sst s1;
	(tag) =	ssettag s2;
	_ =	strace s9  }
0x27: {  	s1 =	sld [smem:$0x3FAC]  }
0x28: {  	s2 =	sld [smem:$0x3FAD]  }
0x29: {  	s4 =	sld [smem:$0x3FAF]  }
0x2a: {  	p0 =	seq.s32 s5, $0x0;
	s5 =	sld [smem:$0x3FB0]  }
0x2b: {  	s6 =	sld [smem:$0x3FB1]  }
0x2c: {  	s7 =	sld [smem:$0x3FB2]  }
0x2d: {  	s3 =	simm.s32 $0x108;
	s8 =	sld [smem:$0x3FB3]  }
0x2e: {  	s3 =	simm.s32 @!p0 $0x1082;
	s9 =	sld [smem:$0x3FB4]  }
0x2f: {  	lr =	sadd.s32 s0, s3;
	s0 =	sld [smem:$0x3FAB]  }
0x30: {  	s3 =	sld [smem:$0x3FAE]  }
0x31: {  	[smem:$0x3FB7] =	sst s10  }
0x32: {  	s10 =	sld [smem:$0x3FB5];
	_ =	sdelay $0x3  }
0x33: {  	p0 =	seq.s32 s10, $0x1;
	s10 =	sld [smem:$0x3FB7];
	_ =	sdelay $0x3  }
0x34: {  	[smem:$0x3FB7] =	sst s10  }
0x35: {  	s10 =	sld [smem:$0x3FB6];
	_ =	sdelay $0x3  }
0x36: {  	p1 =	seq.s32 s10, $0x1;
	s10 =	sld [smem:$0x3FB7];
	_ =	sdelay $0x3  }
0x37: {  	[smem:$0x3FB7] =	sst s10  }
0x38: {  	s10 =	sld [smem:$0x3FB8]  }
0x39: {  	_ = 	snop;
	(pc) =	sbr.ind lr, $3  }
0x3a: {  	_ = 	snop  }
0x3b: {  	_ = 	snop  }
0x3c: {  	p2 =	seq.s32 s10, $0x1;
	s10 =	sld [smem:$0x3FB7]  }
0x3d: {  	_ =	shalt  }
0x3e: {  	_ =	shalt  }
0x3f: {  	_ =	shalt  }
0x40: {  	_ =	shalt  }
0x41: {  	_ =	shalt  }
0x42: {  	_ =	shalt  }
0x43: {  	_ =	shalt  }
0x44: {  	_ =	shalt  }
0x45: {  	_ =	shalt  }
0x46: {  	_ =	shalt  }
0x47: {  	_ =	shalt  }
0x48: {  	_ =	shalt  }
0x49: {  	_ =	shalt  }
0x4a: {  	_ =	shalt  }
0x4b: {  	_ =	shalt  }
0x4c: {  	_ =	shalt  }
0x4d: {  	_ =	shalt  }
0x4e: {  	_ =	shalt  }
0x4f: {  	_ =	shalt  }
0x50: {  	_ =	shalt  }
0x51: {  	_ =	shalt  }
0x52: {  	_ =	shalt  }
0x53: {  	_ =	shalt  }
0x54: {  	_ =	shalt  }
0x55: {  	_ =	shalt  }
0x56: {  	_ =	shalt  }
0x57: {  	_ =	shalt  }
0x58: {  	_ =	shalt  }
0x59: {  	_ =	shalt  }
0x5a: {  	_ =	shalt  }
0x5b: {  	_ =	shalt  }
0x5c: {  	_ =	shalt  }
0x5d: {  	_ =	shalt  }
0x5e: {  	_ =	shalt  }
0x5f: {  	_ =	shalt  }
0x60: {  	_ =	shalt  }
0x61: {  	_ =	shalt  }
0x62: {  	_ =	shalt  }
0x63: {  	_ =	shalt  }
0x64: {  	_ =	shalt  }
0x65: {  	_ =	shalt  }
0x66: {  	_ =	shalt  }
0x67: {  	_ =	shalt  }
0x68: {  	_ =	shalt  }
0x69: {  	_ =	shalt  }
0x6a: {  	_ =	shalt  }
0x6b: {  	_ =	shalt  }
0x6c: {  	_ =	shalt  }
0x6d: {  	_ =	shalt  }
0x6e: {  	_ =	shalt  }
0x6f: {  	_ =	shalt  }
0x70: {  	_ =	shalt  }
0x71: {  	_ =	shalt  }
0x72: {  	_ =	shalt  }
0x73: {  	_ =	shalt  }
0x74: {  	_ =	shalt  }
0x75: {  	_ =	shalt  }
0x76: {  	_ =	shalt  }
0x77: {  	_ =	shalt  }
0x78: {  	_ =	shalt  }
0x79: {  	_ =	shalt  }
0x7a: {  	_ =	shalt  }
0x7b: {  	_ =	shalt  }
0x7c: {  	_ =	shalt  }
0x7d: {  	_ =	shalt  }
0x7e: {  	_ =	shalt  }
0x7f: {  	_ =	shalt  }
0x80: {  	_ =	shalt  }
0x81: {  	_ =	shalt  }
0x82: {  	_ =	shalt  }
0x83: {  	_ =	shalt  }
0x84: {  	_ =	shalt  }
0x85: {  	_ =	shalt  }
0x86: {  	_ =	shalt  }
0x87: {  	_ =	shalt  }
.Lfunc_end0:
.L_simem_size_0:
called_computation.3_lowered:
.L_overlay_start_0:
0x88: {  	s2 =	sld [smem:$0x3FD9]  }
0x89: {  	s3 =	sld [smem:$0x3FFE];
	_ =	sdelay $0x1  }
0x8a: {  	s1 =	srdreg.scid  }
0x8b: {  	s0 =	sand.u32 $0x1, s1  }
0x8c: {  	s17 =	sshll.u32 s0, $0xA;
	s2 =	sadd.s32 s3, s2  }
0x8d: {  	s2 =	sadd.s32 s2, s17  }
0x8e: {  	[smem:$0x3FC3] =	sst s2  }
0x8f: {  	_ = 	snop  }
0x90: {  	s2 =	sld [smem:$0x3FD0];
	(tm) =	ssettm $0x1  }
0x91: {  	s18 =	sld [smem:$0x3FFB];
	_ =	sdelay $0x3  }
0x92: {  	_ =	strace s18  }
0x93: {  	s3 =	sld [smem:$0x3FFC];
	_ =	sdelay $0x3  }
0x94: {  	_ =	strace s3  }
0x95: {  	s3 =	sld [smem:$0x3FFD];
	_ =	sdelay $0x3  }
0x96: {  	_ =	strace s3  }
0x97: {  	_ =	strace $0x8FFFFFFF  }
0x98: {  	s19 =	sld [smem:$0x3FDB];
	_ =	sdelay $0x1  }
0x99: {  	s4 =	simm.s32 $_scs_section_size  }
0x9a: {  	s5 =	simm.s32 $_size__tile_overlayer_lowered;
	s6 =	simm.s32 $_tile_overlayer_lowered  }
0x9b: {  	s22 =	simm.s32 $0x1BFF;
	s21 =	sshll.u32 s6, $0x1;
	s3 =	sadd.s32 s4, s19  }
0x9c: {  	s7 =	simm.s32 $0x0;
	s20 =	sshll.u32 s5, $0x1;
	s5 =	sadd.s32 s21, s3  }
0x9d: {  	[timem:s7], [sflag:s22] =	dma.local [hbm:s5], s20  }
0x9e: {  	_ =	swait.ge [sflag:s22], s20  }
0x9f: {  	s4 =	ssub.s32 $0x0, s20;
	[sflag:s22] =	ssyncset.done $0x0  }
0xa0: {  	[sflag:s22] =	ssyncadd.s32 s4;
	_ =	sdelay $0x1  }
0xa1: {  	s23 =	simm.s32 $0x1B8B  }
0xa2: {  	_ =	swait.ge [sflag:s23], $0x1  }
0xa3: {  	[sflag:s23] =	ssyncset.done $0x0  }
0xa4: {  	s25 =	simm.s32 $0x1B8E;
	s24 =	sld [smem:$0x3FFE];
	[sflag:s23] =	ssyncadd.s32 $0xFFFFFFFF  }
0xa5: {  	s26 =	simm.s32 $execute0_lowered;
	[smem:$0x3FD2] =	sst s25  }
0xa6: {  	s5 =	sshll.u32 s26, $0x1;
	_ =	strace $0x8000004F;
	[dreg:$0x1] =	wrdreg $0xFFFFFFFF  }
0xa7: {  	s28 =	simm.s32 $_size_execute0_lowered;
	s3 =	sadd.s32 s3, s5;
	[dreg:$0x0] =	wrdreg $0x0  }
0xa8: {  	s5 =	sshll.u32 s28, $0x1;
	[dreg:$0x2] =	wrdreg s3  }
0xa9: {  	[dreg:$0x3] =	wrdreg s5  }
0xaa: {  	[dreg:$0x4] =	wrdreg $0xC0  }
0xab: {  	_ =	task [dreg:s7], $0x5FFFF  }
0xac: {  	[dreg:$0x1] =	wrdreg $0xFFFFFFFF  }
0xad: {  	[dreg:$0x0] =	wrdreg $0x60  }
0xae: {  	[dreg:$0x2] =	wrdreg s2  }
0xaf: {  	[dreg:$0x3] =	wrdreg s24  }
0xb0: {  	[dreg:$0x4] =	wrdreg $0x8F000  }
0xb1: {  	[dreg:$0x5] =	wrdreg $0x9  }
0xb2: {  	_ =	task.clear_ibuf [dreg:s7], $0x6FFFF;
	_ =	strace $0x9000004F  }
0xb3: {  	s29 =	simm.s32 $0x9;
	_ =	strace $0x80000051  }
0xb4: {  	_ =	swait.ge [sflag:s29], $0x1  }
0xb5: {  	[sflag:s29] =	ssyncadd.s32 $0xFFFFFFFF  }
0xb6: {  	_ =	strace $0x90000051  }
0xb7: {  	_ =	sfence  }
0xb8: {  	s30 =	sld [smem:$0x0];
	_ =	sdelay $0x2  }
0xb9: {  	s31 =	sshll.u32 s1, $0xD;
	s1 =	sshrl.u32 s1, $0x2  }
0xba: {  	s3 =	sand.u32 $0x4000, s31;
	s1 =	sadd.s32 s1, s30  }
0xbb: {  	s0 =	sor.u32 s3, s0;
	s1 =	sshll.u32 s1, $0x11  }
0xbc: {  	s0 =	sor.u32 s1, s0  }
0xbd: {  	s0 =	sadd.s32 $0x8F2B, s0  }
0xbe: {  	[sflag:s0] =	ssyncadd.remote.s32 $0x1  }
0xbf: {  	_ =	sfence.sel $0xFFFF  }
0xc0: {  	[dreg:$0x0] =	wrdreg $0xFFFFFFFF;
	(pc) =	sbr.abs _section_cstart, $3  }
0xc1: {  	[dreg:$0x1] =	wrdreg $0xFFFFFFFF  }
0xc2: {  	_ =	task.clear_ibuf [dreg:s7], $0x2FFFF;
	_ =	strace $0x9FFFFFFF  }
0xc3: {  	(tm) =	ssettm $0x7FFFFFFF  }
tec
execute0_lowered:
.L_overlay_start_1:
0x0: {  	(tag) =	ssettag $0x1  }
0x1: {  	s1 =	srdreg.scid  }
0x2: {  	s0 =	stileid.u32;
	s7 =	rddreg [dreg:$0x1]  }
0x3: {  	s17 =	simm.s32 $0x400;
	s18 =	simm.s32 $0x1;
	s19 =	simm.s32 $0x2780  }
0x4: {  	s20 =	simm.s32 $0x4F00;
	s24 =	simm.s32 $0x0;
	s11 =	smul.u32 $0x4F000, s0  }
0x5: {  	s6 =	sand.u32 $0x1, s1;
	s3 =	sshrl.u32 s0, $0x3;
	s14 =	smul.u32 $0x13C00, s0  }
0x6: {  	s1 =	rddreg [dreg:$0x0];
	s4 =	sshll.u32 s0, $0x7;
	s2 =	smul.u32 $0x27800, s6  }
0x7: {  	s13 =	sadd.s32 $0x60800, s7;
	p0 =	seq.s32 s0, $0xF;
	s5 =	smul.u32 $0x13C00, s3  }
0x8: {  	s3 =	rddreg [dreg:$0x2];
	s9 =	sand.u32 $0x380, s4;
	s4 =	simm.s32 $0x0  }
0x9: {  	s10 =	ssub.s32 $0x2, s6;
	s12 =	smul.u32 $0x138800, s6;
	s22 =	sshll.u32 @!p0 s0, $0x6  }
0xa: {  	[smem:$0x7FF] =	sst s4;
	s30 =	sshrl.u32 s10, $0x1;
	s31 =	sshrl.u32 s11, $0x2  }
0xb: {  	s21 =	sadd.s32 $0x128400, s3;
	s22 =	sor.u32 @!p0 $0x1C01, s22;
	s8 =	sadd.s32 s2, s5  }
0xc: {  	s2 =	rddreg [dreg:$0x3];
	s5 =	sor.u32 s9, s5;
	_ =	strace $0x80000050  }
0xd: {  	s15 =	ssub.s32 s10, s30;
	s14 =	sadd.s32 s14, s12;
	s16 =	sshrl.u32 s12, $0x3  }
0xe: {  	s21 =	sshrl.u32 @p0 s21, $0x3;
	s8 =	sor.u32 s9, s8;
	s5 =	sshrl.u32 s5, $0x3  }
0xf: {  	s14 =	sshrl.u32 s14, $0x3;
	s16 =	sadd.s32 s13, s16;
	s15 =	smax.u32 s15, $0x1  }
0x10: {  	s8 =	sshrl.u32 s8, $0x3;
	s29 =	sadd.s32 s5, s7;
	s5 =	sadd.s32 $0x2800, s7  }
0x11: {  	s13 =	sadd.s32 s13, s14;
	s14 =	sadd.s32 $0x25080, s16;
	s8 =	sadd.s32 s8, s7  }
0x12: {  	s16 =	simm.s32 $0x80;
	s7 =	sadd.s32 s31, s3;
	s6 =	sadd.s32 $0x56A00, s8  }
0x13: {  	s8 =	sadd.s32 $0x51A00, s29;
	s9 =	sadd.s32 $0x4000, s7;
	s10 =	sadd.s32 $0x8000, s7  }
0x14: {  	s11 =	sadd.s32 $0xC000, s7;
	s12 =	sadd.s32 $0x10000, s7;
	s23 =	sshrl.u32 @!p0 s7, $0x3  }
.LBB2_1:
0x15: {  	[tilespmem:s4], [sflag:$0x1] =	stream.strided.gather [hbm4b:s6+s16], $0x2780, s17, s16, $0x38;
	[tilespmem:$0x1CB00] =	vst v63  }
0x16: {  	_ =	swait.ge [sflag:s18], $0x2780  }
0x17: {  	[sflag:s18] =	ssyncset.done $0x0  }
0x18: {  	[sflag:s18] =	ssyncadd.s32 $0xFFFFD880  }
0x19: {  	[tilespmem:s19], [sflag:$0x1] =	stream.strided.gather [hbm4b:s8+s16], $0x2780, s17, s16, $0x38;
	[tilespmem:$0x1CB00] =	vst v63  }
0x1a: {  	_ =	swait.ge [sflag:s18], $0x2780  }
0x1b: {  	[sflag:s18] =	ssyncset.done $0x0  }
0x1c: {  	[sflag:s18] =	ssyncadd.s32 $0xFFFFD880  }
0x1d: {  	[tilespmem:s20], [sflag:$0x1] =	stream.linear.gather [hbm4b:s5+s4], $0x4000, $0x38;
	[tilespmem:$0x1CB00] =	vst v63  }
0x1e: {  	_ =	swait.ge [sflag:s18], $0x4000  }
0x1f: {  	[sflag:s18] =	ssyncset.done $0x0  }
0x20: {  	[sflag:s18] =	ssyncadd.s32 $0xFFFFC000  }
0x21: {  	[spmem:s7] =	stream.linear.scatter [tilespmem:s20], [sflag:$0x1], $0x4000, $0x38;
	[tilespmem:$0x1CB00] =	vst v63  }
0x22: {  	_ =	swait.ge [sflag:s18], $0x4000  }
0x23: {  	[sflag:s18] =	ssyncset.done $0x0  }
0x24: {  	[sflag:s18] =	ssyncadd.s32 $0xFFFFC000  }
0x25: {  	[spmem:s9] =	stream.linear.scatter [tilespmem:s20], [sflag:$0x1], $0x4000, $0x38;
	[tilespmem:$0x1CB00] =	vst v63  }
0x26: {  	_ =	swait.ge [sflag:s18], $0x4000  }
0x27: {  	[sflag:s18] =	ssyncset.done $0x0  }
0x28: {  	[sflag:s18] =	ssyncadd.s32 $0xFFFFC000  }
0x29: {  	[spmem:s10] =	stream.linear.scatter [tilespmem:s20], [sflag:$0x1], $0x4000, $0x38;
	[tilespmem:$0x1CB00] =	vst v63  }
0x2a: {  	_ =	swait.ge [sflag:s18], $0x4000  }
0x2b: {  	[sflag:s18] =	ssyncset.done $0x0  }
0x2c: {  	[sflag:s18] =	ssyncadd.s32 $0xFFFFC000  }
0x2d: {  	[spmem:s11] =	stream.linear.scatter [tilespmem:s20], [sflag:$0x1], $0x4000, $0x38;
	[tilespmem:$0x1CB00] =	vst v63  }
0x2e: {  	_ =	swait.ge [sflag:s18], $0x4000  }
0x2f: {  	[sflag:s18] =	ssyncset.done $0x0  }
0x30: {  	[sflag:s18] =	ssyncadd.s32 $0xFFFFC000  }
0x31: {  	[spmem:s12] =	stream.linear.scatter [tilespmem:s20], [sflag:$0x1], $0x3C00, $0x38;
	[tilespmem:$0x1CB00] =	vst v63  }
0x32: {  	_ =	swait.ge [sflag:s18], $0x3C00  }
0x33: {  	[sflag:s18] =	ssyncset.done $0x0  }
0x34: {  	[sflag:s18] =	ssyncadd.s32 $0xFFFFC400  }
0x35: {  	s25 =	simm.s32 $0x0;
	[bflag:$0x0] =	sbarrier.arrive $0xFFFF  }
0x36: {  	[tilespmem:s20], [sflag:$0x1] =	stream.indirect.gather [hbm4b:s1+s16], $0x80, s25, s16, $0xb8;
	[tilespmem:$0x1CB00] =	vst v63  }
0x37: {  	_ =	swait.ge [sflag:s18], $0x4000  }
0x38: {  	[sflag:s18] =	ssyncset.done $0x0  }
0x39: {  	s31 =	simm.s32 $0x2780;
	[sflag:s18] =	ssyncadd.s32 $0xFFFFC000  }
0x3a: {  	[spmem:s3] =	stream.indirect.scatter.add.f32 [tilespmem:s20], [sflag:$0x1], $0x80, s31, s16, $0xb8;
	[tilespmem:$0x1CB00] =	vst v63  }
0x3b: {  	_ =	swait.ge [sflag:s18], $0x4000  }
0x3c: {  	s26 =	simm.s32 $0x400;
	s25 =	simm.s32 $0x200;
	[sflag:s18] =	ssyncset.done $0x0  }
.LBB2_2:
0x3d: {  	s28 =	sshra.s32 s25, $0x2  }
0x3e: {  	[sflag:s18] =	ssyncadd.s32 $0xFFFFC000;
	s25 =	smov.u32 s26;
	s29 =	sadd.s32 $0x200, s26  }
0x3f: {  	[tilespmem:s20], [sflag:$0x1] =	stream.indirect.gather [hbm4b:s1+s16], $0x80, s28, s16, $0xb8;
	[tilespmem:$0x1CB00] =	vst v63  }
0x40: {  	p1 =	sne.s32 s26, $0x9C00;
	_ =	swait.ge [sflag:s18], $0x4000  }
.Ltmp0:
0x41: {  	[sflag:s18] =	ssyncset.done $0x0;
	(pc) =	sbr.rel @p1 .LBB2_2-.Ltmp0, $4  }
0x42: {  	s26 =	sadd.s32 $0x2780, s28;
	[sflag:s18] =	ssyncadd.s32 $0xFFFFC000  }
0x43: {  	[spmem:s3] =	stream.indirect.scatter.add.f32 [tilespmem:s20], [sflag:$0x1], $0x80, s26, s16, $0xb8;
	[tilespmem:$0x1CB00] =	vst v63  }
0x44: {  	_ =	swait.ge [sflag:s18], $0x4000  }
0x45: {  	s26 =	smov.u32 s29;
	[sflag:s18] =	ssyncset.done $0x0  }
0x46: {  	s25 =	sshra.s32 s25, $0x2;
	[sflag:s18] =	ssyncadd.s32 $0xFFFFC000  }
0x47: {  	[tilespmem:s20], [sflag:$0x1] =	stream.indirect.gather [hbm4b:s1+s16], $0x80, s25, s16, $0xb8;
	[tilespmem:$0x1CB00] =	vst v63  }
0x48: {  	_ =	swait.ge [sflag:s18], $0x4000  }
0x49: {  	[sflag:s18] =	ssyncset.done $0x0  }
0x4a: {  	s25 =	sadd.s32 $0x2780, s25;
	[sflag:s18] =	ssyncadd.s32 $0xFFFFC000  }
0x4b: {  	[spmem:s3] =	stream.indirect.scatter.add.f32 [tilespmem:s20], [sflag:$0x1], $0x80, s25, s16, $0xb8;
	[tilespmem:$0x1CB00] =	vst v63  }
0x4c: {  	_ =	swait.ge [sflag:s18], $0x4000  }
0x4d: {  	[sflag:s18] =	ssyncset.done $0x0  }
0x4e: {  	[sflag:s18] =	ssyncadd.s32 $0xFFFFC000  }
0x4f: {  	s25 =	simm.s32 @p0 $0x1FC1;
	[bflag:$0x0] =	sbarrier.arrive $0xFFFF  }
0x50: {  	[hbm:s14], [sflag:s25] =	dma.local @p0 [spmem:s21], $0x2080  }
0x51: {  	s25 =	simm.s32 @p0 $0x1  }
0x52: {  	s24 =	sadd.s32 $0x1, s24;
	_ =	swait.ge @p0 [sflag:s25], $0x2080  }
0x53: {  	p1 =	sne.s32 s24, s15;
	[sflag:s25] =	ssyncset.done @p0 $0x0  }
.Ltmp1:
0x54: {  	[sflag:s25] =	ssyncadd.s32 @p0 $0xFFFFDF80;
	s25 =	simm.s32 @!p0 $0x1;
	(pc) =	sbr.rel @p1 .LBB2_1-.Ltmp1, $4  }
0x55: {  	[hbm:s13], [sflag:s22] =	dma.local @!p0 [spmem:s23], $0x2780  }
0x56: {  	_ =	swait.ge @!p0 [sflag:s25], $0x2780  }
0x57: {  	[sflag:s25] =	ssyncset.done @!p0 $0x0  }
0x58: {  	[sflag:s25] =	ssyncadd.s32 @!p0 $0xFFFFD880  }
0x59: {  	_ =	sfence.sel $0x180000  }
0x5a: {  	[bflag:$0x0] =	sbarrier.arrive $0xFFFF  }
0x5b: {  	p0 =	sne.s32 s0, $0x0;
	_ =	strace $0x90000050  }
0x5c: {  	s0 =	sadd.s32 @!p0 $0x100000, s2;
	[bflag:$0x2] =	sbarrier.arrive $0xFFFF  }
0x5d: {  	[sflag:s0] =	ssyncadd.tile.s32 @!p0 $0x1;
	_ =	shalt  }
.Lfunc_end2:
_tile_overlayer_lowered:
.L_overlay_start_2:
0x5e: {  	(tag) =	ssettag $0x2  }
0x5f: {  	s0 =	rddreg [dreg:$0x0];
	s2 =	stileid.u32  }
0x60: {  	s1 =	rddreg [dreg:$0x1];
	p0 =	sne.s32 s2, $0x0  }
0x61: {  	s3 =	rddreg [dreg:$0x2];
	[bflag:$0x3] =	sbarrier.arrive $0xFFFF;
	s2 =	simm.s32 @!p0 $0x1C01  }
0x62: {  	[timem:s3], [sflag:s2] =	dma.local @!p0 [hbm:s0], s1  }
0x63: {  	s0 =	simm.s32 @!p0 $0x1  }
0x64: {  	_ =	swait.ge @!p0 [sflag:s0], s1  }
0x65: {  	s1 =	ssub.s32 @!p0 $0x0, s1;
	[sflag:s0] =	ssyncset.done @!p0 $0x0  }
0x66: {  	[sflag:s0] =	ssyncadd.s32 @!p0 s1  }
0x67: {  	[bflag:$0x3] =	sbarrier.arrive $0xFFFF  }
0x68: {  	_ =	shalt  }

</sc_bundles>
